<compile_context>
chip_gen: v7x
topology: tpu7x:2x2x1
jax: 0.10.2.dev20260603
libtpu: 0.0.44.dev20260713+nightly
codegen_flags: <defaults>
</compile_context>

<pallas_src>
import functools

import jax
import jax.numpy as jnp
import numpy as np
from jax import lax
from jax.experimental import pallas as pl
from jax.experimental.pallas import tpu as pltpu
from jax.experimental.pallas import tpu_sc as plsc

NFD = 4
MASK_ID = 1
SOS_ID = 2
EOS_ID = 3
EMB_DIM = 64
HALF = EMB_DIM // 2

_LANES = 16




def _sc_scan_body(tok_hbm, val_hbm, out_hbm, tok_v, val_v, out_v):
    info = plsc.get_sparse_core_info()
    nc = info.num_cores
    wid = lax.axis_index("s") * nc + lax.axis_index("c")
    num_workers = nc * info.num_subcores
    b_total = tok_hbm.shape[0]
    seq = tok_hbm.shape[1] // 2
    groups = b_total // _LANES
    g_per_w = groups // num_workers

    zf = jnp.zeros((_LANES,), jnp.float32)
    zi = jnp.zeros((_LANES,), jnp.int32)
    one_i = jnp.full((_LANES,), 1, jnp.int32)
    mask_i = jnp.full((_LANES,), MASK_ID, jnp.int32)
    nfd_i = jnp.full((_LANES,), NFD, jnp.int32)
    sos_i = jnp.full((_LANES,), SOS_ID, jnp.int32)
    eos_i = jnp.full((_LANES,), EOS_ID, jnp.int32)
    lane_iota = lax.iota(jnp.int32, _LANES)
    row_base = lane_iota * seq
    col_consts = [jnp.full((_LANES,), c, jnp.int32) for c in range(8)]

    for gi in range(g_per_w):
        g = wid * g_per_w + gi
        pltpu.sync_copy(tok_hbm.at[pl.ds(g * _LANES, _LANES)], tok_v)
        pltpu.sync_copy(val_hbm.at[pl.ds(g * _LANES, _LANES)], val_v)
        for i in range(2):

            def step(s, carry, i=i):
                unk, ck, ci = carry
                col_in = zi + (s * 2 + i)
                t = plsc.load_gather(tok_v, [lane_iota, col_in])
                vraw = plsc.load_gather(val_v, [lane_iota, col_in])
                special = t <= nfd_i
                tcv = jnp.where(special, t, nfd_i)
                v = jnp.where(special, zf, vraw)
                sm = special & (t != sos_i) & (t != eos_i)
                unk2 = unk | jnp.where(sm, one_i, zi)
                unkb = unk2 > zi
                ck2 = ck + v
                pk = jnp.where(unkb, zf, ck2)
                ci2 = jnp.where(sm, zf, ci + v)
                tk = jnp.where(unkb & (tcv == nfd_i), mask_i, tcv)
                row_out = row_base + s
                plsc.store_scatter(out_v, [row_out, col_consts[i * 4]], pk)
                plsc.store_scatter(out_v, [row_out, col_consts[i * 4 + 1]], ci2)
                plsc.store_scatter(
                    out_v, [row_out, col_consts[i * 4 + 2]], tk.astype(jnp.float32)
                )
                plsc.store_scatter(
                    out_v, [row_out, col_consts[i * 4 + 3]], tcv.astype(jnp.float32)
                )
                return (unk2, ck2, ci2)

            lax.fori_loop(0, seq, step, (zi, zf, zf), unroll=4)
        rows = _LANES * seq
        pltpu.sync_copy(out_v, out_hbm.at[pl.ds(g * rows, rows)])


def _sc_scan(tokens, values):
    b, seq, _ = tokens.shape
    mesh = plsc.VectorSubcoreMesh(core_axis_name="c", subcore_axis_name="s")
    fn = functools.partial(
        pl.kernel,
        mesh=mesh,
        out_type=jax.ShapeDtypeStruct((b * seq, 8), jnp.float32),
        scratch_types=[
            pltpu.VMEM((_LANES, seq * 2), jnp.int32),
            pltpu.VMEM((_LANES, seq * 2), jnp.float32),
            pltpu.VMEM((_LANES * seq, 8), jnp.float32),
        ],
        compiler_params=pltpu.CompilerParams(
            use_tc_tiling_on_sc=False, needs_layout_passes=False
        ),
    )(_sc_scan_body)
    return fn(tokens.reshape(b, seq * 2), values.reshape(b, seq * 2))




_INV2PI = 0.15915493667125702
_TWOPI = 6.2831854820251465
_S1, _S2, _S3, _S4, _S5 = (
    0.9999846160704663,
    -0.16663261875795207,
    0.008312396647128057,
    -0.0001931637862847349,
    2.1733051646932733e-06,
)
_C0, _C1, _C2, _C3, _C4 = (
    0.9999710932183866,
    -0.49983759608552286,
    0.04152230455014086,
    -0.0013441068677407103,
    1.906521608691092e-05,
)


def _fast_sincos(ang):
    n = jnp.floor(ang * _INV2PI + 0.5)
    r = ang - n * _TWOPI
    r2 = r * r
    s = r * (_S1 + r2 * (_S2 + r2 * (_S3 + r2 * (_S4 + r2 * _S5))))
    c = _C0 + r2 * (_C1 + r2 * (_C2 + r2 * (_C3 + r2 * _C4)))
    return s, c


_NOH = 4 * (NFD + 1)
_KF = 256
_KEXT = _KF + _NOH


def _tc_prep_body(ea_ref, eb_ref, wp_ref, w_ref, wx_ref, tab_ref):
    tab_ref[:, :] = jnp.zeros((_NOH, 4 * EMB_DIM), jnp.float32)
    tab_ref[0:5, 0:64] = ea_ref[:, :]
    tab_ref[5:10, 64:128] = eb_ref[:, :]
    tab_ref[10:15, 128:192] = ea_ref[:, :]
    tab_ref[15:20, 192:256] = eb_ref[:, :]
    tp = jnp.dot(tab_ref[:, :], w_ref[:, :], preferred_element_type=jnp.float32)
    wx_ref[0:_KF, :] = wp_ref[:, :].astype(jnp.bfloat16)
    wx_ref[_KF:_KEXT, :] = tp.astype(jnp.bfloat16)


def _tc_prep(emb_a, emb_b, w_p, w_t):
    proj = w_t.shape[1]
    return pl.pallas_call(
        _tc_prep_body,
        out_shape=jax.ShapeDtypeStruct((_KEXT, proj), jnp.bfloat16),
        scratch_shapes=[pltpu.VMEM((_NOH, 4 * EMB_DIM), jnp.float32)],
    )(emb_a, emb_b, w_p, w_t)


def _tc_dense_body(x_ref, wx_ref, o_ref, feats_ref, ang_ref):
    x = x_ref[:, :]

    ncol = 4 * HALF + _NOH
    colf = lax.broadcasted_iota(jnp.int32, (8, ncol), 1)
    rowi = lax.broadcasted_iota(jnp.int32, (8, ncol), 0)
    jbr = colf & 3
    kf = (colf >> 2).astype(jnp.float32)
    fr = jnp.exp(kf * jnp.float32(-np.log(10000.0) / HALF))
    rowneed = jnp.where(
        jbr == 0, 0, jnp.where(jbr == 1, 4, jnp.where(jbr == 2, 1, 5))
    )
    ohc = colf - 4 * HALF
    ohb = ohc // (NFD + 1)
    ohneed = jnp.where(
        ohb == 0, 2, jnp.where(ohb == 1, 6, jnp.where(ohb == 2, 3, 7))
    )
    sel = jnp.where(colf < 4 * HALF, rowneed, ohneed)
    coef = jnp.where(colf < 4 * HALF, fr, jnp.float32(1.0))
    fmat = jnp.where(rowi == sel, coef, jnp.float32(0.0))
    ang_hi = jnp.dot(
        x,
        fmat[:, 0:32],
        preferred_element_type=jnp.float32,
        precision=lax.Precision.HIGHEST,
    )
    anglo_oh = jnp.dot(x, fmat[:, 32:], preferred_element_type=jnp.float32)
    ang_ref[:, 0:32] = ang_hi
    ang_ref[:, 32:] = anglo_oh[:, 0 : 4 * HALF - 32]
    s_all, c_all = _fast_sincos(ang_ref[:, :])
    feats_ref[:, 0 : 4 * HALF] = s_all.astype(jnp.bfloat16)
    feats_ref[:, 4 * HALF : 8 * HALF] = c_all.astype(jnp.bfloat16)
    ridx = ohc.astype(jnp.float32)[0:1, 4 * HALF :] - (
        (NFD + 1) * ohb.astype(jnp.float32)[0:1, 4 * HALF :]
    )
    feats_ref[:, _KF:_KEXT] = jnp.where(
        anglo_oh[:, 4 * HALF - 32 :] == ridx, jnp.float32(1.0), jnp.float32(0.0)
    ).astype(jnp.bfloat16)

    o_ref[:, :] = jnp.dot(
        feats_ref[:, :], wx_ref[:, :], preferred_element_type=jnp.float32
    )


def _tc_dense(packed, wx, block_rows=2048):
    n = packed.shape[0]
    proj = wx.shape[1]
    grid = n // block_rows
    return pl.pallas_call(
        _tc_dense_body,
        grid=(grid,),
        in_specs=[
            pl.BlockSpec((block_rows, 8), lambda i: (i, 0)),
            pl.BlockSpec((_KEXT, proj), lambda i: (0, 0)),
        ],
        out_specs=pl.BlockSpec((block_rows, proj), lambda i: (i, 0)),
        out_shape=jax.ShapeDtypeStruct((n, proj), jnp.float32),
        scratch_shapes=[
            pltpu.VMEM((block_rows, _KEXT), jnp.bfloat16),
            pltpu.VMEM((block_rows, 4 * HALF), jnp.float32),
        ],
        compiler_params=pltpu.CompilerParams(
            dimension_semantics=("parallel",),
        ),
    )(packed, wx)




def kernel(tokens, values, emb_a, emb_b, proj_w):
    b, s = tokens.shape[:2]
    packed = _sc_scan(tokens, values)
    w_t = proj_w.T
    w_p = (
        w_t.reshape(4, 2, HALF, -1)
        .transpose(1, 2, 0, 3)
        .reshape(4 * EMB_DIM, -1)
    )
    wx = _tc_prep(emb_a, emb_b, w_p, w_t)
    out = _tc_dense(packed, wx)
    return out.reshape(b, s, proj_w.shape[0])

# --- scband reference (transcript-rebuilt; emitter-appended) ---
"""Pipeline reference for scband-position-tuple-transformer-embeddings-24489903521913 (READ-ONLY COPY).

The authoritative reference and input builder live on the scoring server;
editing this copy changes nothing except your own understanding.
"""

import jax, jax.numpy as jnp
import numpy as np

TOKEN_DIMS = np.array([0, 1])
NFD = 4
MASK_ID = 1
SOS_ID = 2
EOS_ID = 3
B, S = 1024, 200
EMB_DIM = 64
PROJ_DIM = 512


def complex_log(x, eps=1e-06):
    real = jnp.log(jnp.maximum(jnp.abs(x), eps))
    imag = (x < 0).astype(x.dtype) * jnp.pi
    return jax.lax.complex(real, imag)


def associative_scan(values, coeffs, axis=1, decimals=4):
    log_values = complex_log(values.astype(jnp.float32))
    log_coeffs = complex_log(coeffs.astype(jnp.float32))
    a_star = jnp.cumsum(log_coeffs, axis=axis)

    def logaddexp_c(a, b):
        m = jnp.maximum(a.real, b.real)
        return jnp.log(jnp.exp(a - m) + jnp.exp(b - m)) + m

    log_x0_plus_b = jax.lax.associative_scan(logaddexp_c, log_values - a_star, axis=axis)
    x = jnp.exp(a_star + log_x0_plus_b).real
    return jnp.round(x, decimals)


def sinusoidal(values, dim):
    half = dim // 2
    freqs = jnp.exp(-jnp.log(jnp.float32(10000.0)) * jnp.arange(half, dtype=jnp.float32) / half)
    ang = values[..., None] * freqs
    return jnp.concatenate([jnp.sin(ang), jnp.cos(ang)], axis=-1)


def disc_sin_emb(table, idx, vals):
    return jnp.take(table, idx, axis=0) + sinusoidal(vals, table.shape[-1])


def _forward(tokens, values, emb_a, emb_b, proj_w):
    tokens = tokens[..., TOKEN_DIMS]
    values = values[..., TOKEN_DIMS]
    special_mask = tokens <= NFD
    tokens = jnp.where(special_mask, tokens, NFD)
    values = jnp.where(special_mask, jnp.float32(0.0), values)
    special_mask = special_mask & (tokens != SOS_ID) & (tokens != EOS_ID)
    tables = (emb_a, emb_b)
    embs = []
    # prefix branch
    unknown_mask = jnp.cumsum(special_mask.astype(jnp.int32), axis=1) > 0
    pos_known = jnp.cumsum(values, axis=1)
    pos_known = jnp.where(unknown_mask, jnp.float32(0.0), pos_known)
    tokens_known = jnp.where(unknown_mask & (tokens == NFD), MASK_ID, tokens)
    for i in range(2):
        embs.append(disc_sin_emb(tables[i], tokens_known[..., i], pos_known[..., i]))
    # interval branch
    pos_interval = associative_scan(values, (~special_mask).astype(jnp.float32), axis=1)
    for i in range(2):
        embs.append(disc_sin_emb(tables[i], tokens[..., i], pos_interval[..., i]))
    total = jnp.concatenate(embs, axis=-1)
    return total @ proj_w.T


def setup_inputs(seed: int = 0):
    key = jax.random.key(seed)
    ks = jax.random.split(key, 5)
    tokens = jax.random.randint(ks[0], (B, S, 2), 0, 100)
    values = jax.random.uniform(ks[1], (B, S, 2), dtype=jnp.float32)
    emb_a = (jax.random.normal(ks[2], (NFD + 1, EMB_DIM), dtype=jnp.float32) * 0.02).at[0].set(0.0)
    emb_b = (jax.random.normal(ks[3], (NFD + 1, EMB_DIM), dtype=jnp.float32) * 0.02).at[0].set(0.0)
    proj_w = jax.random.normal(ks[4], (PROJ_DIM, 4 * EMB_DIM), dtype=jnp.float32) * 0.01
    return {"tokens": tokens, "values": values, "emb_a": emb_a, "emb_b": emb_b, "proj_w": proj_w}


def reference(tokens, values, emb_a, emb_b, proj_w):
    return _forward(tokens, values, emb_a, emb_b, proj_w)

if __name__ == "__main__":
    import jax
    _d = setup_inputs()
    print(jax.jit(kernel)(*tuple(_d.values())))

</pallas_src>

<mosaic_0001>
#map = affine_map<(d0, d1) -> (0, 0)>
module attributes {stable_mosaic.version = 14 : i64} {
  func.func @_sc_scan_body(%arg0: i32, %arg1: i32, %arg2: memref<1024x400xi32, #tpu.memory_space<hbm>>, %arg3: memref<1024x400xf32, #tpu.memory_space<hbm>>, %arg4: memref<204800x8xf32, #tpu.memory_space<hbm>>, %arg5: memref<16x400xi32, #tpu.memory_space<vmem>>, %arg6: memref<16x400xf32, #tpu.memory_space<vmem>>, %arg7: memref<3200x8xf32, #tpu.memory_space<vmem>>) attributes {dimension_semantics = [#tpu.dimension_semantics<core_parallel>, #tpu.dimension_semantics<subcore_parallel>], iteration_bounds = array<i64: 2, 16>, scalar_prefetch = 0 : i64, scratch_operands = 3 : i64, tpu.core_type = #tpu.core_type<sc_vector_subcore>, window_params = [{transform_indices = #map}, {transform_indices = #map}, {transform_indices = #map}]} {
    %mul3A = arith.constant 2 : i32
    %mul3A_0 = arith.muli %arg1, %mul3A : i32
    %add3A = arith.addi %mul3A_0, %arg0 : i32
    %broadcast_in_dim3A = arith.constant 0.000000e+00 : f32
    %broadcast_in_dim3A_1 = vector.broadcast %broadcast_in_dim3A : f32 to vector<16xf32>
    %broadcast_in_dim3A_2 = arith.constant 0 : i32
    %broadcast_in_dim3A_3 = vector.broadcast %broadcast_in_dim3A_2 : i32 to vector<16xi32>
    %broadcast_in_dim3A_4 = arith.constant 1 : i32
    %broadcast_in_dim3A_5 = vector.broadcast %broadcast_in_dim3A_4 : i32 to vector<16xi32>
    %broadcast_in_dim3A_6 = arith.constant 1 : i32
    %broadcast_in_dim3A_7 = vector.broadcast %broadcast_in_dim3A_6 : i32 to vector<16xi32>
    %broadcast_in_dim3A_8 = arith.constant 4 : i32
    %broadcast_in_dim3A_9 = vector.broadcast %broadcast_in_dim3A_8 : i32 to vector<16xi32>
    %broadcast_in_dim3A_10 = arith.constant 2 : i32
    %broadcast_in_dim3A_11 = vector.broadcast %broadcast_in_dim3A_10 : i32 to vector<16xi32>
    %broadcast_in_dim3A_12 = arith.constant 3 : i32
    %broadcast_in_dim3A_13 = vector.broadcast %broadcast_in_dim3A_12 : i32 to vector<16xi32>
    %iota3A = tpu.iota {dimensions = array<i32: 0>} : vector<16xi32>
    %mul3A_14 = arith.constant 200 : i32
    %mul3A_15 = vector.broadcast %mul3A_14 : i32 to vector<16xi32>
    %mul3A_16 = arith.muli %iota3A, %mul3A_15 : vector<16xi32>
    %broadcast_in_dim3A_17 = arith.constant 0 : i32
    %broadcast_in_dim3A_18 = vector.broadcast %broadcast_in_dim3A_17 : i32 to vector<16xi32>
    %broadcast_in_dim3A_19 = arith.constant 1 : i32
    %broadcast_in_dim3A_20 = vector.broadcast %broadcast_in_dim3A_19 : i32 to vector<16xi32>
    %broadcast_in_dim3A_21 = arith.constant 2 : i32
    %broadcast_in_dim3A_22 = vector.broadcast %broadcast_in_dim3A_21 : i32 to vector<16xi32>
    %broadcast_in_dim3A_23 = arith.constant 3 : i32
    %broadcast_in_dim3A_24 = vector.broadcast %broadcast_in_dim3A_23 : i32 to vector<16xi32>
    %broadcast_in_dim3A_25 = arith.constant 4 : i32
    %broadcast_in_dim3A_26 = vector.broadcast %broadcast_in_dim3A_25 : i32 to vector<16xi32>
    %broadcast_in_dim3A_27 = arith.constant 5 : i32
    %broadcast_in_dim3A_28 = vector.broadcast %broadcast_in_dim3A_27 : i32 to vector<16xi32>
    %broadcast_in_dim3A_29 = arith.constant 6 : i32
    %broadcast_in_dim3A_30 = vector.broadcast %broadcast_in_dim3A_29 : i32 to vector<16xi32>
    %broadcast_in_dim3A_31 = arith.constant 7 : i32
    %broadcast_in_dim3A_32 = vector.broadcast %broadcast_in_dim3A_31 : i32 to vector<16xi32>
    %mul3A_33 = arith.constant 2 : i32
    %mul3A_34 = arith.muli %add3A, %mul3A_33 : i32
    %add3A_35 = arith.constant 0 : i32
    %add3A_36 = arith.addi %mul3A_34, %add3A_35 : i32
    %mul3A_37 = arith.constant 16 : i32
    %mul3A_38 = arith.muli %add3A_36, %mul3A_37 : i32
    "tpu.region"() ({
      %run_scoped3A = tpu.sem_alloc : memref<!tpu.dma_semaphore, #tpu.memory_space<semaphore_mem>>
      %dma_start3A = arith.constant 0 : i32
      %dma_start3A_76 = tpu.memref_slice %arg2[%mul3A_38, %dma_start3A] : memref<1024x400xi32, #tpu.memory_space<hbm>> -> memref<16x400xi32, #tpu.memory_space<hbm>>
      %dma_start3A_77 = arith.constant 0 : i32
      %dma_start3A_78 = tpu.memref_slice %arg2[%mul3A_38, %dma_start3A_77] : memref<1024x400xi32, #tpu.memory_space<hbm>> -> memref<16x400xi32, #tpu.memory_space<hbm>>
      tpu.enqueue_dma source(%dma_start3A_78 : memref<16x400xi32, #tpu.memory_space<hbm>>) target(%arg5 : memref<16x400xi32, #tpu.memory_space<vmem>>) target_semaphore(%run_scoped3A : memref<!tpu.dma_semaphore, #tpu.memory_space<semaphore_mem>>)
      %dma_wait3A = arith.constant 0 : i32
      %dma_wait3A_79 = tpu.memref_slice %arg2[%mul3A_38, %dma_wait3A] : memref<1024x400xi32, #tpu.memory_space<hbm>> -> memref<16x400xi32, #tpu.memory_space<hbm>>
      %dma_wait3A_80 = arith.constant 0 : i32
      %dma_wait3A_81 = tpu.memref_slice %arg2[%mul3A_38, %dma_wait3A_80] : memref<1024x400xi32, #tpu.memory_space<hbm>> -> memref<16x400xi32, #tpu.memory_space<hbm>>
      tpu.wait_dma2 semaphore(%run_scoped3A : memref<!tpu.dma_semaphore, #tpu.memory_space<semaphore_mem>>) src(%dma_wait3A_81 : memref<16x400xi32, #tpu.memory_space<hbm>>) dst(%arg5 : memref<16x400xi32, #tpu.memory_space<vmem>>)
      tpu.yield
    }) : () -> ()
    %mul3A_39 = arith.constant 16 : i32
    %mul3A_40 = arith.muli %add3A_36, %mul3A_39 : i32
    "tpu.region"() ({
      %run_scoped3A = tpu.sem_alloc : memref<!tpu.dma_semaphore, #tpu.memory_space<semaphore_mem>>
      %dma_start3A = arith.constant 0 : i32
      %dma_start3A_76 = tpu.memref_slice %arg3[%mul3A_40, %dma_start3A] : memref<1024x400xf32, #tpu.memory_space<hbm>> -> memref<16x400xf32, #tpu.memory_space<hbm>>
      %dma_start3A_77 = arith.constant 0 : i32
      %dma_start3A_78 = tpu.memref_slice %arg3[%mul3A_40, %dma_start3A_77] : memref<1024x400xf32, #tpu.memory_space<hbm>> -> memref<16x400xf32, #tpu.memory_space<hbm>>
      tpu.enqueue_dma source(%dma_start3A_78 : memref<16x400xf32, #tpu.memory_space<hbm>>) target(%arg6 : memref<16x400xf32, #tpu.memory_space<vmem>>) target_semaphore(%run_scoped3A : memref<!tpu.dma_semaphore, #tpu.memory_space<semaphore_mem>>)
      %dma_wait3A = arith.constant 0 : i32
      %dma_wait3A_79 = tpu.memref_slice %arg3[%mul3A_40, %dma_wait3A] : memref<1024x400xf32, #tpu.memory_space<hbm>> -> memref<16x400xf32, #tpu.memory_space<hbm>>
      %dma_wait3A_80 = arith.constant 0 : i32
      %dma_wait3A_81 = tpu.memref_slice %arg3[%mul3A_40, %dma_wait3A_80] : memref<1024x400xf32, #tpu.memory_space<hbm>> -> memref<16x400xf32, #tpu.memory_space<hbm>>
      tpu.wait_dma2 semaphore(%run_scoped3A : memref<!tpu.dma_semaphore, #tpu.memory_space<semaphore_mem>>) src(%dma_wait3A_81 : memref<16x400xf32, #tpu.memory_space<hbm>>) dst(%arg6 : memref<16x400xf32, #tpu.memory_space<vmem>>)
      tpu.yield
    }) : () -> ()
    %scan3A = arith.constant 0 : i32
    %scan3A_41 = arith.constant 200 : i32
    %scan3A_42 = arith.addi %scan3A, %scan3A_41 : i32
    %scan3A_43 = arith.constant 4 : i32
    %scan3A_44:3 = scf.for %scan3A_76 = %scan3A to %scan3A_42 step %scan3A_43 iter_args(%scan3A_77 = %broadcast_in_dim3A_3, %scan3A_78 = %broadcast_in_dim3A_1, %scan3A_79 = %broadcast_in_dim3A_1) -> (vector<16xi32>, vector<16xf32>, vector<16xf32>)  : i32 {
      %mul3A_80 = arith.constant 2 : i32
      %mul3A_81 = arith.muli %scan3A_76, %mul3A_80 : i32
      %add3A_82 = arith.constant 0 : i32
      %add3A_83 = arith.addi %mul3A_81, %add3A_82 : i32
      %add3A_84 = vector.broadcast %add3A_83 : i32 to vector<16xi32>
      %add3A_85 = arith.addi %broadcast_in_dim3A_3, %add3A_84 : vector<16xi32>
      %gather3A = tpu.vector_load_idx %arg5[%iota3A, %add3A_85] : memref<16x400xi32, #tpu.memory_space<vmem>>[vector<16xi32>, vector<16xi32>], vector<16xi32>,
      %gather3A_86 = tpu.vector_load_idx %arg6[%iota3A, %add3A_85] : memref<16x400xf32, #tpu.memory_space<vmem>>[vector<16xi32>, vector<16xi32>], vector<16xf32>,
      %le3A = arith.cmpi sle, %gather3A, %broadcast_in_dim3A_9 : vector<16xi32>
      %select_n3A = arith.select %le3A, %gather3A, %broadcast_in_dim3A_9 : vector<16xi1>, vector<16xi32>
      %select_n3A_87 = arith.select %le3A, %broadcast_in_dim3A_1, %gather3A_86 : vector<16xi1>, vector<16xf32>
      %ne3A = arith.cmpi ne, %gather3A, %broadcast_in_dim3A_11 : vector<16xi32>
      %and3A = arith.andi %le3A, %ne3A : vector<16xi1>
      %ne3A_88 = arith.cmpi ne, %gather3A, %broadcast_in_dim3A_13 : vector<16xi32>
      %and3A_89 = arith.andi %and3A, %ne3A_88 : vector<16xi1>
      %select_n3A_90 = arith.select %and3A_89, %broadcast_in_dim3A_5, %broadcast_in_dim3A_3 : vector<16xi1>, vector<16xi32>
      %or3A = arith.ori %scan3A_77, %select_n3A_90 : vector<16xi32>
      %gt3A = arith.cmpi sgt, %or3A, %broadcast_in_dim3A_3 : vector<16xi32>
      %add3A_91 = arith.addf %scan3A_78, %select_n3A_87 : vector<16xf32>
      %select_n3A_92 = arith.select %gt3A, %broadcast_in_dim3A_1, %add3A_91 : vector<16xi1>, vector<16xf32>
      %add3A_93 = arith.addf %scan3A_79, %select_n3A_87 : vector<16xf32>
      %select_n3A_94 = arith.select %and3A_89, %broadcast_in_dim3A_1, %add3A_93 : vector<16xi1>, vector<16xf32>
      %eq3A = arith.cmpi eq, %select_n3A, %broadcast_in_dim3A_9 : vector<16xi32>
      %and3A_95 = arith.andi %gt3A, %eq3A : vector<16xi1>
      %select_n3A_96 = arith.select %and3A_95, %broadcast_in_dim3A_7, %select_n3A : vector<16xi1>, vector<16xi32>
      %add3A_97 = vector.broadcast %scan3A_76 : i32 to vector<16xi32>
      %add3A_98 = arith.addi %mul3A_16, %add3A_97 : vector<16xi32>
      tpu.vector_store_idx %arg7[%add3A_98, %broadcast_in_dim3A_18], %select_n3A_92 : memref<3200x8xf32, #tpu.memory_space<vmem>>[vector<16xi32>, vector<16xi32>], vector<16xf32>,
      tpu.vector_store_idx %arg7[%add3A_98, %broadcast_in_dim3A_20], %select_n3A_94 : memref<3200x8xf32, #tpu.memory_space<vmem>>[vector<16xi32>, vector<16xi32>], vector<16xf32>,
      %convert_element_type3A = arith.sitofp %select_n3A_96 : vector<16xi32> to vector<16xf32>
      tpu.vector_store_idx %arg7[%add3A_98, %broadcast_in_dim3A_22], %convert_element_type3A : memref<3200x8xf32, #tpu.memory_space<vmem>>[vector<16xi32>, vector<16xi32>], vector<16xf32>,
      %convert_element_type3A_99 = arith.sitofp %select_n3A : vector<16xi32> to vector<16xf32>
      tpu.vector_store_idx %arg7[%add3A_98, %broadcast_in_dim3A_24], %convert_element_type3A_99 : memref<3200x8xf32, #tpu.memory_space<vmem>>[vector<16xi32>, vector<16xi32>], vector<16xf32>,
      %scan3A_100 = arith.constant 1 : i32
      %scan3A_101 = arith.addi %scan3A_76, %scan3A_100 : i32
      %mul3A_102 = arith.constant 2 : i32
      %mul3A_103 = arith.muli %scan3A_101, %mul3A_102 : i32
      %add3A_104 = arith.constant 0 : i32
      %add3A_105 = arith.addi %mul3A_103, %add3A_104 : i32
      %add3A_106 = vector.broadcast %add3A_105 : i32 to vector<16xi32>
      %add3A_107 = arith.addi %broadcast_in_dim3A_3, %add3A_106 : vector<16xi32>
      %gather3A_108 = tpu.vector_load_idx %arg5[%iota3A, %add3A_107] : memref<16x400xi32, #tpu.memory_space<vmem>>[vector<16xi32>, vector<16xi32>], vector<16xi32>,
      %gather3A_109 = tpu.vector_load_idx %arg6[%iota3A, %add3A_107] : memref<16x400xf32, #tpu.memory_space<vmem>>[vector<16xi32>, vector<16xi32>], vector<16xf32>,
      %le3A_110 = arith.cmpi sle, %gather3A_108, %broadcast_in_dim3A_9 : vector<16xi32>
      %select_n3A_111 = arith.select %le3A_110, %gather3A_108, %broadcast_in_dim3A_9 : vector<16xi1>, vector<16xi32>
      %select_n3A_112 = arith.select %le3A_110, %broadcast_in_dim3A_1, %gather3A_109 : vector<16xi1>, vector<16xf32>
      %ne3A_113 = arith.cmpi ne, %gather3A_108, %broadcast_in_dim3A_11 : vector<16xi32>
      %and3A_114 = arith.andi %le3A_110, %ne3A_113 : vector<16xi1>
      %ne3A_115 = arith.cmpi ne, %gather3A_108, %broadcast_in_dim3A_13 : vector<16xi32>
      %and3A_116 = arith.andi %and3A_114, %ne3A_115 : vector<16xi1>
      %select_n3A_117 = arith.select %and3A_116, %broadcast_in_dim3A_5, %broadcast_in_dim3A_3 : vector<16xi1>, vector<16xi32>
      %or3A_118 = arith.ori %or3A, %select_n3A_117 : vector<16xi32>
      %gt3A_119 = arith.cmpi sgt, %or3A_118, %broadcast_in_dim3A_3 : vector<16xi32>
      %add3A_120 = arith.addf %add3A_91, %select_n3A_112 : vector<16xf32>
      %select_n3A_121 = arith.select %gt3A_119, %broadcast_in_dim3A_1, %add3A_120 : vector<16xi1>, vector<16xf32>
      %add3A_122 = arith.addf %select_n3A_94, %select_n3A_112 : vector<16xf32>
      %select_n3A_123 = arith.select %and3A_116, %broadcast_in_dim3A_1, %add3A_122 : vector<16xi1>, vector<16xf32>
      %eq3A_124 = arith.cmpi eq, %select_n3A_111, %broadcast_in_dim3A_9 : vector<16xi32>
      %and3A_125 = arith.andi %gt3A_119, %eq3A_124 : vector<16xi1>
      %select_n3A_126 = arith.select %and3A_125, %broadcast_in_dim3A_7, %select_n3A_111 : vector<16xi1>, vector<16xi32>
      %add3A_127 = vector.broadcast %scan3A_101 : i32 to vector<16xi32>
      %add3A_128 = arith.addi %mul3A_16, %add3A_127 : vector<16xi32>
      tpu.vector_store_idx %arg7[%add3A_128, %broadcast_in_dim3A_18], %select_n3A_121 : memref<3200x8xf32, #tpu.memory_space<vmem>>[vector<16xi32>, vector<16xi32>], vector<16xf32>,
      tpu.vector_store_idx %arg7[%add3A_128, %broadcast_in_dim3A_20], %select_n3A_123 : memref<3200x8xf32, #tpu.memory_space<vmem>>[vector<16xi32>, vector<16xi32>], vector<16xf32>,
      %convert_element_type3A_129 = arith.sitofp %select_n3A_126 : vector<16xi32> to vector<16xf32>
      tpu.vector_store_idx %arg7[%add3A_128, %broadcast_in_dim3A_22], %convert_element_type3A_129 : memref<3200x8xf32, #tpu.memory_space<vmem>>[vector<16xi32>, vector<16xi32>], vector<16xf32>,
      %convert_element_type3A_130 = arith.sitofp %select_n3A_111 : vector<16xi32> to vector<16xf32>
      tpu.vector_store_idx %arg7[%add3A_128, %broadcast_in_dim3A_24], %convert_element_type3A_130 : memref<3200x8xf32, #tpu.memory_space<vmem>>[vector<16xi32>, vector<16xi32>], vector<16xf32>,
      %scan3A_131 = arith.constant 2 : i32
      %scan3A_132 = arith.addi %scan3A_76, %scan3A_131 : i32
      %mul3A_133 = arith.constant 2 : i32
      %mul3A_134 = arith.muli %scan3A_132, %mul3A_133 : i32
      %add3A_135 = arith.constant 0 : i32
      %add3A_136 = arith.addi %mul3A_134, %add3A_135 : i32
      %add3A_137 = vector.broadcast %add3A_136 : i32 to vector<16xi32>
      %add3A_138 = arith.addi %broadcast_in_dim3A_3, %add3A_137 : vector<16xi32>
      %gather3A_139 = tpu.vector_load_idx %arg5[%iota3A, %add3A_138] : memref<16x400xi32, #tpu.memory_space<vmem>>[vector<16xi32>, vector<16xi32>], vector<16xi32>,
      %gather3A_140 = tpu.vector_load_idx %arg6[%iota3A, %add3A_138] : memref<16x400xf32, #tpu.memory_space<vmem>>[vector<16xi32>, vector<16xi32>], vector<16xf32>,
      %le3A_141 = arith.cmpi sle, %gather3A_139, %broadcast_in_dim3A_9 : vector<16xi32>
      %select_n3A_142 = arith.select %le3A_141, %gather3A_139, %broadcast_in_dim3A_9 : vector<16xi1>, vector<16xi32>
      %select_n3A_143 = arith.select %le3A_141, %broadcast_in_dim3A_1, %gather3A_140 : vector<16xi1>, vector<16xf32>
      %ne3A_144 = arith.cmpi ne, %gather3A_139, %broadcast_in_dim3A_11 : vector<16xi32>
      %and3A_145 = arith.andi %le3A_141, %ne3A_144 : vector<16xi1>
      %ne3A_146 = arith.cmpi ne, %gather3A_139, %broadcast_in_dim3A_13 : vector<16xi32>
      %and3A_147 = arith.andi %and3A_145, %ne3A_146 : vector<16xi1>
      %select_n3A_148 = arith.select %and3A_147, %broadcast_in_dim3A_5, %broadcast_in_dim3A_3 : vector<16xi1>, vector<16xi32>
      %or3A_149 = arith.ori %or3A_118, %select_n3A_148 : vector<16xi32>
      %gt3A_150 = arith.cmpi sgt, %or3A_149, %broadcast_in_dim3A_3 : vector<16xi32>
      %add3A_151 = arith.addf %add3A_120, %select_n3A_143 : vector<16xf32>
      %select_n3A_152 = arith.select %gt3A_150, %broadcast_in_dim3A_1, %add3A_151 : vector<16xi1>, vector<16xf32>
      %add3A_153 = arith.addf %select_n3A_123, %select_n3A_143 : vector<16xf32>
      %select_n3A_154 = arith.select %and3A_147, %broadcast_in_dim3A_1, %add3A_153 : vector<16xi1>, vector<16xf32>
      %eq3A_155 = arith.cmpi eq, %select_n3A_142, %broadcast_in_dim3A_9 : vector<16xi32>
      %and3A_156 = arith.andi %gt3A_150, %eq3A_155 : vector<16xi1>
      %select_n3A_157 = arith.select %and3A_156, %broadcast_in_dim3A_7, %select_n3A_142 : vector<16xi1>, vector<16xi32>
      %add3A_158 = vector.broadcast %scan3A_132 : i32 to vector<16xi32>
      %add3A_159 = arith.addi %mul3A_16, %add3A_158 : vector<16xi32>
      tpu.vector_store_idx %arg7[%add3A_159, %broadcast_in_dim3A_18], %select_n3A_152 : memref<3200x8xf32, #tpu.memory_space<vmem>>[vector<16xi32>, vector<16xi32>], vector<16xf32>,
      tpu.vector_store_idx %arg7[%add3A_159, %broadcast_in_dim3A_20], %select_n3A_154 : memref<3200x8xf32, #tpu.memory_space<vmem>>[vector<16xi32>, vector<16xi32>], vector<16xf32>,
      %convert_element_type3A_160 = arith.sitofp %select_n3A_157 : vector<16xi32> to vector<16xf32>
      tpu.vector_store_idx %arg7[%add3A_159, %broadcast_in_dim3A_22], %convert_element_type3A_160 : memref<3200x8xf32, #tpu.memory_space<vmem>>[vector<16xi32>, vector<16xi32>], vector<16xf32>,
      %convert_element_type3A_161 = arith.sitofp %select_n3A_142 : vector<16xi32> to vector<16xf32>
      tpu.vector_store_idx %arg7[%add3A_159, %broadcast_in_dim3A_24], %convert_element_type3A_161 : memref<3200x8xf32, #tpu.memory_space<vmem>>[vector<16xi32>, vector<16xi32>], vector<16xf32>,
      %scan3A_162 = arith.constant 3 : i32
      %scan3A_163 = arith.addi %scan3A_76, %scan3A_162 : i32
      %mul3A_164 = arith.constant 2 : i32
      %mul3A_165 = arith.muli %scan3A_163, %mul3A_164 : i32
      %add3A_166 = arith.constant 0 : i32
      %add3A_167 = arith.addi %mul3A_165, %add3A_166 : i32
      %add3A_168 = vector.broadcast %add3A_167 : i32 to vector<16xi32>
      %add3A_169 = arith.addi %broadcast_in_dim3A_3, %add3A_168 : vector<16xi32>
      %gather3A_170 = tpu.vector_load_idx %arg5[%iota3A, %add3A_169] : memref<16x400xi32, #tpu.memory_space<vmem>>[vector<16xi32>, vector<16xi32>], vector<16xi32>,
      %gather3A_171 = tpu.vector_load_idx %arg6[%iota3A, %add3A_169] : memref<16x400xf32, #tpu.memory_space<vmem>>[vector<16xi32>, vector<16xi32>], vector<16xf32>,
      %le3A_172 = arith.cmpi sle, %gather3A_170, %broadcast_in_dim3A_9 : vector<16xi32>
      %select_n3A_173 = arith.select %le3A_172, %gather3A_170, %broadcast_in_dim3A_9 : vector<16xi1>, vector<16xi32>
      %select_n3A_174 = arith.select %le3A_172, %broadcast_in_dim3A_1, %gather3A_171 : vector<16xi1>, vector<16xf32>
      %ne3A_175 = arith.cmpi ne, %gather3A_170, %broadcast_in_dim3A_11 : vector<16xi32>
      %and3A_176 = arith.andi %le3A_172, %ne3A_175 : vector<16xi1>
      %ne3A_177 = arith.cmpi ne, %gather3A_170, %broadcast_in_dim3A_13 : vector<16xi32>
      %and3A_178 = arith.andi %and3A_176, %ne3A_177 : vector<16xi1>
      %select_n3A_179 = arith.select %and3A_178, %broadcast_in_dim3A_5, %broadcast_in_dim3A_3 : vector<16xi1>, vector<16xi32>
      %or3A_180 = arith.ori %or3A_149, %select_n3A_179 : vector<16xi32>
      %gt3A_181 = arith.cmpi sgt, %or3A_180, %broadcast_in_dim3A_3 : vector<16xi32>
      %add3A_182 = arith.addf %add3A_151, %select_n3A_174 : vector<16xf32>
      %select_n3A_183 = arith.select %gt3A_181, %broadcast_in_dim3A_1, %add3A_182 : vector<16xi1>, vector<16xf32>
      %add3A_184 = arith.addf %select_n3A_154, %select_n3A_174 : vector<16xf32>
      %select_n3A_185 = arith.select %and3A_178, %broadcast_in_dim3A_1, %add3A_184 : vector<16xi1>, vector<16xf32>
      %eq3A_186 = arith.cmpi eq, %select_n3A_173, %broadcast_in_dim3A_9 : vector<16xi32>
      %and3A_187 = arith.andi %gt3A_181, %eq3A_186 : vector<16xi1>
      %select_n3A_188 = arith.select %and3A_187, %broadcast_in_dim3A_7, %select_n3A_173 : vector<16xi1>, vector<16xi32>
      %add3A_189 = vector.broadcast %scan3A_163 : i32 to vector<16xi32>
      %add3A_190 = arith.addi %mul3A_16, %add3A_189 : vector<16xi32>
      tpu.vector_store_idx %arg7[%add3A_190, %broadcast_in_dim3A_18], %select_n3A_183 : memref<3200x8xf32, #tpu.memory_space<vmem>>[vector<16xi32>, vector<16xi32>], vector<16xf32>,
      tpu.vector_store_idx %arg7[%add3A_190, %broadcast_in_dim3A_20], %select_n3A_185 : memref<3200x8xf32, #tpu.memory_space<vmem>>[vector<16xi32>, vector<16xi32>], vector<16xf32>,
      %convert_element_type3A_191 = arith.sitofp %select_n3A_188 : vector<16xi32> to vector<16xf32>
      tpu.vector_store_idx %arg7[%add3A_190, %broadcast_in_dim3A_22], %convert_element_type3A_191 : memref<3200x8xf32, #tpu.memory_space<vmem>>[vector<16xi32>, vector<16xi32>], vector<16xf32>,
      %convert_element_type3A_192 = arith.sitofp %select_n3A_173 : vector<16xi32> to vector<16xf32>
      tpu.vector_store_idx %arg7[%add3A_190, %broadcast_in_dim3A_24], %convert_element_type3A_192 : memref<3200x8xf32, #tpu.memory_space<vmem>>[vector<16xi32>, vector<16xi32>], vector<16xf32>,
      scf.yield %or3A_180, %add3A_182, %select_n3A_185 : vector<16xi32>, vector<16xf32>, vector<16xf32>
    }
    %scan3A_45 = arith.constant 200 : i32
    %scan3A_46 = arith.constant 0 : i32
    %scan3A_47 = arith.constant 200 : i32
    %scan3A_48 = arith.addi %scan3A_46, %scan3A_47 : i32
    %scan3A_49 = arith.constant 4 : i32
    %scan3A_50:3 = scf.for %scan3A_76 = %scan3A_46 to %scan3A_48 step %scan3A_49 iter_args(%scan3A_77 = %broadcast_in_dim3A_3, %scan3A_78 = %broadcast_in_dim3A_1, %scan3A_79 = %broadcast_in_dim3A_1) -> (vector<16xi32>, vector<16xf32>, vector<16xf32>)  : i32 {
      %mul3A_80 = arith.constant 2 : i32
      %mul3A_81 = arith.muli %scan3A_76, %mul3A_80 : i32
      %add3A_82 = arith.constant 1 : i32
      %add3A_83 = arith.addi %mul3A_81, %add3A_82 : i32
      %add3A_84 = vector.broadcast %add3A_83 : i32 to vector<16xi32>
      %add3A_85 = arith.addi %broadcast_in_dim3A_3, %add3A_84 : vector<16xi32>
      %gather3A = tpu.vector_load_idx %arg5[%iota3A, %add3A_85] : memref<16x400xi32, #tpu.memory_space<vmem>>[vector<16xi32>, vector<16xi32>], vector<16xi32>,
      %gather3A_86 = tpu.vector_load_idx %arg6[%iota3A, %add3A_85] : memref<16x400xf32, #tpu.memory_space<vmem>>[vector<16xi32>, vector<16xi32>], vector<16xf32>,
      %le3A = arith.cmpi sle, %gather3A, %broadcast_in_dim3A_9 : vector<16xi32>
      %select_n3A = arith.select %le3A, %gather3A, %broadcast_in_dim3A_9 : vector<16xi1>, vector<16xi32>
      %select_n3A_87 = arith.select %le3A, %broadcast_in_dim3A_1, %gather3A_86 : vector<16xi1>, vector<16xf32>
      %ne3A = arith.cmpi ne, %gather3A, %broadcast_in_dim3A_11 : vector<16xi32>
      %and3A = arith.andi %le3A, %ne3A : vector<16xi1>
      %ne3A_88 = arith.cmpi ne, %gather3A, %broadcast_in_dim3A_13 : vector<16xi32>
      %and3A_89 = arith.andi %and3A, %ne3A_88 : vector<16xi1>
      %select_n3A_90 = arith.select %and3A_89, %broadcast_in_dim3A_5, %broadcast_in_dim3A_3 : vector<16xi1>, vector<16xi32>
      %or3A = arith.ori %scan3A_77, %select_n3A_90 : vector<16xi32>
      %gt3A = arith.cmpi sgt, %or3A, %broadcast_in_dim3A_3 : vector<16xi32>
      %add3A_91 = arith.addf %scan3A_78, %select_n3A_87 : vector<16xf32>
      %select_n3A_92 = arith.select %gt3A, %broadcast_in_dim3A_1, %add3A_91 : vector<16xi1>, vector<16xf32>
      %add3A_93 = arith.addf %scan3A_79, %select_n3A_87 : vector<16xf32>
      %select_n3A_94 = arith.select %and3A_89, %broadcast_in_dim3A_1, %add3A_93 : vector<16xi1>, vector<16xf32>
      %eq3A = arith.cmpi eq, %select_n3A, %broadcast_in_dim3A_9 : vector<16xi32>
      %and3A_95 = arith.andi %gt3A, %eq3A : vector<16xi1>
      %select_n3A_96 = arith.select %and3A_95, %broadcast_in_dim3A_7, %select_n3A : vector<16xi1>, vector<16xi32>
      %add3A_97 = vector.broadcast %scan3A_76 : i32 to vector<16xi32>
      %add3A_98 = arith.addi %mul3A_16, %add3A_97 : vector<16xi32>
      tpu.vector_store_idx %arg7[%add3A_98, %broadcast_in_dim3A_26], %select_n3A_92 : memref<3200x8xf32, #tpu.memory_space<vmem>>[vector<16xi32>, vector<16xi32>], vector<16xf32>,
      tpu.vector_store_idx %arg7[%add3A_98, %broadcast_in_dim3A_28], %select_n3A_94 : memref<3200x8xf32, #tpu.memory_space<vmem>>[vector<16xi32>, vector<16xi32>], vector<16xf32>,
      %convert_element_type3A = arith.sitofp %select_n3A_96 : vector<16xi32> to vector<16xf32>
      tpu.vector_store_idx %arg7[%add3A_98, %broadcast_in_dim3A_30], %convert_element_type3A : memref<3200x8xf32, #tpu.memory_space<vmem>>[vector<16xi32>, vector<16xi32>], vector<16xf32>,
      %convert_element_type3A_99 = arith.sitofp %select_n3A : vector<16xi32> to vector<16xf32>
      tpu.vector_store_idx %arg7[%add3A_98, %broadcast_in_dim3A_32], %convert_element_type3A_99 : memref<3200x8xf32, #tpu.memory_space<vmem>>[vector<16xi32>, vector<16xi32>], vector<16xf32>,
      %scan3A_100 = arith.constant 1 : i32
      %scan3A_101 = arith.addi %scan3A_76, %scan3A_100 : i32
      %mul3A_102 = arith.constant 2 : i32
      %mul3A_103 = arith.muli %scan3A_101, %mul3A_102 : i32
      %add3A_104 = arith.constant 1 : i32
      %add3A_105 = arith.addi %mul3A_103, %add3A_104 : i32
      %add3A_106 = vector.broadcast %add3A_105 : i32 to vector<16xi32>
      %add3A_107 = arith.addi %broadcast_in_dim3A_3, %add3A_106 : vector<16xi32>
      %gather3A_108 = tpu.vector_load_idx %arg5[%iota3A, %add3A_107] : memref<16x400xi32, #tpu.memory_space<vmem>>[vector<16xi32>, vector<16xi32>], vector<16xi32>,
      %gather3A_109 = tpu.vector_load_idx %arg6[%iota3A, %add3A_107] : memref<16x400xf32, #tpu.memory_space<vmem>>[vector<16xi32>, vector<16xi32>], vector<16xf32>,
      %le3A_110 = arith.cmpi sle, %gather3A_108, %broadcast_in_dim3A_9 : vector<16xi32>
      %select_n3A_111 = arith.select %le3A_110, %gather3A_108, %broadcast_in_dim3A_9 : vector<16xi1>, vector<16xi32>
      %select_n3A_112 = arith.select %le3A_110, %broadcast_in_dim3A_1, %gather3A_109 : vector<16xi1>, vector<16xf32>
      %ne3A_113 = arith.cmpi ne, %gather3A_108, %broadcast_in_dim3A_11 : vector<16xi32>
      %and3A_114 = arith.andi %le3A_110, %ne3A_113 : vector<16xi1>
      %ne3A_115 = arith.cmpi ne, %gather3A_108, %broadcast_in_dim3A_13 : vector<16xi32>
      %and3A_116 = arith.andi %and3A_114, %ne3A_115 : vector<16xi1>
      %select_n3A_117 = arith.select %and3A_116, %broadcast_in_dim3A_5, %broadcast_in_dim3A_3 : vector<16xi1>, vector<16xi32>
      %or3A_118 = arith.ori %or3A, %select_n3A_117 : vector<16xi32>
      %gt3A_119 = arith.cmpi sgt, %or3A_118, %broadcast_in_dim3A_3 : vector<16xi32>
      %add3A_120 = arith.addf %add3A_91, %select_n3A_112 : vector<16xf32>
      %select_n3A_121 = arith.select %gt3A_119, %broadcast_in_dim3A_1, %add3A_120 : vector<16xi1>, vector<16xf32>
      %add3A_122 = arith.addf %select_n3A_94, %select_n3A_112 : vector<16xf32>
      %select_n3A_123 = arith.select %and3A_116, %broadcast_in_dim3A_1, %add3A_122 : vector<16xi1>, vector<16xf32>
      %eq3A_124 = arith.cmpi eq, %select_n3A_111, %broadcast_in_dim3A_9 : vector<16xi32>
      %and3A_125 = arith.andi %gt3A_119, %eq3A_124 : vector<16xi1>
      %select_n3A_126 = arith.select %and3A_125, %broadcast_in_dim3A_7, %select_n3A_111 : vector<16xi1>, vector<16xi32>
      %add3A_127 = vector.broadcast %scan3A_101 : i32 to vector<16xi32>
      %add3A_128 = arith.addi %mul3A_16, %add3A_127 : vector<16xi32>
      tpu.vector_store_idx %arg7[%add3A_128, %broadcast_in_dim3A_26], %select_n3A_121 : memref<3200x8xf32, #tpu.memory_space<vmem>>[vector<16xi32>, vector<16xi32>], vector<16xf32>,
      tpu.vector_store_idx %arg7[%add3A_128, %broadcast_in_dim3A_28], %select_n3A_123 : memref<3200x8xf32, #tpu.memory_space<vmem>>[vector<16xi32>, vector<16xi32>], vector<16xf32>,
      %convert_element_type3A_129 = arith.sitofp %select_n3A_126 : vector<16xi32> to vector<16xf32>
      tpu.vector_store_idx %arg7[%add3A_128, %broadcast_in_dim3A_30], %convert_element_type3A_129 : memref<3200x8xf32, #tpu.memory_space<vmem>>[vector<16xi32>, vector<16xi32>], vector<16xf32>,
      %convert_element_type3A_130 = arith.sitofp %select_n3A_111 : vector<16xi32> to vector<16xf32>
      tpu.vector_store_idx %arg7[%add3A_128, %broadcast_in_dim3A_32], %convert_element_type3A_130 : memref<3200x8xf32, #tpu.memory_space<vmem>>[vector<16xi32>, vector<16xi32>], vector<16xf32>,
      %scan3A_131 = arith.constant 2 : i32
      %scan3A_132 = arith.addi %scan3A_76, %scan3A_131 : i32
      %mul3A_133 = arith.constant 2 : i32
      %mul3A_134 = arith.muli %scan3A_132, %mul3A_133 : i32
      %add3A_135 = arith.constant 1 : i32
      %add3A_136 = arith.addi %mul3A_134, %add3A_135 : i32
      %add3A_137 = vector.broadcast %add3A_136 : i32 to vector<16xi32>
      %add3A_138 = arith.addi %broadcast_in_dim3A_3, %add3A_137 : vector<16xi32>
      %gather3A_139 = tpu.vector_load_idx %arg5[%iota3A, %add3A_138] : memref<16x400xi32, #tpu.memory_space<vmem>>[vector<16xi32>, vector<16xi32>], vector<16xi32>,
      %gather3A_140 = tpu.vector_load_idx %arg6[%iota3A, %add3A_138] : memref<16x400xf32, #tpu.memory_space<vmem>>[vector<16xi32>, vector<16xi32>], vector<16xf32>,
      %le3A_141 = arith.cmpi sle, %gather3A_139, %broadcast_in_dim3A_9 : vector<16xi32>
      %select_n3A_142 = arith.select %le3A_141, %gather3A_139, %broadcast_in_dim3A_9 : vector<16xi1>, vector<16xi32>
      %select_n3A_143 = arith.select %le3A_141, %broadcast_in_dim3A_1, %gather3A_140 : vector<16xi1>, vector<16xf32>
      %ne3A_144 = arith.cmpi ne, %gather3A_139, %broadcast_in_dim3A_11 : vector<16xi32>
      %and3A_145 = arith.andi %le3A_141, %ne3A_144 : vector<16xi1>
      %ne3A_146 = arith.cmpi ne, %gather3A_139, %broadcast_in_dim3A_13 : vector<16xi32>
      %and3A_147 = arith.andi %and3A_145, %ne3A_146 : vector<16xi1>
      %select_n3A_148 = arith.select %and3A_147, %broadcast_in_dim3A_5, %broadcast_in_dim3A_3 : vector<16xi1>, vector<16xi32>
      %or3A_149 = arith.ori %or3A_118, %select_n3A_148 : vector<16xi32>
      %gt3A_150 = arith.cmpi sgt, %or3A_149, %broadcast_in_dim3A_3 : vector<16xi32>
      %add3A_151 = arith.addf %add3A_120, %select_n3A_143 : vector<16xf32>
      %select_n3A_152 = arith.select %gt3A_150, %broadcast_in_dim3A_1, %add3A_151 : vector<16xi1>, vector<16xf32>
      %add3A_153 = arith.addf %select_n3A_123, %select_n3A_143 : vector<16xf32>
      %select_n3A_154 = arith.select %and3A_147, %broadcast_in_dim3A_1, %add3A_153 : vector<16xi1>, vector<16xf32>
      %eq3A_155 = arith.cmpi eq, %select_n3A_142, %broadcast_in_dim3A_9 : vector<16xi32>
      %and3A_156 = arith.andi %gt3A_150, %eq3A_155 : vector<16xi1>
      %select_n3A_157 = arith.select %and3A_156, %broadcast_in_dim3A_7, %select_n3A_142 : vector<16xi1>, vector<16xi32>
      %add3A_158 = vector.broadcast %scan3A_132 : i32 to vector<16xi32>
      %add3A_159 = arith.addi %mul3A_16, %add3A_158 : vector<16xi32>
      tpu.vector_store_idx %arg7[%add3A_159, %broadcast_in_dim3A_26], %select_n3A_152 : memref<3200x8xf32, #tpu.memory_space<vmem>>[vector<16xi32>, vector<16xi32>], vector<16xf32>,
      tpu.vector_store_idx %arg7[%add3A_159, %broadcast_in_dim3A_28], %select_n3A_154 : memref<3200x8xf32, #tpu.memory_space<vmem>>[vector<16xi32>, vector<16xi32>], vector<16xf32>,
      %convert_element_type3A_160 = arith.sitofp %select_n3A_157 : vector<16xi32> to vector<16xf32>
      tpu.vector_store_idx %arg7[%add3A_159, %broadcast_in_dim3A_30], %convert_element_type3A_160 : memref<3200x8xf32, #tpu.memory_space<vmem>>[vector<16xi32>, vector<16xi32>], vector<16xf32>,
      %convert_element_type3A_161 = arith.sitofp %select_n3A_142 : vector<16xi32> to vector<16xf32>
      tpu.vector_store_idx %arg7[%add3A_159, %broadcast_in_dim3A_32], %convert_element_type3A_161 : memref<3200x8xf32, #tpu.memory_space<vmem>>[vector<16xi32>, vector<16xi32>], vector<16xf32>,
      %scan3A_162 = arith.constant 3 : i32
      %scan3A_163 = arith.addi %scan3A_76, %scan3A_162 : i32
      %mul3A_164 = arith.constant 2 : i32
      %mul3A_165 = arith.muli %scan3A_163, %mul3A_164 : i32
      %add3A_166 = arith.constant 1 : i32
      %add3A_167 = arith.addi %mul3A_165, %add3A_166 : i32
      %add3A_168 = vector.broadcast %add3A_167 : i32 to vector<16xi32>
      %add3A_169 = arith.addi %broadcast_in_dim3A_3, %add3A_168 : vector<16xi32>
      %gather3A_170 = tpu.vector_load_idx %arg5[%iota3A, %add3A_169] : memref<16x400xi32, #tpu.memory_space<vmem>>[vector<16xi32>, vector<16xi32>], vector<16xi32>,
      %gather3A_171 = tpu.vector_load_idx %arg6[%iota3A, %add3A_169] : memref<16x400xf32, #tpu.memory_space<vmem>>[vector<16xi32>, vector<16xi32>], vector<16xf32>,
      %le3A_172 = arith.cmpi sle, %gather3A_170, %broadcast_in_dim3A_9 : vector<16xi32>
      %select_n3A_173 = arith.select %le3A_172, %gather3A_170, %broadcast_in_dim3A_9 : vector<16xi1>, vector<16xi32>
      %select_n3A_174 = arith.select %le3A_172, %broadcast_in_dim3A_1, %gather3A_171 : vector<16xi1>, vector<16xf32>
      %ne3A_175 = arith.cmpi ne, %gather3A_170, %broadcast_in_dim3A_11 : vector<16xi32>
      %and3A_176 = arith.andi %le3A_172, %ne3A_175 : vector<16xi1>
      %ne3A_177 = arith.cmpi ne, %gather3A_170, %broadcast_in_dim3A_13 : vector<16xi32>
      %and3A_178 = arith.andi %and3A_176, %ne3A_177 : vector<16xi1>
      %select_n3A_179 = arith.select %and3A_178, %broadcast_in_dim3A_5, %broadcast_in_dim3A_3 : vector<16xi1>, vector<16xi32>
      %or3A_180 = arith.ori %or3A_149, %select_n3A_179 : vector<16xi32>
      %gt3A_181 = arith.cmpi sgt, %or3A_180, %broadcast_in_dim3A_3 : vector<16xi32>
      %add3A_182 = arith.addf %add3A_151, %select_n3A_174 : vector<16xf32>
      %select_n3A_183 = arith.select %gt3A_181, %broadcast_in_dim3A_1, %add3A_182 : vector<16xi1>, vector<16xf32>
      %add3A_184 = arith.addf %select_n3A_154, %select_n3A_174 : vector<16xf32>
      %select_n3A_185 = arith.select %and3A_178, %broadcast_in_dim3A_1, %add3A_184 : vector<16xi1>, vector<16xf32>
      %eq3A_186 = arith.cmpi eq, %select_n3A_173, %broadcast_in_dim3A_9 : vector<16xi32>
      %and3A_187 = arith.andi %gt3A_181, %eq3A_186 : vector<16xi1>
      %select_n3A_188 = arith.select %and3A_187, %broadcast_in_dim3A_7, %select_n3A_173 : vector<16xi1>, vector<16xi32>
      %add3A_189 = vector.broadcast %scan3A_163 : i32 to vector<16xi32>
      %add3A_190 = arith.addi %mul3A_16, %add3A_189 : vector<16xi32>
      tpu.vector_store_idx %arg7[%add3A_190, %broadcast_in_dim3A_26], %select_n3A_183 : memref<3200x8xf32, #tpu.memory_space<vmem>>[vector<16xi32>, vector<16xi32>], vector<16xf32>,
      tpu.vector_store_idx %arg7[%add3A_190, %broadcast_in_dim3A_28], %select_n3A_185 : memref<3200x8xf32, #tpu.memory_space<vmem>>[vector<16xi32>, vector<16xi32>], vector<16xf32>,
      %convert_element_type3A_191 = arith.sitofp %select_n3A_188 : vector<16xi32> to vector<16xf32>
      tpu.vector_store_idx %arg7[%add3A_190, %broadcast_in_dim3A_30], %convert_element_type3A_191 : memref<3200x8xf32, #tpu.memory_space<vmem>>[vector<16xi32>, vector<16xi32>], vector<16xf32>,
      %convert_element_type3A_192 = arith.sitofp %select_n3A_173 : vector<16xi32> to vector<16xf32>
      tpu.vector_store_idx %arg7[%add3A_190, %broadcast_in_dim3A_32], %convert_element_type3A_192 : memref<3200x8xf32, #tpu.memory_space<vmem>>[vector<16xi32>, vector<16xi32>], vector<16xf32>,
      scf.yield %or3A_180, %add3A_182, %select_n3A_185 : vector<16xi32>, vector<16xf32>, vector<16xf32>
    }
    %scan3A_51 = arith.constant 200 : i32
    %mul3A_52 = arith.constant 3200 : i32
    %mul3A_53 = arith.muli %add3A_36, %mul3A_52 : i32
    "tpu.region"() ({
      %run_scoped3A = tpu.sem_alloc : memref<!tpu.dma_semaphore, #tpu.memory_space<semaphore_mem>>
      %dma_start3A = arith.constant 0 : i32
      %dma_start3A_76 = tpu.memref_slice %arg4[%mul3A_53, %dma_start3A] : memref<204800x8xf32, #tpu.memory_space<hbm>> -> memref<3200x8xf32, #tpu.memory_space<hbm>>
      %dma_start3A_77 = arith.constant 0 : i32
      %dma_start3A_78 = tpu.memref_slice %arg4[%mul3A_53, %dma_start3A_77] : memref<204800x8xf32, #tpu.memory_space<hbm>> -> memref<3200x8xf32, #tpu.memory_space<hbm>>
      tpu.enqueue_dma source(%arg7 : memref<3200x8xf32, #tpu.memory_space<vmem>>) target(%dma_start3A_78 : memref<3200x8xf32, #tpu.memory_space<hbm>>) target_semaphore(%run_scoped3A : memref<!tpu.dma_semaphore, #tpu.memory_space<semaphore_mem>>)
      %dma_wait3A = arith.constant 0 : i32
      %dma_wait3A_79 = tpu.memref_slice %arg4[%mul3A_53, %dma_wait3A] : memref<204800x8xf32, #tpu.memory_space<hbm>> -> memref<3200x8xf32, #tpu.memory_space<hbm>>
      %dma_wait3A_80 = arith.constant 0 : i32
      %dma_wait3A_81 = tpu.memref_slice %arg4[%mul3A_53, %dma_wait3A_80] : memref<204800x8xf32, #tpu.memory_space<hbm>> -> memref<3200x8xf32, #tpu.memory_space<hbm>>
      tpu.wait_dma2 semaphore(%run_scoped3A : memref<!tpu.dma_semaphore, #tpu.memory_space<semaphore_mem>>) src(%arg7 : memref<3200x8xf32, #tpu.memory_space<vmem>>) dst(%dma_wait3A_81 : memref<3200x8xf32, #tpu.memory_space<hbm>>)
      tpu.yield
    }) : () -> ()
    %mul3A_54 = arith.constant 2 : i32
    %mul3A_55 = arith.muli %add3A, %mul3A_54 : i32
    %add3A_56 = arith.constant 1 : i32
    %add3A_57 = arith.addi %mul3A_55, %add3A_56 : i32
    %mul3A_58 = arith.constant 16 : i32
    %mul3A_59 = arith.muli %add3A_57, %mul3A_58 : i32
    "tpu.region"() ({
      %run_scoped3A = tpu.sem_alloc : memref<!tpu.dma_semaphore, #tpu.memory_space<semaphore_mem>>
      %dma_start3A = arith.constant 0 : i32
      %dma_start3A_76 = tpu.memref_slice %arg2[%mul3A_59, %dma_start3A] : memref<1024x400xi32, #tpu.memory_space<hbm>> -> memref<16x400xi32, #tpu.memory_space<hbm>>
      %dma_start3A_77 = arith.constant 0 : i32
      %dma_start3A_78 = tpu.memref_slice %arg2[%mul3A_59, %dma_start3A_77] : memref<1024x400xi32, #tpu.memory_space<hbm>> -> memref<16x400xi32, #tpu.memory_space<hbm>>
      tpu.enqueue_dma source(%dma_start3A_78 : memref<16x400xi32, #tpu.memory_space<hbm>>) target(%arg5 : memref<16x400xi32, #tpu.memory_space<vmem>>) target_semaphore(%run_scoped3A : memref<!tpu.dma_semaphore, #tpu.memory_space<semaphore_mem>>)
      %dma_wait3A = arith.constant 0 : i32
      %dma_wait3A_79 = tpu.memref_slice %arg2[%mul3A_59, %dma_wait3A] : memref<1024x400xi32, #tpu.memory_space<hbm>> -> memref<16x400xi32, #tpu.memory_space<hbm>>
      %dma_wait3A_80 = arith.constant 0 : i32
      %dma_wait3A_81 = tpu.memref_slice %arg2[%mul3A_59, %dma_wait3A_80] : memref<1024x400xi32, #tpu.memory_space<hbm>> -> memref<16x400xi32, #tpu.memory_space<hbm>>
      tpu.wait_dma2 semaphore(%run_scoped3A : memref<!tpu.dma_semaphore, #tpu.memory_space<semaphore_mem>>) src(%dma_wait3A_81 : memref<16x400xi32, #tpu.memory_space<hbm>>) dst(%arg5 : memref<16x400xi32, #tpu.memory_space<vmem>>)
      tpu.yield
    }) : () -> ()
    %mul3A_60 = arith.constant 16 : i32
    %mul3A_61 = arith.muli %add3A_57, %mul3A_60 : i32
    "tpu.region"() ({
      %run_scoped3A = tpu.sem_alloc : memref<!tpu.dma_semaphore, #tpu.memory_space<semaphore_mem>>
      %dma_start3A = arith.constant 0 : i32
      %dma_start3A_76 = tpu.memref_slice %arg3[%mul3A_61, %dma_start3A] : memref<1024x400xf32, #tpu.memory_space<hbm>> -> memref<16x400xf32, #tpu.memory_space<hbm>>
      %dma_start3A_77 = arith.constant 0 : i32
      %dma_start3A_78 = tpu.memref_slice %arg3[%mul3A_61, %dma_start3A_77] : memref<1024x400xf32, #tpu.memory_space<hbm>> -> memref<16x400xf32, #tpu.memory_space<hbm>>
      tpu.enqueue_dma source(%dma_start3A_78 : memref<16x400xf32, #tpu.memory_space<hbm>>) target(%arg6 : memref<16x400xf32, #tpu.memory_space<vmem>>) target_semaphore(%run_scoped3A : memref<!tpu.dma_semaphore, #tpu.memory_space<semaphore_mem>>)
      %dma_wait3A = arith.constant 0 : i32
      %dma_wait3A_79 = tpu.memref_slice %arg3[%mul3A_61, %dma_wait3A] : memref<1024x400xf32, #tpu.memory_space<hbm>> -> memref<16x400xf32, #tpu.memory_space<hbm>>
      %dma_wait3A_80 = arith.constant 0 : i32
      %dma_wait3A_81 = tpu.memref_slice %arg3[%mul3A_61, %dma_wait3A_80] : memref<1024x400xf32, #tpu.memory_space<hbm>> -> memref<16x400xf32, #tpu.memory_space<hbm>>
      tpu.wait_dma2 semaphore(%run_scoped3A : memref<!tpu.dma_semaphore, #tpu.memory_space<semaphore_mem>>) src(%dma_wait3A_81 : memref<16x400xf32, #tpu.memory_space<hbm>>) dst(%arg6 : memref<16x400xf32, #tpu.memory_space<vmem>>)
      tpu.yield
    }) : () -> ()
    %scan3A_62 = arith.constant 0 : i32
    %scan3A_63 = arith.constant 200 : i32
    %scan3A_64 = arith.addi %scan3A_62, %scan3A_63 : i32
    %scan3A_65 = arith.constant 4 : i32
    %scan3A_66:3 = scf.for %scan3A_76 = %scan3A_62 to %scan3A_64 step %scan3A_65 iter_args(%scan3A_77 = %broadcast_in_dim3A_3, %scan3A_78 = %broadcast_in_dim3A_1, %scan3A_79 = %broadcast_in_dim3A_1) -> (vector<16xi32>, vector<16xf32>, vector<16xf32>)  : i32 {
      %mul3A_80 = arith.constant 2 : i32
      %mul3A_81 = arith.muli %scan3A_76, %mul3A_80 : i32
      %add3A_82 = arith.constant 0 : i32
      %add3A_83 = arith.addi %mul3A_81, %add3A_82 : i32
      %add3A_84 = vector.broadcast %add3A_83 : i32 to vector<16xi32>
      %add3A_85 = arith.addi %broadcast_in_dim3A_3, %add3A_84 : vector<16xi32>
      %gather3A = tpu.vector_load_idx %arg5[%iota3A, %add3A_85] : memref<16x400xi32, #tpu.memory_space<vmem>>[vector<16xi32>, vector<16xi32>], vector<16xi32>,
      %gather3A_86 = tpu.vector_load_idx %arg6[%iota3A, %add3A_85] : memref<16x400xf32, #tpu.memory_space<vmem>>[vector<16xi32>, vector<16xi32>], vector<16xf32>,
      %le3A = arith.cmpi sle, %gather3A, %broadcast_in_dim3A_9 : vector<16xi32>
      %select_n3A = arith.select %le3A, %gather3A, %broadcast_in_dim3A_9 : vector<16xi1>, vector<16xi32>
      %select_n3A_87 = arith.select %le3A, %broadcast_in_dim3A_1, %gather3A_86 : vector<16xi1>, vector<16xf32>
      %ne3A = arith.cmpi ne, %gather3A, %broadcast_in_dim3A_11 : vector<16xi32>
      %and3A = arith.andi %le3A, %ne3A : vector<16xi1>
      %ne3A_88 = arith.cmpi ne, %gather3A, %broadcast_in_dim3A_13 : vector<16xi32>
      %and3A_89 = arith.andi %and3A, %ne3A_88 : vector<16xi1>
      %select_n3A_90 = arith.select %and3A_89, %broadcast_in_dim3A_5, %broadcast_in_dim3A_3 : vector<16xi1>, vector<16xi32>
      %or3A = arith.ori %scan3A_77, %select_n3A_90 : vector<16xi32>
      %gt3A = arith.cmpi sgt, %or3A, %broadcast_in_dim3A_3 : vector<16xi32>
      %add3A_91 = arith.addf %scan3A_78, %select_n3A_87 : vector<16xf32>
      %select_n3A_92 = arith.select %gt3A, %broadcast_in_dim3A_1, %add3A_91 : vector<16xi1>, vector<16xf32>
      %add3A_93 = arith.addf %scan3A_79, %select_n3A_87 : vector<16xf32>
      %select_n3A_94 = arith.select %and3A_89, %broadcast_in_dim3A_1, %add3A_93 : vector<16xi1>, vector<16xf32>
      %eq3A = arith.cmpi eq, %select_n3A, %broadcast_in_dim3A_9 : vector<16xi32>
      %and3A_95 = arith.andi %gt3A, %eq3A : vector<16xi1>
      %select_n3A_96 = arith.select %and3A_95, %broadcast_in_dim3A_7, %select_n3A : vector<16xi1>, vector<16xi32>
      %add3A_97 = vector.broadcast %scan3A_76 : i32 to vector<16xi32>
      %add3A_98 = arith.addi %mul3A_16, %add3A_97 : vector<16xi32>
      tpu.vector_store_idx %arg7[%add3A_98, %broadcast_in_dim3A_18], %select_n3A_92 : memref<3200x8xf32, #tpu.memory_space<vmem>>[vector<16xi32>, vector<16xi32>], vector<16xf32>,
      tpu.vector_store_idx %arg7[%add3A_98, %broadcast_in_dim3A_20], %select_n3A_94 : memref<3200x8xf32, #tpu.memory_space<vmem>>[vector<16xi32>, vector<16xi32>], vector<16xf32>,
      %convert_element_type3A = arith.sitofp %select_n3A_96 : vector<16xi32> to vector<16xf32>
      tpu.vector_store_idx %arg7[%add3A_98, %broadcast_in_dim3A_22], %convert_element_type3A : memref<3200x8xf32, #tpu.memory_space<vmem>>[vector<16xi32>, vector<16xi32>], vector<16xf32>,
      %convert_element_type3A_99 = arith.sitofp %select_n3A : vector<16xi32> to vector<16xf32>
      tpu.vector_store_idx %arg7[%add3A_98, %broadcast_in_dim3A_24], %convert_element_type3A_99 : memref<3200x8xf32, #tpu.memory_space<vmem>>[vector<16xi32>, vector<16xi32>], vector<16xf32>,
      %scan3A_100 = arith.constant 1 : i32
      %scan3A_101 = arith.addi %scan3A_76, %scan3A_100 : i32
      %mul3A_102 = arith.constant 2 : i32
      %mul3A_103 = arith.muli %scan3A_101, %mul3A_102 : i32
      %add3A_104 = arith.constant 0 : i32
      %add3A_105 = arith.addi %mul3A_103, %add3A_104 : i32
      %add3A_106 = vector.broadcast %add3A_105 : i32 to vector<16xi32>
      %add3A_107 = arith.addi %broadcast_in_dim3A_3, %add3A_106 : vector<16xi32>
      %gather3A_108 = tpu.vector_load_idx %arg5[%iota3A, %add3A_107] : memref<16x400xi32, #tpu.memory_space<vmem>>[vector<16xi32>, vector<16xi32>], vector<16xi32>,
      %gather3A_109 = tpu.vector_load_idx %arg6[%iota3A, %add3A_107] : memref<16x400xf32, #tpu.memory_space<vmem>>[vector<16xi32>, vector<16xi32>], vector<16xf32>,
      %le3A_110 = arith.cmpi sle, %gather3A_108, %broadcast_in_dim3A_9 : vector<16xi32>
      %select_n3A_111 = arith.select %le3A_110, %gather3A_108, %broadcast_in_dim3A_9 : vector<16xi1>, vector<16xi32>
      %select_n3A_112 = arith.select %le3A_110, %broadcast_in_dim3A_1, %gather3A_109 : vector<16xi1>, vector<16xf32>
      %ne3A_113 = arith.cmpi ne, %gather3A_108, %broadcast_in_dim3A_11 : vector<16xi32>
      %and3A_114 = arith.andi %le3A_110, %ne3A_113 : vector<16xi1>
      %ne3A_115 = arith.cmpi ne, %gather3A_108, %broadcast_in_dim3A_13 : vector<16xi32>
      %and3A_116 = arith.andi %and3A_114, %ne3A_115 : vector<16xi1>
      %select_n3A_117 = arith.select %and3A_116, %broadcast_in_dim3A_5, %broadcast_in_dim3A_3 : vector<16xi1>, vector<16xi32>
      %or3A_118 = arith.ori %or3A, %select_n3A_117 : vector<16xi32>
      %gt3A_119 = arith.cmpi sgt, %or3A_118, %broadcast_in_dim3A_3 : vector<16xi32>
      %add3A_120 = arith.addf %add3A_91, %select_n3A_112 : vector<16xf32>
      %select_n3A_121 = arith.select %gt3A_119, %broadcast_in_dim3A_1, %add3A_120 : vector<16xi1>, vector<16xf32>
      %add3A_122 = arith.addf %select_n3A_94, %select_n3A_112 : vector<16xf32>
      %select_n3A_123 = arith.select %and3A_116, %broadcast_in_dim3A_1, %add3A_122 : vector<16xi1>, vector<16xf32>
      %eq3A_124 = arith.cmpi eq, %select_n3A_111, %broadcast_in_dim3A_9 : vector<16xi32>
      %and3A_125 = arith.andi %gt3A_119, %eq3A_124 : vector<16xi1>
      %select_n3A_126 = arith.select %and3A_125, %broadcast_in_dim3A_7, %select_n3A_111 : vector<16xi1>, vector<16xi32>
      %add3A_127 = vector.broadcast %scan3A_101 : i32 to vector<16xi32>
      %add3A_128 = arith.addi %mul3A_16, %add3A_127 : vector<16xi32>
      tpu.vector_store_idx %arg7[%add3A_128, %broadcast_in_dim3A_18], %select_n3A_121 : memref<3200x8xf32, #tpu.memory_space<vmem>>[vector<16xi32>, vector<16xi32>], vector<16xf32>,
      tpu.vector_store_idx %arg7[%add3A_128, %broadcast_in_dim3A_20], %select_n3A_123 : memref<3200x8xf32, #tpu.memory_space<vmem>>[vector<16xi32>, vector<16xi32>], vector<16xf32>,
      %convert_element_type3A_129 = arith.sitofp %select_n3A_126 : vector<16xi32> to vector<16xf32>
      tpu.vector_store_idx %arg7[%add3A_128, %broadcast_in_dim3A_22], %convert_element_type3A_129 : memref<3200x8xf32, #tpu.memory_space<vmem>>[vector<16xi32>, vector<16xi32>], vector<16xf32>,
      %convert_element_type3A_130 = arith.sitofp %select_n3A_111 : vector<16xi32> to vector<16xf32>
      tpu.vector_store_idx %arg7[%add3A_128, %broadcast_in_dim3A_24], %convert_element_type3A_130 : memref<3200x8xf32, #tpu.memory_space<vmem>>[vector<16xi32>, vector<16xi32>], vector<16xf32>,
      %scan3A_131 = arith.constant 2 : i32
      %scan3A_132 = arith.addi %scan3A_76, %scan3A_131 : i32
      %mul3A_133 = arith.constant 2 : i32
      %mul3A_134 = arith.muli %scan3A_132, %mul3A_133 : i32
      %add3A_135 = arith.constant 0 : i32
      %add3A_136 = arith.addi %mul3A_134, %add3A_135 : i32
      %add3A_137 = vector.broadcast %add3A_136 : i32 to vector<16xi32>
      %add3A_138 = arith.addi %broadcast_in_dim3A_3, %add3A_137 : vector<16xi32>
      %gather3A_139 = tpu.vector_load_idx %arg5[%iota3A, %add3A_138] : memref<16x400xi32, #tpu.memory_space<vmem>>[vector<16xi32>, vector<16xi32>], vector<16xi32>,
      %gather3A_140 = tpu.vector_load_idx %arg6[%iota3A, %add3A_138] : memref<16x400xf32, #tpu.memory_space<vmem>>[vector<16xi32>, vector<16xi32>], vector<16xf32>,
      %le3A_141 = arith.cmpi sle, %gather3A_139, %broadcast_in_dim3A_9 : vector<16xi32>
      %select_n3A_142 = arith.select %le3A_141, %gather3A_139, %broadcast_in_dim3A_9 : vector<16xi1>, vector<16xi32>
      %select_n3A_143 = arith.select %le3A_141, %broadcast_in_dim3A_1, %gather3A_140 : vector<16xi1>, vector<16xf32>
      %ne3A_144 = arith.cmpi ne, %gather3A_139, %broadcast_in_dim3A_11 : vector<16xi32>
      %and3A_145 = arith.andi %le3A_141, %ne3A_144 : vector<16xi1>
      %ne3A_146 = arith.cmpi ne, %gather3A_139, %broadcast_in_dim3A_13 : vector<16xi32>
      %and3A_147 = arith.andi %and3A_145, %ne3A_146 : vector<16xi1>
      %select_n3A_148 = arith.select %and3A_147, %broadcast_in_dim3A_5, %broadcast_in_dim3A_3 : vector<16xi1>, vector<16xi32>
      %or3A_149 = arith.ori %or3A_118, %select_n3A_148 : vector<16xi32>
      %gt3A_150 = arith.cmpi sgt, %or3A_149, %broadcast_in_dim3A_3 : vector<16xi32>
      %add3A_151 = arith.addf %add3A_120, %select_n3A_143 : vector<16xf32>
      %select_n3A_152 = arith.select %gt3A_150, %broadcast_in_dim3A_1, %add3A_151 : vector<16xi1>, vector<16xf32>
      %add3A_153 = arith.addf %select_n3A_123, %select_n3A_143 : vector<16xf32>
      %select_n3A_154 = arith.select %and3A_147, %broadcast_in_dim3A_1, %add3A_153 : vector<16xi1>, vector<16xf32>
      %eq3A_155 = arith.cmpi eq, %select_n3A_142, %broadcast_in_dim3A_9 : vector<16xi32>
      %and3A_156 = arith.andi %gt3A_150, %eq3A_155 : vector<16xi1>
      %select_n3A_157 = arith.select %and3A_156, %broadcast_in_dim3A_7, %select_n3A_142 : vector<16xi1>, vector<16xi32>
      %add3A_158 = vector.broadcast %scan3A_132 : i32 to vector<16xi32>
      %add3A_159 = arith.addi %mul3A_16, %add3A_158 : vector<16xi32>
      tpu.vector_store_idx %arg7[%add3A_159, %broadcast_in_dim3A_18], %select_n3A_152 : memref<3200x8xf32, #tpu.memory_space<vmem>>[vector<16xi32>, vector<16xi32>], vector<16xf32>,
      tpu.vector_store_idx %arg7[%add3A_159, %broadcast_in_dim3A_20], %select_n3A_154 : memref<3200x8xf32, #tpu.memory_space<vmem>>[vector<16xi32>, vector<16xi32>], vector<16xf32>,
      %convert_element_type3A_160 = arith.sitofp %select_n3A_157 : vector<16xi32> to vector<16xf32>
      tpu.vector_store_idx %arg7[%add3A_159, %broadcast_in_dim3A_22], %convert_element_type3A_160 : memref<3200x8xf32, #tpu.memory_space<vmem>>[vector<16xi32>, vector<16xi32>], vector<16xf32>,
      %convert_element_type3A_161 = arith.sitofp %select_n3A_142 : vector<16xi32> to vector<16xf32>
      tpu.vector_store_idx %arg7[%add3A_159, %broadcast_in_dim3A_24], %convert_element_type3A_161 : memref<3200x8xf32, #tpu.memory_space<vmem>>[vector<16xi32>, vector<16xi32>], vector<16xf32>,
      %scan3A_162 = arith.constant 3 : i32
      %scan3A_163 = arith.addi %scan3A_76, %scan3A_162 : i32
      %mul3A_164 = arith.constant 2 : i32
      %mul3A_165 = arith.muli %scan3A_163, %mul3A_164 : i32
      %add3A_166 = arith.constant 0 : i32
      %add3A_167 = arith.addi %mul3A_165, %add3A_166 : i32
      %add3A_168 = vector.broadcast %add3A_167 : i32 to vector<16xi32>
      %add3A_169 = arith.addi %broadcast_in_dim3A_3, %add3A_168 : vector<16xi32>
      %gather3A_170 = tpu.vector_load_idx %arg5[%iota3A, %add3A_169] : memref<16x400xi32, #tpu.memory_space<vmem>>[vector<16xi32>, vector<16xi32>], vector<16xi32>,
      %gather3A_171 = tpu.vector_load_idx %arg6[%iota3A, %add3A_169] : memref<16x400xf32, #tpu.memory_space<vmem>>[vector<16xi32>, vector<16xi32>], vector<16xf32>,
      %le3A_172 = arith.cmpi sle, %gather3A_170, %broadcast_in_dim3A_9 : vector<16xi32>
      %select_n3A_173 = arith.select %le3A_172, %gather3A_170, %broadcast_in_dim3A_9 : vector<16xi1>, vector<16xi32>
      %select_n3A_174 = arith.select %le3A_172, %broadcast_in_dim3A_1, %gather3A_171 : vector<16xi1>, vector<16xf32>
      %ne3A_175 = arith.cmpi ne, %gather3A_170, %broadcast_in_dim3A_11 : vector<16xi32>
      %and3A_176 = arith.andi %le3A_172, %ne3A_175 : vector<16xi1>
      %ne3A_177 = arith.cmpi ne, %gather3A_170, %broadcast_in_dim3A_13 : vector<16xi32>
      %and3A_178 = arith.andi %and3A_176, %ne3A_177 : vector<16xi1>
      %select_n3A_179 = arith.select %and3A_178, %broadcast_in_dim3A_5, %broadcast_in_dim3A_3 : vector<16xi1>, vector<16xi32>
      %or3A_180 = arith.ori %or3A_149, %select_n3A_179 : vector<16xi32>
      %gt3A_181 = arith.cmpi sgt, %or3A_180, %broadcast_in_dim3A_3 : vector<16xi32>
      %add3A_182 = arith.addf %add3A_151, %select_n3A_174 : vector<16xf32>
      %select_n3A_183 = arith.select %gt3A_181, %broadcast_in_dim3A_1, %add3A_182 : vector<16xi1>, vector<16xf32>
      %add3A_184 = arith.addf %select_n3A_154, %select_n3A_174 : vector<16xf32>
      %select_n3A_185 = arith.select %and3A_178, %broadcast_in_dim3A_1, %add3A_184 : vector<16xi1>, vector<16xf32>
      %eq3A_186 = arith.cmpi eq, %select_n3A_173, %broadcast_in_dim3A_9 : vector<16xi32>
      %and3A_187 = arith.andi %gt3A_181, %eq3A_186 : vector<16xi1>
      %select_n3A_188 = arith.select %and3A_187, %broadcast_in_dim3A_7, %select_n3A_173 : vector<16xi1>, vector<16xi32>
      %add3A_189 = vector.broadcast %scan3A_163 : i32 to vector<16xi32>
      %add3A_190 = arith.addi %mul3A_16, %add3A_189 : vector<16xi32>
      tpu.vector_store_idx %arg7[%add3A_190, %broadcast_in_dim3A_18], %select_n3A_183 : memref<3200x8xf32, #tpu.memory_space<vmem>>[vector<16xi32>, vector<16xi32>], vector<16xf32>,
      tpu.vector_store_idx %arg7[%add3A_190, %broadcast_in_dim3A_20], %select_n3A_185 : memref<3200x8xf32, #tpu.memory_space<vmem>>[vector<16xi32>, vector<16xi32>], vector<16xf32>,
      %convert_element_type3A_191 = arith.sitofp %select_n3A_188 : vector<16xi32> to vector<16xf32>
      tpu.vector_store_idx %arg7[%add3A_190, %broadcast_in_dim3A_22], %convert_element_type3A_191 : memref<3200x8xf32, #tpu.memory_space<vmem>>[vector<16xi32>, vector<16xi32>], vector<16xf32>,
      %convert_element_type3A_192 = arith.sitofp %select_n3A_173 : vector<16xi32> to vector<16xf32>
      tpu.vector_store_idx %arg7[%add3A_190, %broadcast_in_dim3A_24], %convert_element_type3A_192 : memref<3200x8xf32, #tpu.memory_space<vmem>>[vector<16xi32>, vector<16xi32>], vector<16xf32>,
      scf.yield %or3A_180, %add3A_182, %select_n3A_185 : vector<16xi32>, vector<16xf32>, vector<16xf32>
    }
    %scan3A_67 = arith.constant 200 : i32
    %scan3A_68 = arith.constant 0 : i32
    %scan3A_69 = arith.constant 200 : i32
    %scan3A_70 = arith.addi %scan3A_68, %scan3A_69 : i32
    %scan3A_71 = arith.constant 4 : i32
    %scan3A_72:3 = scf.for %scan3A_76 = %scan3A_68 to %scan3A_70 step %scan3A_71 iter_args(%scan3A_77 = %broadcast_in_dim3A_3, %scan3A_78 = %broadcast_in_dim3A_1, %scan3A_79 = %broadcast_in_dim3A_1) -> (vector<16xi32>, vector<16xf32>, vector<16xf32>)  : i32 {
      %mul3A_80 = arith.constant 2 : i32
      %mul3A_81 = arith.muli %scan3A_76, %mul3A_80 : i32
      %add3A_82 = arith.constant 1 : i32
      %add3A_83 = arith.addi %mul3A_81, %add3A_82 : i32
      %add3A_84 = vector.broadcast %add3A_83 : i32 to vector<16xi32>
      %add3A_85 = arith.addi %broadcast_in_dim3A_3, %add3A_84 : vector<16xi32>
      %gather3A = tpu.vector_load_idx %arg5[%iota3A, %add3A_85] : memref<16x400xi32, #tpu.memory_space<vmem>>[vector<16xi32>, vector<16xi32>], vector<16xi32>,
      %gather3A_86 = tpu.vector_load_idx %arg6[%iota3A, %add3A_85] : memref<16x400xf32, #tpu.memory_space<vmem>>[vector<16xi32>, vector<16xi32>], vector<16xf32>,
      %le3A = arith.cmpi sle, %gather3A, %broadcast_in_dim3A_9 : vector<16xi32>
      %select_n3A = arith.select %le3A, %gather3A, %broadcast_in_dim3A_9 : vector<16xi1>, vector<16xi32>
      %select_n3A_87 = arith.select %le3A, %broadcast_in_dim3A_1, %gather3A_86 : vector<16xi1>, vector<16xf32>
      %ne3A = arith.cmpi ne, %gather3A, %broadcast_in_dim3A_11 : vector<16xi32>
      %and3A = arith.andi %le3A, %ne3A : vector<16xi1>
      %ne3A_88 = arith.cmpi ne, %gather3A, %broadcast_in_dim3A_13 : vector<16xi32>
      %and3A_89 = arith.andi %and3A, %ne3A_88 : vector<16xi1>
      %select_n3A_90 = arith.select %and3A_89, %broadcast_in_dim3A_5, %broadcast_in_dim3A_3 : vector<16xi1>, vector<16xi32>
      %or3A = arith.ori %scan3A_77, %select_n3A_90 : vector<16xi32>
      %gt3A = arith.cmpi sgt, %or3A, %broadcast_in_dim3A_3 : vector<16xi32>
      %add3A_91 = arith.addf %scan3A_78, %select_n3A_87 : vector<16xf32>
      %select_n3A_92 = arith.select %gt3A, %broadcast_in_dim3A_1, %add3A_91 : vector<16xi1>, vector<16xf32>
      %add3A_93 = arith.addf %scan3A_79, %select_n3A_87 : vector<16xf32>
      %select_n3A_94 = arith.select %and3A_89, %broadcast_in_dim3A_1, %add3A_93 : vector<16xi1>, vector<16xf32>
      %eq3A = arith.cmpi eq, %select_n3A, %broadcast_in_dim3A_9 : vector<16xi32>
      %and3A_95 = arith.andi %gt3A, %eq3A : vector<16xi1>
      %select_n3A_96 = arith.select %and3A_95, %broadcast_in_dim3A_7, %select_n3A : vector<16xi1>, vector<16xi32>
      %add3A_97 = vector.broadcast %scan3A_76 : i32 to vector<16xi32>
      %add3A_98 = arith.addi %mul3A_16, %add3A_97 : vector<16xi32>
      tpu.vector_store_idx %arg7[%add3A_98, %broadcast_in_dim3A_26], %select_n3A_92 : memref<3200x8xf32, #tpu.memory_space<vmem>>[vector<16xi32>, vector<16xi32>], vector<16xf32>,
      tpu.vector_store_idx %arg7[%add3A_98, %broadcast_in_dim3A_28], %select_n3A_94 : memref<3200x8xf32, #tpu.memory_space<vmem>>[vector<16xi32>, vector<16xi32>], vector<16xf32>,
      %convert_element_type3A = arith.sitofp %select_n3A_96 : vector<16xi32> to vector<16xf32>
      tpu.vector_store_idx %arg7[%add3A_98, %broadcast_in_dim3A_30], %convert_element_type3A : memref<3200x8xf32, #tpu.memory_space<vmem>>[vector<16xi32>, vector<16xi32>], vector<16xf32>,
      %convert_element_type3A_99 = arith.sitofp %select_n3A : vector<16xi32> to vector<16xf32>
      tpu.vector_store_idx %arg7[%add3A_98, %broadcast_in_dim3A_32], %convert_element_type3A_99 : memref<3200x8xf32, #tpu.memory_space<vmem>>[vector<16xi32>, vector<16xi32>], vector<16xf32>,
      %scan3A_100 = arith.constant 1 : i32
      %scan3A_101 = arith.addi %scan3A_76, %scan3A_100 : i32
      %mul3A_102 = arith.constant 2 : i32
      %mul3A_103 = arith.muli %scan3A_101, %mul3A_102 : i32
      %add3A_104 = arith.constant 1 : i32
      %add3A_105 = arith.addi %mul3A_103, %add3A_104 : i32
      %add3A_106 = vector.broadcast %add3A_105 : i32 to vector<16xi32>
      %add3A_107 = arith.addi %broadcast_in_dim3A_3, %add3A_106 : vector<16xi32>
      %gather3A_108 = tpu.vector_load_idx %arg5[%iota3A, %add3A_107] : memref<16x400xi32, #tpu.memory_space<vmem>>[vector<16xi32>, vector<16xi32>], vector<16xi32>,
      %gather3A_109 = tpu.vector_load_idx %arg6[%iota3A, %add3A_107] : memref<16x400xf32, #tpu.memory_space<vmem>>[vector<16xi32>, vector<16xi32>], vector<16xf32>,
      %le3A_110 = arith.cmpi sle, %gather3A_108, %broadcast_in_dim3A_9 : vector<16xi32>
      %select_n3A_111 = arith.select %le3A_110, %gather3A_108, %broadcast_in_dim3A_9 : vector<16xi1>, vector<16xi32>
      %select_n3A_112 = arith.select %le3A_110, %broadcast_in_dim3A_1, %gather3A_109 : vector<16xi1>, vector<16xf32>
      %ne3A_113 = arith.cmpi ne, %gather3A_108, %broadcast_in_dim3A_11 : vector<16xi32>
      %and3A_114 = arith.andi %le3A_110, %ne3A_113 : vector<16xi1>
      %ne3A_115 = arith.cmpi ne, %gather3A_108, %broadcast_in_dim3A_13 : vector<16xi32>
      %and3A_116 = arith.andi %and3A_114, %ne3A_115 : vector<16xi1>
      %select_n3A_117 = arith.select %and3A_116, %broadcast_in_dim3A_5, %broadcast_in_dim3A_3 : vector<16xi1>, vector<16xi32>
      %or3A_118 = arith.ori %or3A, %select_n3A_117 : vector<16xi32>
      %gt3A_119 = arith.cmpi sgt, %or3A_118, %broadcast_in_dim3A_3 : vector<16xi32>
      %add3A_120 = arith.addf %add3A_91, %select_n3A_112 : vector<16xf32>
      %select_n3A_121 = arith.select %gt3A_119, %broadcast_in_dim3A_1, %add3A_120 : vector<16xi1>, vector<16xf32>
      %add3A_122 = arith.addf %select_n3A_94, %select_n3A_112 : vector<16xf32>
      %select_n3A_123 = arith.select %and3A_116, %broadcast_in_dim3A_1, %add3A_122 : vector<16xi1>, vector<16xf32>
      %eq3A_124 = arith.cmpi eq, %select_n3A_111, %broadcast_in_dim3A_9 : vector<16xi32>
      %and3A_125 = arith.andi %gt3A_119, %eq3A_124 : vector<16xi1>
      %select_n3A_126 = arith.select %and3A_125, %broadcast_in_dim3A_7, %select_n3A_111 : vector<16xi1>, vector<16xi32>
      %add3A_127 = vector.broadcast %scan3A_101 : i32 to vector<16xi32>
      %add3A_128 = arith.addi %mul3A_16, %add3A_127 : vector<16xi32>
      tpu.vector_store_idx %arg7[%add3A_128, %broadcast_in_dim3A_26], %select_n3A_121 : memref<3200x8xf32, #tpu.memory_space<vmem>>[vector<16xi32>, vector<16xi32>], vector<16xf32>,
      tpu.vector_store_idx %arg7[%add3A_128, %broadcast_in_dim3A_28], %select_n3A_123 : memref<3200x8xf32, #tpu.memory_space<vmem>>[vector<16xi32>, vector<16xi32>], vector<16xf32>,
      %convert_element_type3A_129 = arith.sitofp %select_n3A_126 : vector<16xi32> to vector<16xf32>
      tpu.vector_store_idx %arg7[%add3A_128, %broadcast_in_dim3A_30], %convert_element_type3A_129 : memref<3200x8xf32, #tpu.memory_space<vmem>>[vector<16xi32>, vector<16xi32>], vector<16xf32>,
      %convert_element_type3A_130 = arith.sitofp %select_n3A_111 : vector<16xi32> to vector<16xf32>
      tpu.vector_store_idx %arg7[%add3A_128, %broadcast_in_dim3A_32], %convert_element_type3A_130 : memref<3200x8xf32, #tpu.memory_space<vmem>>[vector<16xi32>, vector<16xi32>], vector<16xf32>,
      %scan3A_131 = arith.constant 2 : i32
      %scan3A_132 = arith.addi %scan3A_76, %scan3A_131 : i32
      %mul3A_133 = arith.constant 2 : i32
      %mul3A_134 = arith.muli %scan3A_132, %mul3A_133 : i32
      %add3A_135 = arith.constant 1 : i32
      %add3A_136 = arith.addi %mul3A_134, %add3A_135 : i32
      %add3A_137 = vector.broadcast %add3A_136 : i32 to vector<16xi32>
      %add3A_138 = arith.addi %broadcast_in_dim3A_3, %add3A_137 : vector<16xi32>
      %gather3A_139 = tpu.vector_load_idx %arg5[%iota3A, %add3A_138] : memref<16x400xi32, #tpu.memory_space<vmem>>[vector<16xi32>, vector<16xi32>], vector<16xi32>,
      %gather3A_140 = tpu.vector_load_idx %arg6[%iota3A, %add3A_138] : memref<16x400xf32, #tpu.memory_space<vmem>>[vector<16xi32>, vector<16xi32>], vector<16xf32>,
      %le3A_141 = arith.cmpi sle, %gather3A_139, %broadcast_in_dim3A_9 : vector<16xi32>
      %select_n3A_142 = arith.select %le3A_141, %gather3A_139, %broadcast_in_dim3A_9 : vector<16xi1>, vector<16xi32>
      %select_n3A_143 = arith.select %le3A_141, %broadcast_in_dim3A_1, %gather3A_140 : vector<16xi1>, vector<16xf32>
      %ne3A_144 = arith.cmpi ne, %gather3A_139, %broadcast_in_dim3A_11 : vector<16xi32>
      %and3A_145 = arith.andi %le3A_141, %ne3A_144 : vector<16xi1>
      %ne3A_146 = arith.cmpi ne, %gather3A_139, %broadcast_in_dim3A_13 : vector<16xi32>
      %and3A_147 = arith.andi %and3A_145, %ne3A_146 : vector<16xi1>
      %select_n3A_148 = arith.select %and3A_147, %broadcast_in_dim3A_5, %broadcast_in_dim3A_3 : vector<16xi1>, vector<16xi32>
      %or3A_149 = arith.ori %or3A_118, %select_n3A_148 : vector<16xi32>
      %gt3A_150 = arith.cmpi sgt, %or3A_149, %broadcast_in_dim3A_3 : vector<16xi32>
      %add3A_151 = arith.addf %add3A_120, %select_n3A_143 : vector<16xf32>
      %select_n3A_152 = arith.select %gt3A_150, %broadcast_in_dim3A_1, %add3A_151 : vector<16xi1>, vector<16xf32>
      %add3A_153 = arith.addf %select_n3A_123, %select_n3A_143 : vector<16xf32>
      %select_n3A_154 = arith.select %and3A_147, %broadcast_in_dim3A_1, %add3A_153 : vector<16xi1>, vector<16xf32>
      %eq3A_155 = arith.cmpi eq, %select_n3A_142, %broadcast_in_dim3A_9 : vector<16xi32>
      %and3A_156 = arith.andi %gt3A_150, %eq3A_155 : vector<16xi1>
      %select_n3A_157 = arith.select %and3A_156, %broadcast_in_dim3A_7, %select_n3A_142 : vector<16xi1>, vector<16xi32>
      %add3A_158 = vector.broadcast %scan3A_132 : i32 to vector<16xi32>
      %add3A_159 = arith.addi %mul3A_16, %add3A_158 : vector<16xi32>
      tpu.vector_store_idx %arg7[%add3A_159, %broadcast_in_dim3A_26], %select_n3A_152 : memref<3200x8xf32, #tpu.memory_space<vmem>>[vector<16xi32>, vector<16xi32>], vector<16xf32>,
      tpu.vector_store_idx %arg7[%add3A_159, %broadcast_in_dim3A_28], %select_n3A_154 : memref<3200x8xf32, #tpu.memory_space<vmem>>[vector<16xi32>, vector<16xi32>], vector<16xf32>,
      %convert_element_type3A_160 = arith.sitofp %select_n3A_157 : vector<16xi32> to vector<16xf32>
      tpu.vector_store_idx %arg7[%add3A_159, %broadcast_in_dim3A_30], %convert_element_type3A_160 : memref<3200x8xf32, #tpu.memory_space<vmem>>[vector<16xi32>, vector<16xi32>], vector<16xf32>,
      %convert_element_type3A_161 = arith.sitofp %select_n3A_142 : vector<16xi32> to vector<16xf32>
      tpu.vector_store_idx %arg7[%add3A_159, %broadcast_in_dim3A_32], %convert_element_type3A_161 : memref<3200x8xf32, #tpu.memory_space<vmem>>[vector<16xi32>, vector<16xi32>], vector<16xf32>,
      %scan3A_162 = arith.constant 3 : i32
      %scan3A_163 = arith.addi %scan3A_76, %scan3A_162 : i32
      %mul3A_164 = arith.constant 2 : i32
      %mul3A_165 = arith.muli %scan3A_163, %mul3A_164 : i32
      %add3A_166 = arith.constant 1 : i32
      %add3A_167 = arith.addi %mul3A_165, %add3A_166 : i32
      %add3A_168 = vector.broadcast %add3A_167 : i32 to vector<16xi32>
      %add3A_169 = arith.addi %broadcast_in_dim3A_3, %add3A_168 : vector<16xi32>
      %gather3A_170 = tpu.vector_load_idx %arg5[%iota3A, %add3A_169] : memref<16x400xi32, #tpu.memory_space<vmem>>[vector<16xi32>, vector<16xi32>], vector<16xi32>,
      %gather3A_171 = tpu.vector_load_idx %arg6[%iota3A, %add3A_169] : memref<16x400xf32, #tpu.memory_space<vmem>>[vector<16xi32>, vector<16xi32>], vector<16xf32>,
      %le3A_172 = arith.cmpi sle, %gather3A_170, %broadcast_in_dim3A_9 : vector<16xi32>
      %select_n3A_173 = arith.select %le3A_172, %gather3A_170, %broadcast_in_dim3A_9 : vector<16xi1>, vector<16xi32>
      %select_n3A_174 = arith.select %le3A_172, %broadcast_in_dim3A_1, %gather3A_171 : vector<16xi1>, vector<16xf32>
      %ne3A_175 = arith.cmpi ne, %gather3A_170, %broadcast_in_dim3A_11 : vector<16xi32>
      %and3A_176 = arith.andi %le3A_172, %ne3A_175 : vector<16xi1>
      %ne3A_177 = arith.cmpi ne, %gather3A_170, %broadcast_in_dim3A_13 : vector<16xi32>
      %and3A_178 = arith.andi %and3A_176, %ne3A_177 : vector<16xi1>
      %select_n3A_179 = arith.select %and3A_178, %broadcast_in_dim3A_5, %broadcast_in_dim3A_3 : vector<16xi1>, vector<16xi32>
      %or3A_180 = arith.ori %or3A_149, %select_n3A_179 : vector<16xi32>
      %gt3A_181 = arith.cmpi sgt, %or3A_180, %broadcast_in_dim3A_3 : vector<16xi32>
      %add3A_182 = arith.addf %add3A_151, %select_n3A_174 : vector<16xf32>
      %select_n3A_183 = arith.select %gt3A_181, %broadcast_in_dim3A_1, %add3A_182 : vector<16xi1>, vector<16xf32>
      %add3A_184 = arith.addf %select_n3A_154, %select_n3A_174 : vector<16xf32>
      %select_n3A_185 = arith.select %and3A_178, %broadcast_in_dim3A_1, %add3A_184 : vector<16xi1>, vector<16xf32>
      %eq3A_186 = arith.cmpi eq, %select_n3A_173, %broadcast_in_dim3A_9 : vector<16xi32>
      %and3A_187 = arith.andi %gt3A_181, %eq3A_186 : vector<16xi1>
      %select_n3A_188 = arith.select %and3A_187, %broadcast_in_dim3A_7, %select_n3A_173 : vector<16xi1>, vector<16xi32>
      %add3A_189 = vector.broadcast %scan3A_163 : i32 to vector<16xi32>
      %add3A_190 = arith.addi %mul3A_16, %add3A_189 : vector<16xi32>
      tpu.vector_store_idx %arg7[%add3A_190, %broadcast_in_dim3A_26], %select_n3A_183 : memref<3200x8xf32, #tpu.memory_space<vmem>>[vector<16xi32>, vector<16xi32>], vector<16xf32>,
      tpu.vector_store_idx %arg7[%add3A_190, %broadcast_in_dim3A_28], %select_n3A_185 : memref<3200x8xf32, #tpu.memory_space<vmem>>[vector<16xi32>, vector<16xi32>], vector<16xf32>,
      %convert_element_type3A_191 = arith.sitofp %select_n3A_188 : vector<16xi32> to vector<16xf32>
      tpu.vector_store_idx %arg7[%add3A_190, %broadcast_in_dim3A_30], %convert_element_type3A_191 : memref<3200x8xf32, #tpu.memory_space<vmem>>[vector<16xi32>, vector<16xi32>], vector<16xf32>,
      %convert_element_type3A_192 = arith.sitofp %select_n3A_173 : vector<16xi32> to vector<16xf32>
      tpu.vector_store_idx %arg7[%add3A_190, %broadcast_in_dim3A_32], %convert_element_type3A_192 : memref<3200x8xf32, #tpu.memory_space<vmem>>[vector<16xi32>, vector<16xi32>], vector<16xf32>,
      scf.yield %or3A_180, %add3A_182, %select_n3A_185 : vector<16xi32>, vector<16xf32>, vector<16xf32>
    }
    %scan3A_73 = arith.constant 200 : i32
    %mul3A_74 = arith.constant 3200 : i32
    %mul3A_75 = arith.muli %add3A_57, %mul3A_74 : i32
    "tpu.region"() ({
      %run_scoped3A = tpu.sem_alloc : memref<!tpu.dma_semaphore, #tpu.memory_space<semaphore_mem>>
      %dma_start3A = arith.constant 0 : i32
      %dma_start3A_76 = tpu.memref_slice %arg4[%mul3A_75, %dma_start3A] : memref<204800x8xf32, #tpu.memory_space<hbm>> -> memref<3200x8xf32, #tpu.memory_space<hbm>>
      %dma_start3A_77 = arith.constant 0 : i32
      %dma_start3A_78 = tpu.memref_slice %arg4[%mul3A_75, %dma_start3A_77] : memref<204800x8xf32, #tpu.memory_space<hbm>> -> memref<3200x8xf32, #tpu.memory_space<hbm>>
      tpu.enqueue_dma source(%arg7 : memref<3200x8xf32, #tpu.memory_space<vmem>>) target(%dma_start3A_78 : memref<3200x8xf32, #tpu.memory_space<hbm>>) target_semaphore(%run_scoped3A : memref<!tpu.dma_semaphore, #tpu.memory_space<semaphore_mem>>)
      %dma_wait3A = arith.constant 0 : i32
      %dma_wait3A_79 = tpu.memref_slice %arg4[%mul3A_75, %dma_wait3A] : memref<204800x8xf32, #tpu.memory_space<hbm>> -> memref<3200x8xf32, #tpu.memory_space<hbm>>
      %dma_wait3A_80 = arith.constant 0 : i32
      %dma_wait3A_81 = tpu.memref_slice %arg4[%mul3A_75, %dma_wait3A_80] : memref<204800x8xf32, #tpu.memory_space<hbm>> -> memref<3200x8xf32, #tpu.memory_space<hbm>>
      tpu.wait_dma2 semaphore(%run_scoped3A : memref<!tpu.dma_semaphore, #tpu.memory_space<semaphore_mem>>) src(%arg7 : memref<3200x8xf32, #tpu.memory_space<vmem>>) dst(%dma_wait3A_81 : memref<3200x8xf32, #tpu.memory_space<hbm>>)
      tpu.yield
    }) : () -> ()
    return
  }
}

module attributes {stable_mosaic.version = 14 : i64} {
  func.func @_tc_prep_body(%arg0: memref<5x64xf32, #tpu.memory_space<vmem>>, %arg1: memref<5x64xf32, #tpu.memory_space<vmem>>, %arg2: memref<256x512xf32, #tpu.memory_space<vmem>>, %arg3: memref<256x512xf32, #tpu.memory_space<vmem>>, %arg4: memref<276x512xbf16, #tpu.memory_space<vmem>>, %arg5: memref<20x256xf32, #tpu.memory_space<vmem>>) attributes {dimension_semantics = [], scalar_prefetch = 0 : i64, scratch_operands = 1 : i64, tpu.core_type = #tpu.core_type<tc>} {
    %broadcast_in_dim3A = arith.constant 0.000000e+00 : f32
    %broadcast_in_dim3A_0 = vector.broadcast %broadcast_in_dim3A : f32 to vector<20x256xf32>
    %swap3A = arith.constant 0 : index
    %swap3A_1 = arith.constant 0 : index
    %swap3A_2 = vector.load %arg5[%swap3A, %swap3A_1] : memref<20x256xf32, #tpu.memory_space<vmem>>, vector<20x256xf32>
    tpu.vector_store %arg5[%swap3A, %swap3A_1], %broadcast_in_dim3A_0 {strides = array<i32>} : memref<20x256xf32, #tpu.memory_space<vmem>>, vector<20x256xf32>,
    %get3A = arith.constant 0 : index
    %get3A_3 = arith.constant 0 : index
    %get3A_4 = vector.load %arg0[%get3A, %get3A_3] : memref<5x64xf32, #tpu.memory_space<vmem>>, vector<5x64xf32>
    %swap3A_5 = arith.constant 0 : index
    %swap3A_6 = arith.constant 0 : index
    %swap3A_7 = vector.load %arg5[%swap3A_5, %swap3A_6] : memref<20x256xf32, #tpu.memory_space<vmem>>, vector<5x64xf32>
    tpu.vector_store %arg5[%swap3A_5, %swap3A_6], %get3A_4 {strides = array<i32>} : memref<20x256xf32, #tpu.memory_space<vmem>>, vector<5x64xf32>,
    %get3A_8 = arith.constant 0 : index
    %get3A_9 = arith.constant 0 : index
    %get3A_10 = vector.load %arg1[%get3A_8, %get3A_9] : memref<5x64xf32, #tpu.memory_space<vmem>>, vector<5x64xf32>
    %swap3A_11 = arith.constant 5 : index
    %swap3A_12 = arith.constant 64 : index
    %swap3A_13 = vector.load %arg5[%swap3A_11, %swap3A_12] : memref<20x256xf32, #tpu.memory_space<vmem>>, vector<5x64xf32>
    tpu.vector_store %arg5[%swap3A_11, %swap3A_12], %get3A_10 {strides = array<i32>} : memref<20x256xf32, #tpu.memory_space<vmem>>, vector<5x64xf32>,
    %get3A_14 = arith.constant 0 : index
    %get3A_15 = arith.constant 0 : index
    %get3A_16 = vector.load %arg0[%get3A_14, %get3A_15] : memref<5x64xf32, #tpu.memory_space<vmem>>, vector<5x64xf32>
    %swap3A_17 = arith.constant 10 : index
    %swap3A_18 = arith.constant 128 : index
    %swap3A_19 = vector.load %arg5[%swap3A_17, %swap3A_18] : memref<20x256xf32, #tpu.memory_space<vmem>>, vector<5x64xf32>
    tpu.vector_store %arg5[%swap3A_17, %swap3A_18], %get3A_16 {strides = array<i32>} : memref<20x256xf32, #tpu.memory_space<vmem>>, vector<5x64xf32>,
    %get3A_20 = arith.constant 0 : index
    %get3A_21 = arith.constant 0 : index
    %get3A_22 = vector.load %arg1[%get3A_20, %get3A_21] : memref<5x64xf32, #tpu.memory_space<vmem>>, vector<5x64xf32>
    %swap3A_23 = arith.constant 15 : index
    %swap3A_24 = arith.constant 192 : index
    %swap3A_25 = vector.load %arg5[%swap3A_23, %swap3A_24] : memref<20x256xf32, #tpu.memory_space<vmem>>, vector<5x64xf32>
    tpu.vector_store %arg5[%swap3A_23, %swap3A_24], %get3A_22 {strides = array<i32>} : memref<20x256xf32, #tpu.memory_space<vmem>>, vector<5x64xf32>,
    %get3A_26 = arith.constant 0 : index
    %get3A_27 = arith.constant 0 : index
    %get3A_28 = vector.load %arg5[%get3A_26, %get3A_27] : memref<20x256xf32, #tpu.memory_space<vmem>>, vector<20x256xf32>
    %get3A_29 = arith.constant 0 : index
    %get3A_30 = arith.constant 0 : index
    %get3A_31 = vector.load %arg3[%get3A_29, %get3A_30] : memref<256x512xf32, #tpu.memory_space<vmem>>, vector<256x512xf32>
    %dot_general3A = arith.constant dense<0.000000e+00> : vector<20x512xf32>
    %dot_general3A_32 = tpu.matmul %get3A_28, %get3A_31, %dot_general3A {dimension_numbers = #tpu.dot_dimension_numbers<[1], [0], [0], [1], [0, 0, 1, 1], [], []>, transpose_lhs_hint = false} : vector<20x256xf32>, vector<256x512xf32>, vector<20x512xf32> -> vector<20x512xf32>
    %get3A_33 = arith.constant 0 : index
    %get3A_34 = arith.constant 0 : index
    %get3A_35 = vector.load %arg2[%get3A_33, %get3A_34] : memref<256x512xf32, #tpu.memory_space<vmem>>, vector<256x512xf32>
    %convert_element_type3A = arith.truncf %get3A_35 : vector<256x512xf32> to vector<256x512xbf16>
    %swap3A_36 = arith.constant 0 : index
    %swap3A_37 = arith.constant 0 : index
    %swap3A_38 = vector.load %arg4[%swap3A_36, %swap3A_37] : memref<276x512xbf16, #tpu.memory_space<vmem>>, vector<256x512xbf16>
    tpu.vector_store %arg4[%swap3A_36, %swap3A_37], %convert_element_type3A {strides = array<i32>} : memref<276x512xbf16, #tpu.memory_space<vmem>>, vector<256x512xbf16>,
    %convert_element_type3A_39 = arith.truncf %dot_general3A_32 : vector<20x512xf32> to vector<20x512xbf16>
    %swap3A_40 = arith.constant 256 : index
    %swap3A_41 = arith.constant 0 : index
    %swap3A_42 = vector.load %arg4[%swap3A_40, %swap3A_41] : memref<276x512xbf16, #tpu.memory_space<vmem>>, vector<20x512xbf16>
    tpu.vector_store %arg4[%swap3A_40, %swap3A_41], %convert_element_type3A_39 {strides = array<i32>} : memref<276x512xbf16, #tpu.memory_space<vmem>>, vector<20x512xbf16>,
    return
  }
}

module attributes {stable_mosaic.version = 14 : i64} {
  func.func @_tc_dense_body(%arg0: i32, %arg1: memref<2048x8xf32, #tpu.memory_space<vmem>>, %arg2: memref<276x512xbf16, #tpu.memory_space<vmem>>, %arg3: memref<2048x512xf32, #tpu.memory_space<vmem>>, %arg4: memref<2048x276xbf16, #tpu.memory_space<vmem>>, %arg5: memref<2048x128xf32, #tpu.memory_space<vmem>>) attributes {dimension_semantics = [#tpu.dimension_semantics<parallel>], iteration_bounds = array<i64: 100>, scalar_prefetch = 0 : i64, scratch_operands = 2 : i64, tpu.core_type = #tpu.core_type<tc>, window_params = [{transform_indices = @transform_0, window_bounds = array<i64: 2048, 8>}, {pipeline_mode = #tpu.pipeline_mode<synchronous>, transform_indices = @transform_1, window_bounds = array<i64: 276, 512>}, {transform_indices = @transform_2, window_bounds = array<i64: 2048, 512>}]} {
    %get3A = arith.constant 0 : index
    %get3A_0 = arith.constant 0 : index
    %get3A_1 = vector.load %arg1[%get3A, %get3A_0] : memref<2048x8xf32, #tpu.memory_space<vmem>>, vector<2048x8xf32>
    %iota3A = tpu.iota {dimensions = array<i32: 1>} : vector<8x148xi32>
    %iota3A_2 = tpu.iota {dimensions = array<i32: 0>} : vector<8x148xi32>
    %and3A = arith.constant 3 : i32
    %and3A_3 = vector.broadcast %and3A : i32 to vector<8x148xi32>
    %and3A_4 = arith.andi %iota3A, %and3A_3 : vector<8x148xi32>
    %shift_right_arithmetic3A = arith.constant 2 : i32
    %shift_right_arithmetic3A_5 = vector.broadcast %shift_right_arithmetic3A : i32 to vector<8x148xi32>
    %shift_right_arithmetic3A_6 = arith.shrsi %iota3A, %shift_right_arithmetic3A_5 : vector<8x148xi32>
    %convert_element_type3A = arith.sitofp %shift_right_arithmetic3A_6 : vector<8x148xi32> to vector<8x148xf32>
    %mul3A = arith.constant -0.287823141 : f32
    %mul3A_7 = vector.broadcast %mul3A : f32 to vector<8x148xf32>
    %mul3A_8 = arith.mulf %convert_element_type3A, %mul3A_7 : vector<8x148xf32>
    %exp3A = math.exp %mul3A_8 : vector<8x148xf32>
    %eq3A = arith.constant 0 : i32
    %eq3A_9 = vector.broadcast %eq3A : i32 to vector<8x148xi32>
    %eq3A_10 = arith.cmpi eq, %and3A_4, %eq3A_9 : vector<8x148xi32>
    %eq3A_11 = arith.constant 1 : i32
    %eq3A_12 = vector.broadcast %eq3A_11 : i32 to vector<8x148xi32>
    %eq3A_13 = arith.cmpi eq, %and3A_4, %eq3A_12 : vector<8x148xi32>
    %eq3A_14 = arith.constant 2 : i32
    %eq3A_15 = vector.broadcast %eq3A_14 : i32 to vector<8x148xi32>
    %eq3A_16 = arith.cmpi eq, %and3A_4, %eq3A_15 : vector<8x148xi32>
    %jit3A = arith.constant 1 : i32
    %jit3A_17 = arith.constant 5 : i32
    %broadcast_in_dim3A = vector.broadcast %jit3A : i32 to vector<8x148xi32>
    %broadcast_in_dim3A_18 = vector.broadcast %jit3A_17 : i32 to vector<8x148xi32>
    %select_n3A = arith.select %eq3A_16, %broadcast_in_dim3A, %broadcast_in_dim3A_18 : vector<8x148xi1>, vector<8x148xi32>
    %jit3A_19 = arith.constant 4 : i32
    %broadcast_in_dim3A_20 = vector.broadcast %jit3A_19 : i32 to vector<8x148xi32>
    %select_n3A_21 = arith.select %eq3A_13, %broadcast_in_dim3A_20, %select_n3A : vector<8x148xi1>, vector<8x148xi32>
    %jit3A_22 = arith.constant 0 : i32
    %broadcast_in_dim3A_23 = vector.broadcast %jit3A_22 : i32 to vector<8x148xi32>
    %select_n3A_24 = arith.select %eq3A_10, %broadcast_in_dim3A_23, %select_n3A_21 : vector<8x148xi1>, vector<8x148xi32>
    %sub3A = arith.constant 128 : i32
    %sub3A_25 = vector.broadcast %sub3A : i32 to vector<8x148xi32>
    %sub3A_26 = arith.subi %iota3A, %sub3A_25 : vector<8x148xi32>
    %jit3A_27 = arith.constant 5 : i32
    %div3A = vector.broadcast %jit3A_27 : i32 to vector<8x148xi32>
    %div3A_28 = arith.divsi %sub3A_26, %div3A : vector<8x148xi32>
    %sign3A = arith.constant 0 : i32
    %sign3A_29 = vector.broadcast %sign3A : i32 to vector<8x148xi32>
    %sign3A_30 = arith.cmpi sgt, %sub3A_26, %sign3A_29 : vector<8x148xi32>
    %sign3A_31 = arith.extui %sign3A_30 : vector<8x148xi1> to vector<8x148xi32>
    %sign3A_32 = arith.constant 0 : i32
    %sign3A_33 = vector.broadcast %sign3A_32 : i32 to vector<8x148xi32>
    %sign3A_34 = arith.cmpi slt, %sub3A_26, %sign3A_33 : vector<8x148xi32>
    %sign3A_35 = arith.extui %sign3A_34 : vector<8x148xi1> to vector<8x148xi32>
    %sign3A_36 = arith.subi %sign3A_31, %sign3A_35 : vector<8x148xi32>
    %sign3A_37 = arith.constant 0 : i32
    %sign3A_38 = arith.cmpi sgt, %jit3A_27, %sign3A_37 : i32
    %sign3A_39 = arith.extui %sign3A_38 : i1 to i32
    %sign3A_40 = arith.constant 0 : i32
    %sign3A_41 = arith.cmpi slt, %jit3A_27, %sign3A_40 : i32
    %sign3A_42 = arith.extui %sign3A_41 : i1 to i32
    %sign3A_43 = arith.subi %sign3A_39, %sign3A_42 : i32
    %ne3A = vector.broadcast %sign3A_43 : i32 to vector<8x148xi32>
    %ne3A_44 = arith.cmpi ne, %sign3A_36, %ne3A : vector<8x148xi32>
    %rem3A = vector.broadcast %jit3A_27 : i32 to vector<8x148xi32>
    %rem3A_45 = arith.remsi %sub3A_26, %rem3A : vector<8x148xi32>
    %ne3A_46 = arith.constant 0 : i32
    %ne3A_47 = vector.broadcast %ne3A_46 : i32 to vector<8x148xi32>
    %ne3A_48 = arith.cmpi ne, %rem3A_45, %ne3A_47 : vector<8x148xi32>
    %and3A_49 = arith.andi %ne3A_44, %ne3A_48 : vector<8x148xi1>
    %sub3A_50 = arith.constant 1 : i32
    %sub3A_51 = vector.broadcast %sub3A_50 : i32 to vector<8x148xi32>
    %sub3A_52 = arith.subi %div3A_28, %sub3A_51 : vector<8x148xi32>
    %select_n3A_53 = arith.select %and3A_49, %sub3A_52, %div3A_28 : vector<8x148xi1>, vector<8x148xi32>
    %eq3A_54 = arith.constant 0 : i32
    %eq3A_55 = vector.broadcast %eq3A_54 : i32 to vector<8x148xi32>
    %eq3A_56 = arith.cmpi eq, %select_n3A_53, %eq3A_55 : vector<8x148xi32>
    %eq3A_57 = arith.constant 1 : i32
    %eq3A_58 = vector.broadcast %eq3A_57 : i32 to vector<8x148xi32>
    %eq3A_59 = arith.cmpi eq, %select_n3A_53, %eq3A_58 : vector<8x148xi32>
    %eq3A_60 = arith.constant 2 : i32
    %eq3A_61 = vector.broadcast %eq3A_60 : i32 to vector<8x148xi32>
    %eq3A_62 = arith.cmpi eq, %select_n3A_53, %eq3A_61 : vector<8x148xi32>
    %jit3A_63 = arith.constant 3 : i32
    %jit3A_64 = arith.constant 7 : i32
    %broadcast_in_dim3A_65 = vector.broadcast %jit3A_63 : i32 to vector<8x148xi32>
    %broadcast_in_dim3A_66 = vector.broadcast %jit3A_64 : i32 to vector<8x148xi32>
    %select_n3A_67 = arith.select %eq3A_62, %broadcast_in_dim3A_65, %broadcast_in_dim3A_66 : vector<8x148xi1>, vector<8x148xi32>
    %jit3A_68 = arith.constant 6 : i32
    %broadcast_in_dim3A_69 = vector.broadcast %jit3A_68 : i32 to vector<8x148xi32>
    %select_n3A_70 = arith.select %eq3A_59, %broadcast_in_dim3A_69, %select_n3A_67 : vector<8x148xi1>, vector<8x148xi32>
    %jit3A_71 = arith.constant 2 : i32
    %broadcast_in_dim3A_72 = vector.broadcast %jit3A_71 : i32 to vector<8x148xi32>
    %select_n3A_73 = arith.select %eq3A_56, %broadcast_in_dim3A_72, %select_n3A_70 : vector<8x148xi1>, vector<8x148xi32>
    %lt3A = arith.constant 128 : i32
    %lt3A_74 = vector.broadcast %lt3A : i32 to vector<8x148xi32>
    %lt3A_75 = arith.cmpi slt, %iota3A, %lt3A_74 : vector<8x148xi32>
    %select_n3A_76 = arith.select %lt3A_75, %select_n3A_24, %select_n3A_73 : vector<8x148xi1>, vector<8x148xi32>
    %lt3A_77 = arith.constant 128 : i32
    %lt3A_78 = vector.broadcast %lt3A_77 : i32 to vector<8x148xi32>
    %lt3A_79 = arith.cmpi slt, %iota3A, %lt3A_78 : vector<8x148xi32>
    %jit3A_80 = arith.constant 1.000000e+00 : f32
    %broadcast_in_dim3A_81 = vector.broadcast %jit3A_80 : f32 to vector<8x148xf32>
    %select_n3A_82 = arith.select %lt3A_79, %exp3A, %broadcast_in_dim3A_81 : vector<8x148xi1>, vector<8x148xf32>
    %eq3A_83 = arith.cmpi eq, %iota3A_2, %select_n3A_76 : vector<8x148xi32>
    %jit3A_84 = arith.constant 0.000000e+00 : f32
    %broadcast_in_dim3A_85 = vector.broadcast %jit3A_84 : f32 to vector<8x148xf32>
    %select_n3A_86 = arith.select %eq3A_83, %select_n3A_82, %broadcast_in_dim3A_85 : vector<8x148xi1>, vector<8x148xf32>
    %slice3A = vector.extract_strided_slice %select_n3A_86 {offsets = [0, 0], sizes = [8, 32], strides = [1, 1]} : vector<8x148xf32> to vector<8x32xf32>
    %dot_general3A = arith.constant dense<0.000000e+00> : vector<2048x32xf32>
    %dot_general3A_87 = tpu.matmul %get3A_1, %slice3A, %dot_general3A {dimension_numbers = #tpu.dot_dimension_numbers<[1], [0], [0], [1], [0, 0, 1, 1], [], []>, precision = #tpu.contract_precision<fp32>, transpose_lhs_hint = false} : vector<2048x8xf32>, vector<8x32xf32>, vector<2048x32xf32> -> vector<2048x32xf32>
    %slice3A_88 = vector.extract_strided_slice %select_n3A_86 {offsets = [0, 32], sizes = [8, 116], strides = [1, 1]} : vector<8x148xf32> to vector<8x116xf32>
    %dot_general3A_89 = arith.constant dense<0.000000e+00> : vector<2048x116xf32>
    %dot_general3A_90 = tpu.matmul %get3A_1, %slice3A_88, %dot_general3A_89 {dimension_numbers = #tpu.dot_dimension_numbers<[1], [0], [0], [1], [0, 0, 1, 1], [], []>, transpose_lhs_hint = false} : vector<2048x8xf32>, vector<8x116xf32>, vector<2048x116xf32> -> vector<2048x116xf32>
    %swap3A = arith.constant 0 : index
    %swap3A_91 = arith.constant 0 : index
    %swap3A_92 = vector.load %arg5[%swap3A, %swap3A_91] : memref<2048x128xf32, #tpu.memory_space<vmem>>, vector<2048x32xf32>
    tpu.vector_store %arg5[%swap3A, %swap3A_91], %dot_general3A_87 {strides = array<i32>} : memref<2048x128xf32, #tpu.memory_space<vmem>>, vector<2048x32xf32>,
    %slice3A_93 = vector.extract_strided_slice %dot_general3A_90 {offsets = [0, 0], sizes = [2048, 96], strides = [1, 1]} : vector<2048x116xf32> to vector<2048x96xf32>
    %swap3A_94 = arith.constant 0 : index
    %swap3A_95 = arith.constant 32 : index
    %swap3A_96 = vector.load %arg5[%swap3A_94, %swap3A_95] : memref<2048x128xf32, #tpu.memory_space<vmem>>, vector<2048x96xf32>
    tpu.vector_store %arg5[%swap3A_94, %swap3A_95], %slice3A_93 {strides = array<i32>} : memref<2048x128xf32, #tpu.memory_space<vmem>>, vector<2048x96xf32>,
    %get3A_97 = arith.constant 0 : index
    %get3A_98 = arith.constant 0 : index
    %get3A_99 = vector.load %arg5[%get3A_97, %get3A_98] : memref<2048x128xf32, #tpu.memory_space<vmem>>, vector<2048x128xf32>
    %mul3A_100 = arith.constant 0.159154937 : f32
    %mul3A_101 = vector.broadcast %mul3A_100 : f32 to vector<2048x128xf32>
    %mul3A_102 = arith.mulf %get3A_99, %mul3A_101 : vector<2048x128xf32>
    %add3A = arith.constant 5.000000e-01 : f32
    %add3A_103 = vector.broadcast %add3A : f32 to vector<2048x128xf32>
    %add3A_104 = arith.addf %mul3A_102, %add3A_103 : vector<2048x128xf32>
    %floor3A = math.floor %add3A_104 : vector<2048x128xf32>
    %mul3A_105 = arith.constant 6.28318548 : f32
    %mul3A_106 = vector.broadcast %mul3A_105 : f32 to vector<2048x128xf32>
    %mul3A_107 = arith.mulf %floor3A, %mul3A_106 : vector<2048x128xf32>
    %sub3A_108 = arith.subf %get3A_99, %mul3A_107 : vector<2048x128xf32>
    %mul3A_109 = arith.mulf %sub3A_108, %sub3A_108 : vector<2048x128xf32>
    %mul3A_110 = arith.constant 2.17330512E-6 : f32
    %mul3A_111 = vector.broadcast %mul3A_110 : f32 to vector<2048x128xf32>
    %mul3A_112 = arith.mulf %mul3A_109, %mul3A_111 : vector<2048x128xf32>
    %add3A_113 = arith.constant -1.93163782E-4 : f32
    %add3A_114 = vector.broadcast %add3A_113 : f32 to vector<2048x128xf32>
    %add3A_115 = arith.addf %add3A_114, %mul3A_112 : vector<2048x128xf32>
    %mul3A_116 = arith.mulf %mul3A_109, %add3A_115 : vector<2048x128xf32>
    %add3A_117 = arith.constant 0.00831239671 : f32
    %add3A_118 = vector.broadcast %add3A_117 : f32 to vector<2048x128xf32>
    %add3A_119 = arith.addf %add3A_118, %mul3A_116 : vector<2048x128xf32>
    %mul3A_120 = arith.mulf %mul3A_109, %add3A_119 : vector<2048x128xf32>
    %add3A_121 = arith.constant -0.166632622 : f32
    %add3A_122 = vector.broadcast %add3A_121 : f32 to vector<2048x128xf32>
    %add3A_123 = arith.addf %add3A_122, %mul3A_120 : vector<2048x128xf32>
    %mul3A_124 = arith.mulf %mul3A_109, %add3A_123 : vector<2048x128xf32>
    %add3A_125 = arith.constant 0.999984622 : f32
    %add3A_126 = vector.broadcast %add3A_125 : f32 to vector<2048x128xf32>
    %add3A_127 = arith.addf %add3A_126, %mul3A_124 : vector<2048x128xf32>
    %mul3A_128 = arith.mulf %sub3A_108, %add3A_127 : vector<2048x128xf32>
    %mul3A_129 = arith.constant 1.90652154E-5 : f32
    %mul3A_130 = vector.broadcast %mul3A_129 : f32 to vector<2048x128xf32>
    %mul3A_131 = arith.mulf %mul3A_109, %mul3A_130 : vector<2048x128xf32>
    %add3A_132 = arith.constant -0.00134410686 : f32
    %add3A_133 = vector.broadcast %add3A_132 : f32 to vector<2048x128xf32>
    %add3A_134 = arith.addf %add3A_133, %mul3A_131 : vector<2048x128xf32>
    %mul3A_135 = arith.mulf %mul3A_109, %add3A_134 : vector<2048x128xf32>
    %add3A_136 = arith.constant 0.0415223055 : f32
    %add3A_137 = vector.broadcast %add3A_136 : f32 to vector<2048x128xf32>
    %add3A_138 = arith.addf %add3A_137, %mul3A_135 : vector<2048x128xf32>
    %mul3A_139 = arith.mulf %mul3A_109, %add3A_138 : vector<2048x128xf32>
    %add3A_140 = arith.constant -0.499837607 : f32
    %add3A_141 = vector.broadcast %add3A_140 : f32 to vector<2048x128xf32>
    %add3A_142 = arith.addf %add3A_141, %mul3A_139 : vector<2048x128xf32>
    %mul3A_143 = arith.mulf %mul3A_109, %add3A_142 : vector<2048x128xf32>
    %add3A_144 = arith.constant 0.999971091 : f32
    %add3A_145 = vector.broadcast %add3A_144 : f32 to vector<2048x128xf32>
    %add3A_146 = arith.addf %add3A_145, %mul3A_143 : vector<2048x128xf32>
    %convert_element_type3A_147 = arith.truncf %mul3A_128 : vector<2048x128xf32> to vector<2048x128xbf16>
    %swap3A_148 = arith.constant 0 : index
    %swap3A_149 = arith.constant 0 : index
    %swap3A_150 = vector.load %arg4[%swap3A_148, %swap3A_149] : memref<2048x276xbf16, #tpu.memory_space<vmem>>, vector<2048x128xbf16>
    tpu.vector_store %arg4[%swap3A_148, %swap3A_149], %convert_element_type3A_147 {strides = array<i32>} : memref<2048x276xbf16, #tpu.memory_space<vmem>>, vector<2048x128xbf16>,
    %convert_element_type3A_151 = arith.truncf %add3A_146 : vector<2048x128xf32> to vector<2048x128xbf16>
    %swap3A_152 = arith.constant 0 : index
    %swap3A_153 = arith.constant 128 : index
    %swap3A_154 = vector.load %arg4[%swap3A_152, %swap3A_153] : memref<2048x276xbf16, #tpu.memory_space<vmem>>, vector<2048x128xbf16>
    tpu.vector_store %arg4[%swap3A_152, %swap3A_153], %convert_element_type3A_151 {strides = array<i32>} : memref<2048x276xbf16, #tpu.memory_space<vmem>>, vector<2048x128xbf16>,
    %convert_element_type3A_155 = arith.sitofp %sub3A_26 : vector<8x148xi32> to vector<8x148xf32>
    %slice3A_156 = vector.extract_strided_slice %convert_element_type3A_155 {offsets = [0, 128], sizes = [1, 20], strides = [1, 1]} : vector<8x148xf32> to vector<1x20xf32>
    %convert_element_type3A_157 = arith.sitofp %select_n3A_53 : vector<8x148xi32> to vector<8x148xf32>
    %slice3A_158 = vector.extract_strided_slice %convert_element_type3A_157 {offsets = [0, 128], sizes = [1, 20], strides = [1, 1]} : vector<8x148xf32> to vector<1x20xf32>
    %mul3A_159 = arith.constant 5.000000e+00 : f32
    %mul3A_160 = vector.broadcast %mul3A_159 : f32 to vector<1x20xf32>
    %mul3A_161 = arith.mulf %mul3A_160, %slice3A_158 : vector<1x20xf32>
    %sub3A_162 = arith.subf %slice3A_156, %mul3A_161 : vector<1x20xf32>
    %slice3A_163 = vector.extract_strided_slice %dot_general3A_90 {offsets = [0, 96], sizes = [2048, 20], strides = [1, 1]} : vector<2048x116xf32> to vector<2048x20xf32>
    %eq3A_164 = vector.broadcast %sub3A_162 : vector<1x20xf32> to vector<2048x20xf32>
    %eq3A_165 = arith.cmpf oeq, %slice3A_163, %eq3A_164 : vector<2048x20xf32>
    %jit3A_166 = arith.constant 1.000000e+00 : f32
    %jit3A_167 = arith.constant 0.000000e+00 : f32
    %broadcast_in_dim3A_168 = vector.broadcast %jit3A_166 : f32 to vector<2048x20xf32>
    %broadcast_in_dim3A_169 = vector.broadcast %jit3A_167 : f32 to vector<2048x20xf32>
    %select_n3A_170 = arith.select %eq3A_165, %broadcast_in_dim3A_168, %broadcast_in_dim3A_169 : vector<2048x20xi1>, vector<2048x20xf32>
    %convert_element_type3A_171 = arith.truncf %select_n3A_170 : vector<2048x20xf32> to vector<2048x20xbf16>
    %swap3A_172 = arith.constant 0 : index
    %swap3A_173 = arith.constant 256 : index
    %swap3A_174 = vector.load %arg4[%swap3A_172, %swap3A_173] : memref<2048x276xbf16, #tpu.memory_space<vmem>>, vector<2048x20xbf16>
    tpu.vector_store %arg4[%swap3A_172, %swap3A_173], %convert_element_type3A_171 {strides = array<i32>} : memref<2048x276xbf16, #tpu.memory_space<vmem>>, vector<2048x20xbf16>,
    %get3A_175 = arith.constant 0 : index
    %get3A_176 = arith.constant 0 : index
    %get3A_177 = vector.load %arg4[%get3A_175, %get3A_176] : memref<2048x276xbf16, #tpu.memory_space<vmem>>, vector<2048x276xbf16>
    %get3A_178 = arith.constant 0 : index
    %get3A_179 = arith.constant 0 : index
    %get3A_180 = vector.load %arg2[%get3A_178, %get3A_179] : memref<276x512xbf16, #tpu.memory_space<vmem>>, vector<276x512xbf16>
    %dot_general3A_181 = arith.constant dense<0.000000e+00> : vector<2048x512xf32>
    %dot_general3A_182 = tpu.matmul %get3A_177, %get3A_180, %dot_general3A_181 {dimension_numbers = #tpu.dot_dimension_numbers<[1], [0], [0], [1], [0, 0, 1, 1], [], []>, transpose_lhs_hint = false} : vector<2048x276xbf16>, vector<276x512xbf16>, vector<2048x512xf32> -> vector<2048x512xf32>
    %swap3A_183 = arith.constant 0 : index
    %swap3A_184 = arith.constant 0 : index
    %swap3A_185 = vector.load %arg3[%swap3A_183, %swap3A_184] : memref<2048x512xf32, #tpu.memory_space<vmem>>, vector<2048x512xf32>
    tpu.vector_store %arg3[%swap3A_183, %swap3A_184], %dot_general3A_182 {strides = array<i32>} : memref<2048x512xf32, #tpu.memory_space<vmem>>, vector<2048x512xf32>,
    return
  }
  func.func @transform_0(%arg0: i32) -> (i32, i32) {
    %c0_i32 = arith.constant 0 : i32
    %c0_i32_0 = arith.constant 0 : i32
    return %arg0, %c0_i32 : i32, i32
  }
  func.func @transform_1(%arg0: i32) -> (i32, i32) {
    %c0_i32 = arith.constant 0 : i32
    %c0_i32_0 = arith.constant 0 : i32
    %c0_i32_1 = arith.constant 0 : i32
    return %c0_i32, %c0_i32_0 : i32, i32
  }
  func.func @transform_2(%arg0: i32) -> (i32, i32) {
    %c0_i32 = arith.constant 0 : i32
    %c0_i32_0 = arith.constant 0 : i32
    return %arg0, %c0_i32 : i32, i32
  }
}

</mosaic_0001>

<sc_bundles>
// kernel: kernel.5.cloned.1.call-start
scs
__scs_entry_jumppad:
0x0: {  	(pc) =	sbr.rel $0x88, $3  }
0x1: {  	(tag) =	ssettag $0x0;
	lr =	simm.s32 $0x1  }
0x2: {  	[smem:$0x3F9C] =	sst lr;
	_ =	strace $0xD0000000  }
0x3: {  	_ = 	snop  }
0x4: {  	_ = 	snop  }
0x5: {  	_ = 	snop  }
0x6: {  	_ = 	snop  }
0x7: {  	_ = 	snop  }
__scs_overlays_trampoline_lowered:
0x8: {  	[smem:$0x3FAB] =	sst s0  }
0x9: {  	[smem:$0x3FAC] =	sst s1  }
0xa: {  	[smem:$0x3FAD] =	sst s2  }
0xb: {  	[smem:$0x3FAE] =	sst s3  }
0xc: {  	[smem:$0x3FAF] =	sst s4  }
0xd: {  	[smem:$0x3FB0] =	sst s5  }
0xe: {  	[smem:$0x3FB1] =	sst s6  }
0xf: {  	[smem:$0x3FB2] =	sst s7  }
0x10: {  	[smem:$0x3FB3] =	sst s8  }
0x11: {  	[smem:$0x3FB4] =	sst s9;
	s0 =	simm.s32 @!p0 $0x0  }
0x12: {  	s1 =	sld [smem:$0x3F9A];
	s0 =	simm.s32 @p0 $0x1  }
0x13: {  	[smem:$0x3FB5] =	sst s0;
	s0 =	simm.s32 @!p1 $0x0  }
0x14: {  	s2 =	sld [smem:$0x3F99];
	s0 =	simm.s32 @p1 $0x1  }
0x15: {  	[smem:$0x3FB6] =	sst s0;
	s0 =	simm.s32 @!p2 $0x0  }
0x16: {  	s3 =	sld [smem:$0x3FDB];
	s0 =	simm.s32 @p2 $0x1  }
0x17: {  	s4 =	simm.s32 $0x1BF5;
	[smem:$0x3FB8] =	sst s0  }
0x18: {  	s0 =	sld [smem:$0x3F9B];
	_ =	swait.ge [sflag:s4], $0x0  }
0x19: {  	s7 =	sld [smem:$0x3F9C]  }
0x1a: {  	s8 =	sadd.s32 $0xFFFFE003, lr  }
0x1b: {  	s9 =	sadd.s32 $0xFFFFFEF7, lr;
	s5 =	simm.s32 $0xFFFFFFFF;
	p2 =	slt.u32 s8, $0xFFFFF086  }
0x1c: {  	p1 =	slt.u32 s9, $0xF7A;
	s5 =	simm.s32 @!p2 $0x0  }
0x1d: {  	s5 =	simm.s32 @p1 $0x1;
	p0 =	seq.s32 s7, s2  }
0x1e: {  	s7 =	smul.u32 @!p0 $0xF7A, s2;
	p2 =	seq.s32 @!p0 s5, $0x0  }
0x1f: {  	s9 =	smul.u32 $0xF7A, s1;
	s8 =	simm.s32 @!p0 $0x1BF5;
	p2 =	por !p2, p0  }
0x20: {  	[sflag:s8] =	ssyncset.s32 @!p0 $0xFFFFF086;
	s6 =	sadd.s32 @!p0 s3, s7;
	s7 =	simm.s32 @!p0 $0x108  }
0x21: {  	s3 =	sadd.s32 s3, s9;
	s6 =	sadd.s32 @!p0 $0x88, s6;
	s7 =	simm.s32 @p2 $0x1082  }
0x22: {  	[simem:s7], [sflag:s8] =	dma.local @!p0 [hbm:s6], $0xF7A  }
0x23: {  	s9 =	sor.u32 $0xD0000000, s2;
	s6 =	simm.s32 $0x108;
	_ =	swait.ge @!p0 [sflag:s8], $0x0  }
0x24: {  	s3 =	sadd.s32 $0x88, s3;
	s6 =	simm.s32 @!p1 $0x1082;
	[sflag:s4] =	ssyncset.s32 $0xFFFFF086  }
0x25: {  	[simem:s6], [sflag:s4] =	dma.local [hbm:s3], $0xF7A  }
0x26: {  	[smem:$0x3F9C] =	sst s1;
	(tag) =	ssettag s2;
	_ =	strace s9  }
0x27: {  	s1 =	sld [smem:$0x3FAC]  }
0x28: {  	s2 =	sld [smem:$0x3FAD]  }
0x29: {  	s4 =	sld [smem:$0x3FAF]  }
0x2a: {  	p0 =	seq.s32 s5, $0x0;
	s5 =	sld [smem:$0x3FB0]  }
0x2b: {  	s6 =	sld [smem:$0x3FB1]  }
0x2c: {  	s7 =	sld [smem:$0x3FB2]  }
0x2d: {  	s3 =	simm.s32 $0x108;
	s8 =	sld [smem:$0x3FB3]  }
0x2e: {  	s3 =	simm.s32 @!p0 $0x1082;
	s9 =	sld [smem:$0x3FB4]  }
0x2f: {  	lr =	sadd.s32 s0, s3;
	s0 =	sld [smem:$0x3FAB]  }
0x30: {  	s3 =	sld [smem:$0x3FAE]  }
0x31: {  	[smem:$0x3FB7] =	sst s10  }
0x32: {  	s10 =	sld [smem:$0x3FB5];
	_ =	sdelay $0x3  }
0x33: {  	p0 =	seq.s32 s10, $0x1;
	s10 =	sld [smem:$0x3FB7];
	_ =	sdelay $0x3  }
0x34: {  	[smem:$0x3FB7] =	sst s10  }
0x35: {  	s10 =	sld [smem:$0x3FB6];
	_ =	sdelay $0x3  }
0x36: {  	p1 =	seq.s32 s10, $0x1;
	s10 =	sld [smem:$0x3FB7];
	_ =	sdelay $0x3  }
0x37: {  	[smem:$0x3FB7] =	sst s10  }
0x38: {  	s10 =	sld [smem:$0x3FB8]  }
0x39: {  	_ = 	snop;
	(pc) =	sbr.ind lr, $3  }
0x3a: {  	_ = 	snop  }
0x3b: {  	_ = 	snop  }
0x3c: {  	p2 =	seq.s32 s10, $0x1;
	s10 =	sld [smem:$0x3FB7]  }
0x3d: {  	_ =	shalt  }
0x3e: {  	_ =	shalt  }
0x3f: {  	_ =	shalt  }
0x40: {  	_ =	shalt  }
0x41: {  	_ =	shalt  }
0x42: {  	_ =	shalt  }
0x43: {  	_ =	shalt  }
0x44: {  	_ =	shalt  }
0x45: {  	_ =	shalt  }
0x46: {  	_ =	shalt  }
0x47: {  	_ =	shalt  }
0x48: {  	_ =	shalt  }
0x49: {  	_ =	shalt  }
0x4a: {  	_ =	shalt  }
0x4b: {  	_ =	shalt  }
0x4c: {  	_ =	shalt  }
0x4d: {  	_ =	shalt  }
0x4e: {  	_ =	shalt  }
0x4f: {  	_ =	shalt  }
0x50: {  	_ =	shalt  }
0x51: {  	_ =	shalt  }
0x52: {  	_ =	shalt  }
0x53: {  	_ =	shalt  }
0x54: {  	_ =	shalt  }
0x55: {  	_ =	shalt  }
0x56: {  	_ =	shalt  }
0x57: {  	_ =	shalt  }
0x58: {  	_ =	shalt  }
0x59: {  	_ =	shalt  }
0x5a: {  	_ =	shalt  }
0x5b: {  	_ =	shalt  }
0x5c: {  	_ =	shalt  }
0x5d: {  	_ =	shalt  }
0x5e: {  	_ =	shalt  }
0x5f: {  	_ =	shalt  }
0x60: {  	_ =	shalt  }
0x61: {  	_ =	shalt  }
0x62: {  	_ =	shalt  }
0x63: {  	_ =	shalt  }
0x64: {  	_ =	shalt  }
0x65: {  	_ =	shalt  }
0x66: {  	_ =	shalt  }
0x67: {  	_ =	shalt  }
0x68: {  	_ =	shalt  }
0x69: {  	_ =	shalt  }
0x6a: {  	_ =	shalt  }
0x6b: {  	_ =	shalt  }
0x6c: {  	_ =	shalt  }
0x6d: {  	_ =	shalt  }
0x6e: {  	_ =	shalt  }
0x6f: {  	_ =	shalt  }
0x70: {  	_ =	shalt  }
0x71: {  	_ =	shalt  }
0x72: {  	_ =	shalt  }
0x73: {  	_ =	shalt  }
0x74: {  	_ =	shalt  }
0x75: {  	_ =	shalt  }
0x76: {  	_ =	shalt  }
0x77: {  	_ =	shalt  }
0x78: {  	_ =	shalt  }
0x79: {  	_ =	shalt  }
0x7a: {  	_ =	shalt  }
0x7b: {  	_ =	shalt  }
0x7c: {  	_ =	shalt  }
0x7d: {  	_ =	shalt  }
0x7e: {  	_ =	shalt  }
0x7f: {  	_ =	shalt  }
0x80: {  	_ =	shalt  }
0x81: {  	_ =	shalt  }
0x82: {  	_ =	shalt  }
0x83: {  	_ =	shalt  }
0x84: {  	_ =	shalt  }
0x85: {  	_ =	shalt  }
0x86: {  	_ =	shalt  }
0x87: {  	_ =	shalt  }
.Lfunc_end0:
.L_simem_size_0:
called_computation_lowered:
.L_overlay_start_0:
0x88: {  	s2 =	sld [smem:$0x3FD9]  }
0x89: {  	s3 =	sld [smem:$0x3FFE];
	_ =	sdelay $0x1  }
0x8a: {  	s1 =	srdreg.scid  }
0x8b: {  	s0 =	sand.u32 $0x1, s1  }
0x8c: {  	s17 =	sshll.u32 s0, $0xA;
	s2 =	sadd.s32 s3, s2  }
0x8d: {  	s2 =	sadd.s32 s2, s17  }
0x8e: {  	[smem:$0x3FC3] =	sst s2  }
0x8f: {  	_ = 	snop  }
0x90: {  	s2 =	sld [smem:$0x3FD0];
	(tm) =	ssettm $0x1  }
0x91: {  	s18 =	sld [smem:$0x3FFB];
	_ =	sdelay $0x3  }
0x92: {  	_ =	strace s18  }
0x93: {  	s3 =	sld [smem:$0x3FFC];
	_ =	sdelay $0x3  }
0x94: {  	_ =	strace s3  }
0x95: {  	s3 =	sld [smem:$0x3FFD];
	_ =	sdelay $0x3  }
0x96: {  	_ =	strace s3  }
0x97: {  	_ =	strace $0x8FFFFFFF  }
0x98: {  	s19 =	sld [smem:$0x3FDB];
	_ =	sdelay $0x1  }
0x99: {  	s4 =	simm.s32 $_scs_section_size  }
0x9a: {  	s5 =	simm.s32 $_size__tile_overlayer_lowered;
	s6 =	simm.s32 $_tile_overlayer_lowered  }
0x9b: {  	s22 =	simm.s32 $0x1BFF;
	s21 =	sshll.u32 s6, $0x1;
	s3 =	sadd.s32 s4, s19  }
0x9c: {  	s7 =	simm.s32 $0x0;
	s20 =	sshll.u32 s5, $0x1;
	s5 =	sadd.s32 s21, s3  }
0x9d: {  	[timem:s7], [sflag:s22] =	dma.local [hbm:s5], s20  }
0x9e: {  	_ =	swait.ge [sflag:s22], s20  }
0x9f: {  	s4 =	ssub.s32 $0x0, s20;
	[sflag:s22] =	ssyncset.done $0x0  }
0xa0: {  	[sflag:s22] =	ssyncadd.s32 s4;
	_ =	sdelay $0x1  }
0xa1: {  	s23 =	simm.s32 $0x1B8B  }
0xa2: {  	_ =	swait.ge [sflag:s23], $0x1  }
0xa3: {  	[sflag:s23] =	ssyncset.done $0x0  }
0xa4: {  	s25 =	simm.s32 $0x1B8E;
	s24 =	sld [smem:$0x3FFE];
	[sflag:s23] =	ssyncadd.s32 $0xFFFFFFFF  }
0xa5: {  	s26 =	simm.s32 $execute0_lowered;
	[smem:$0x3FD2] =	sst s25  }
0xa6: {  	s5 =	sshll.u32 s26, $0x1;
	_ =	strace $0x80000046;
	[dreg:$0x1] =	wrdreg $0xFFFFFFFF  }
0xa7: {  	s28 =	simm.s32 $_size_execute0_lowered;
	s3 =	sadd.s32 s3, s5;
	[dreg:$0x0] =	wrdreg $0x0  }
0xa8: {  	s5 =	sshll.u32 s28, $0x1;
	[dreg:$0x2] =	wrdreg s3  }
0xa9: {  	[dreg:$0x3] =	wrdreg s5  }
0xaa: {  	[dreg:$0x4] =	wrdreg $0xC0  }
0xab: {  	_ =	task [dreg:s7], $0x5FFFF  }
0xac: {  	[dreg:$0x1] =	wrdreg $0xFFFFFFFF  }
0xad: {  	[dreg:$0x0] =	wrdreg $0x60  }
0xae: {  	[dreg:$0x2] =	wrdreg s24  }
0xaf: {  	[dreg:$0x3] =	wrdreg s2  }
0xb0: {  	[dreg:$0x4] =	wrdreg $0x9  }
0xb1: {  	_ =	task.clear_ibuf [dreg:s7], $0x5FFFF;
	_ =	strace $0x90000046  }
0xb2: {  	s29 =	simm.s32 $0x9;
	_ =	strace $0x80000048  }
0xb3: {  	_ =	swait.ge [sflag:s29], $0x1  }
0xb4: {  	[sflag:s29] =	ssyncadd.s32 $0xFFFFFFFF  }
0xb5: {  	_ =	strace $0x90000048  }
0xb6: {  	_ =	sfence  }
0xb7: {  	s30 =	sld [smem:$0x0];
	_ =	sdelay $0x2  }
0xb8: {  	s31 =	sshll.u32 s1, $0xD;
	s1 =	sshrl.u32 s1, $0x2  }
0xb9: {  	s3 =	sand.u32 $0x4000, s31;
	s1 =	sadd.s32 s1, s30  }
0xba: {  	s0 =	sor.u32 s3, s0;
	s1 =	sshll.u32 s1, $0x11  }
0xbb: {  	s0 =	sor.u32 s1, s0  }
0xbc: {  	s0 =	sadd.s32 $0x8F2B, s0  }
0xbd: {  	[sflag:s0] =	ssyncadd.remote.s32 $0x1  }
0xbe: {  	_ =	sfence.sel $0xFFFF  }
0xbf: {  	[dreg:$0x0] =	wrdreg $0xFFFFFFFF;
	(pc) =	sbr.abs _section_cstart, $3  }
0xc0: {  	[dreg:$0x1] =	wrdreg $0xFFFFFFFF  }
0xc1: {  	_ =	task.clear_ibuf [dreg:s7], $0x2FFFF;
	_ =	strace $0x9FFFFFFF  }
0xc2: {  	(tm) =	ssettm $0x7FFFFFFF  }
0xc3: {  	_ =	shalt  }
tec
execute0_lowered:
.L_overlay_start_1:
0x0: {  	(tag) =	ssettag $0x1  }
0x1: {  	s3 =	rddreg [dreg:$0x0]  }
0x2: {  	s8 =	rddreg [dreg:$0x1]  }
0x3: {  	s0 =	rddreg [dreg:$0x2]  }
0x4: {  	s4 =	srdreg.scid;
	s1 =	stileid.u32  }
0x5: {  	s2 =	simm.s32 $0x0;
	s4 =	sand.u32 $0x1, s4;
	s5 =	sshll.u32 s1, $0x1  }
0x6: {  	[smem:$0x7FF] =	sst s2;
	s6 =	sadd.s32 $0xC00, s3;
	s5 =	sor.u32 s4, s5  }
0x7: {  	s11 =	sadd.s32 $0xD400, s3;
	s4 =	ssub.s32 $0x2, s4;
	s7 =	smul.u32 $0x640, s5  }
0x8: {  	v2 =	vlaneseq.u32;
	s9 =	sshrl.u32 s4, $0x1;
	s10 =	smul.u32 $0x1900, s5;
	s5 =	sshllo.u32 s5, $0x1  }
0x9: {  	v0 =	vmul.u32 $0x190, v2;
	_ =	strace $0x80000047;
	s9 =	ssub.s32 s4, s9;
	s12 =	smul.u32 $0x320, s5  }
0xa: {  	vm0 =	vcmask $0x300;
	v1 =	vimm.s32 $0x0;
	s13 =	smul.u32 $0xC80, s5;
	s3 =	sadd.s32 s6, s7;
	s4 =	sadd.s32 s11, s7  }
0xb: {  	v2 =	vmul.u32 $0x640, v2;
	v6 =	vsel vm0, $0x3, v1;
	v3 =	vor.u32 $0x2, v0;
	s5 =	sadd.s32 s8, s10;
	s9 =	smax.u32 s9, $0x1;
	s10 =	simm.s32 $0x1  }
0xc: {  	v4 =	vor.u32 $0x4, v0;
	v5 =	vor.u32 $0x6, v0;
	v7 =	vor.u32 $0x1, v0;
	s6 =	sadd.s32 s6, s12;
	s7 =	sadd.s32 s11, s12;
	s8 =	sadd.s32 s8, s13  }
0xd: {  	v8 =	vor.u32 $0x3, v0;
	v9 =	vor.u32 $0x5, v0;
	v10 =	vor.u32 $0x7, v0;
	s11 =	simm.s32 $0x1900;
	s12 =	simm.s32 $0x3200;
	s13 =	simm.s32 $0x0  }
.LBB2_1:
0xe: {  	s14 =	simm.s32 $0x0  }
0xf: {  	v11 =	vmov s14  }
0x10: {  	v11 =	vshrl.u32 v11, $0x3  }
0x11: {  	[tilespmem:s2], [sflag:$0x1] =	stream.linear.gather [hbm4b:s3+s2], $0x1900, $0x38;
	v11 =	vshll.u32 v11, v6;
	[tilespmem:$0x9600] =	vst v63  }
0x12: {  	_ =	swait.ge [sflag:s10], $0x1900;
	v13 =	vbroadcast v11, $0x0  }
0x13: {  	[sflag:s10] =	ssyncset.done $0x0  }
0x14: {  	[sflag:s10] =	ssyncadd.s32 $0xFFFFE700;
	v11 =	vadd.s32 v0, v13  }
0x15: {  	[tilespmem:s11], [sflag:$0x1] =	stream.linear.gather [hbm4b:s4+s2], $0x1900, $0x38;
	[tilespmem:$0x9600] =	vst v63  }
0x16: {  	_ =	swait.ge [sflag:s10], $0x1900  }
0x17: {  	[sflag:s10] =	ssyncset.done $0x0  }
0x18: {  	[sflag:s10] =	ssyncadd.s32 $0xFFFFE700  }
0x19: {  	v12 =	vld.idx.msk [tilespmem:v11+s2+$0x0], $0xffff;
	_ =	sdelay $0x1  }
0x1a: {  	s26 =	simm.s32 $0x2;
	v16 =	vmov s2  }
0x1b: {  	v14 =	vmov s26;
	v16 =	vshll.u32 v16, $0x3;
	v15 =	vld.idx.msk [tilespmem:v11+s11+$0x0], $0xffff  }
0x1c: {  	v14 =	vshrl.u32 v14, $0x3;
	v16 =	vadd.s32 v2, v16  }
0x1d: {  	v14 =	vshll.u32 v14, v6;
	v18 =	vor.u32 $0x1, v16;
	v17 =	vadd.s32 $0xFFFFFFFC, v12  }
0x1e: {  	v19 =	vor.u32 $0x2, v16;
	vm1 =	vlt.s32 v12, $0x5;
	vm2 =	vlt.u32 v17, $0xFFFFFFFE  }
0x1f: {  	v14 =	vbroadcast v14, $0x0;
	v11 =	vimm.f32 $0.0e+00;
	vm2 =	vmand vm1, vm2  }
0x20: {  	vm3 =	vgt.s32 v12, $0x3;
	v15 =	vsel vm1, $0x0, v15;
	v20 =	vsel vm2, $0x1, v1  }
0x21: {  	vm1 =	vlt.s32 v12, $0x4;
	v21 =	vadd.f32 v15, v11;
	v20 =	vor.u32 v20, v1  }
0x22: {  	v15 =	vor.u32 $0x3, v16;
	v22 =	vnsel vm1, $0x4, v12;
	vm1 =	vgt.s32 v20, $0x0  }
0x23: {  	v17 =	vadd.s32 v3, v14;
	v22 =	vcvt.s32.f32 v22;
	v12 =	vsel vm1, $0x0, v21  }
0x24: {  	v23 =	vsel vm2, $0x0, v21;
	vm1 =	vmand vm3, vm1;
	[tilespmem:v16+s12+$0x0] =	vst.idx.msk $0xffff, v12  }
0x25: {  	v12 =	vsel vm1, $0x3F800000, v22;
	[tilespmem:v18+s12+$0x0] =	vst.idx.msk $0xffff, v23  }
0x26: {  	[tilespmem:v19+s12+$0x0] =	vst.idx.msk $0xffff, v12  }
0x27: {  	[tilespmem:v15+s12+$0x0] =	vst.idx.msk $0xffff, v22  }
0x28: {  	s28 =	simm.s32 $0x4;
	v19 =	vld.idx.msk [tilespmem:v17+s2+$0x0], $0xffff  }
0x29: {  	v12 =	vmov s28  }
0x2a: {  	s15 =	simm.s32 $0x1;
	v12 =	vshrl.u32 v12, $0x3  }
0x2b: {  	s14 =	simm.s32 $0x6;
	v15 =	vmov s15;
	v12 =	vshll.u32 v12, v6;
	v17 =	vld.idx.msk [tilespmem:v17+s11+$0x0], $0xffff  }
0x2c: {  	v18 =	vmov s14;
	v15 =	vshll.u32 v15, $0x3;
	v16 =	vbroadcast v12, $0x0  }
0x2d: {  	v12 =	vadd.s32 v2, v15;
	v15 =	vshrl.u32 v18, $0x3;
	v18 =	vadd.s32 $0xFFFFFFFC, v19  }
0x2e: {  	v24 =	vor.u32 $0x2, v12;
	vm1 =	vlt.s32 v19, $0x5;
	vm2 =	vlt.u32 v18, $0xFFFFFFFE  }
0x2f: {  	v25 =	vor.u32 $0x1, v12;
	v26 =	vor.u32 $0x3, v12;
	vm2 =	vmand vm1, vm2  }
0x30: {  	vm3 =	vlt.s32 v19, $0x4;
	v17 =	vsel vm1, $0x0, v17;
	v22 =	vsel vm2, $0x1, v1  }
0x31: {  	vm1 =	vgt.s32 v19, $0x3;
	v21 =	vadd.f32 v17, v21;
	v22 =	vor.u32 v22, v20  }
0x32: {  	v19 =	vnsel vm3, $0x4, v19;
	v17 =	vadd.f32 v17, v23;
	vm3 =	vgt.s32 v22, $0x0  }
0x33: {  	s29 =	simm.s32 $0x2;
	v28 =	vadd.s32 v4, v16;
	v19 =	vcvt.s32.f32 v19;
	v23 =	vsel vm3, $0x0, v21  }
0x34: {  	v20 =	vmov s29;
	v27 =	vsel vm2, $0x0, v17;
	vm1 =	vmand vm1, vm3;
	[tilespmem:v12+s12+$0x0] =	vst.idx.msk $0xffff, v23  }
0x35: {  	s30 =	simm.s32 $0x8;
	s31 =	simm.s32 $0xA;
	v15 =	vshll.u32 v15, v6;
	v17 =	vshll.u32 v20, $0x3;
	v23 =	vsel vm1, $0x3F800000, v19;
	[tilespmem:v25+s12+$0x0] =	vst.idx.msk $0xffff, v27  }
0x36: {  	v20 =	vadd.s32 v2, v17;
	v17 =	vmov s31;
	v12 =	vmov s30;
	[tilespmem:v24+s12+$0x0] =	vst.idx.msk $0xffff, v23  }
0x37: {  	v15 =	vbroadcast v15, $0x0;
	v17 =	vshrl.u32 v17, $0x3;
	v12 =	vshrl.u32 v12, $0x3;
	[tilespmem:v26+s12+$0x0] =	vst.idx.msk $0xffff, v19  }
0x38: {  	v17 =	vshll.u32 v17, v6;
	v12 =	vshll.u32 v12, v6;
	v29 =	vld.idx.msk [tilespmem:v28+s2+$0x0], $0xffff  }
0x39: {  	v18 =	vadd.s32 v5, v15;
	v12 =	vbroadcast v12, $0x0  }
0x3a: {  	s20 =	simm.s32 $0x8;
	s16 =	simm.s32 $0xC;
	s17 =	simm.s32 $0xE;
	v25 =	vor.u32 $0x2, v20;
	v23 =	vor.u32 $0x1, v20;
	v24 =	vbroadcast v17, $0x0;
	v30 =	vld.idx.msk [tilespmem:v28+s11+$0x0], $0xffff  }
0x3b: {  	s18 =	simm.s32 $0x0;
	s19 =	simm.s32 $0x0;
	s15 =	simm.s32 $0x4;
	v26 =	vor.u32 $0x3, v20;
	v28 =	vmov s16;
	v17 =	vmovc v6;
	v19 =	vadd.s32 v0, v12  }
.LBB2_2:
0x3c: {  	p0 =	slt.u32 s20, $0xC4;
	v12 =	vshrl.u32 v28, $0x3;
	s16 =	smov.u32 s20;
	s20 =	sadd.s32 $0x4, s20  }
0x3d: {  	vm1 =	vlt.s32 v29, $0x4;
	v28 =	vadd.s32 $0xFFFFFFFC, v29;
	vm2 =	vgt.s32 v29, $0x3;
	s21 =	sadd.s32 $0x3, s18;
	s18 =	smov.u32 s15;
	s15 =	smov.u32 s16  }
0x3e: {  	vm3 =	vlt.s32 v29, $0x5;
	vm4 =	vlt.u32 v28, $0xFFFFFFFE;
	v28 =	vmov s21  }
0x3f: {  	v30 =	vsel vm3, $0x0, v30;
	vm3 =	vmand vm3, vm4;
	v28 =	vshll.u32 v28, $0x3  }
0x40: {  	v12 =	vshll.u32 v12, v17;
	v31 =	vsel vm3, $0x1, v1;
	v21 =	vadd.f32 v30, v21  }
0x41: {  	v12 =	vbroadcast v12, $0x0;
	v28 =	vadd.s32 v2, v28;
	v22 =	vor.u32 v31, v22  }
0x42: {  	v29 =	vnsel vm1, $0x4, v29;
	v27 =	vadd.f32 v30, v27;
	vm1 =	vgt.s32 v22, $0x0  }
0x43: {  	s16 =	simm.s32 $0x0;
	v29 =	vcvt.s32.f32 v29;
	v31 =	vor.u32 $0x1, v28;
	v30 =	vsel vm1, $0x0, v21  }
0x44: {  	v27 =	vsel vm3, $0x0, v27;
	vm1 =	vmand vm2, vm1;
	[tilespmem:v20+s12+$0x0] =	vst.idx.msk $0xffff, v30;
	v20 =	vor.u32 $0x2, v28  }
0x45: {  	v30 =	vor.u32 $0x3, v28;
	[tilespmem:v23+s12+$0x0] =	vst.idx.msk $0xffff, v27;
	v23 =	vsel vm1, $0x3F800000, v29  }
0x46: {  	[tilespmem:v25+s12+$0x0] =	vst.idx.msk $0xffff, v23  }
0x47: {  	[tilespmem:v26+s12+$0x0] =	vst.idx.msk $0xffff, v29  }
0x48: {  	v23 =	vld.idx.msk [tilespmem:v18+s19+$0x0], $0xffff;
	s19 =	smov.u32 s16  }
0x49: {  	v25 =	vmov s18;
	v18 =	vld.idx.msk [tilespmem:v18+s11+$0x0], $0xffff;
	_ =	sdelay $0x1  }
0x4a: {  	v24 =	vadd.s32 v3, v24  }
0x4b: {  	v25 =	vshll.u32 v25, $0x3  }
0x4c: {  	v25 =	vadd.s32 v2, v25  }
0x4d: {  	v26 =	vor.u32 $0x1, v25;
	vm1 =	vlt.s32 v23, $0x4;
	v29 =	vadd.s32 $0xFFFFFFFC, v23  }
0x4e: {  	v32 =	vor.u32 $0x2, v25;
	vm2 =	vlt.s32 v23, $0x5;
	vm3 =	vlt.u32 v29, $0xFFFFFFFE  }
0x4f: {  	v29 =	vnsel vm1, $0x4, v23;
	v18 =	vsel vm2, $0x0, v18;
	vm1 =	vmand vm2, vm3  }
0x50: {  	v33 =	vor.u32 $0x3, v25;
	v21 =	vadd.f32 v18, v21;
	v34 =	vsel vm1, $0x1, v1  }
0x51: {  	v18 =	vadd.f32 v18, v27;
	v22 =	vor.u32 v34, v22  }
0x52: {  	vm3 =	vgt.s32 v23, $0x3;
	v23 =	vcvt.s32.f32 v29;
	vm2 =	vgt.s32 v22, $0x0  }
0x53: {  	v18 =	vsel vm1, $0x0, v18;
	v27 =	vsel vm2, $0x0, v21;
	vm1 =	vmand vm3, vm2  }
0x54: {  	[tilespmem:v28+s12+$0x0] =	vst.idx.msk $0xffff, v27  }
0x55: {  	v27 =	vsel vm1, $0x3F800000, v23;
	[tilespmem:v31+s12+$0x0] =	vst.idx.msk $0xffff, v18  }
0x56: {  	[tilespmem:v20+s12+$0x0] =	vst.idx.msk $0xffff, v27  }
0x57: {  	[tilespmem:v30+s12+$0x0] =	vst.idx.msk $0xffff, v23  }
0x58: {  	v20 =	vld.idx.msk [tilespmem:v19+s19+$0x0], $0xffff;
	_ =	sdelay $0x2  }
0x59: {  	s21 =	sadd.s32 $0x1, s18;
	v19 =	vld.idx.msk [tilespmem:v19+s11+$0x0], $0xffff  }
0x5a: {  	v23 =	vmov s21  }
0x5b: {  	v23 =	vshll.u32 v23, $0x3  }
0x5c: {  	v28 =	vadd.s32 v2, v23;
	vm1 =	vlt.s32 v20, $0x5;
	v27 =	vadd.s32 $0xFFFFFFFC, v20  }
0x5d: {  	v30 =	vadd.s32 v4, v12;
	v29 =	vor.u32 $0x2, v28;
	vm2 =	vlt.u32 v27, $0xFFFFFFFE  }
0x5e: {  	v31 =	vor.u32 $0x1, v28;
	vm3 =	vgt.s32 v20, $0x3;
	vm2 =	vmand vm1, vm2  }
0x5f: {  	vm4 =	vlt.s32 v20, $0x4;
	v12 =	vsel vm1, $0x0, v19;
	v19 =	vsel vm2, $0x1, v1  }
0x60: {  	v34 =	vor.u32 $0x3, v28;
	v19 =	vor.u32 v19, v22;
	v21 =	vadd.f32 v12, v21  }
0x61: {  	v20 =	vnsel vm4, $0x4, v20;
	v12 =	vadd.f32 v12, v18;
	vm1 =	vgt.s32 v19, $0x0  }
0x62: {  	v20 =	vcvt.s32.f32 v20;
	v18 =	vsel vm1, $0x0, v21;
	vm1 =	vmand vm3, vm1  }
0x63: {  	v12 =	vsel vm2, $0x0, v12;
	[tilespmem:v25+s12+$0x0] =	vst.idx.msk $0xffff, v18  }
0x64: {  	v22 =	vmov s17;
	v18 =	vsel vm1, $0x3F800000, v20;
	[tilespmem:v26+s12+$0x0] =	vst.idx.msk $0xffff, v12  }
0x65: {  	[tilespmem:v32+s12+$0x0] =	vst.idx.msk $0xffff, v18;
	v18 =	vshrl.u32 v22, $0x3  }
0x66: {  	[tilespmem:v33+s12+$0x0] =	vst.idx.msk $0xffff, v20;
	v17 =	vshll.u32 v18, v17  }
0x67: {  	v20 =	vld.idx.msk [tilespmem:v24+s19+$0x0], $0xffff;
	v17 =	vbroadcast v17, $0x0;
	_ =	sdelay $0x1  }
0x68: {  	v22 =	vld.idx.msk [tilespmem:v24+s11+$0x0], $0xffff  }
0x69: {  	v18 =	vadd.s32 v5, v17;
	_ =	sdelay $0x2  }
0x6a: {  	s21 =	sadd.s32 $0x2, s18;
	vm2 =	vlt.s32 v20, $0x4;
	v17 =	vadd.s32 $0xFFFFFFFC, v20;
	vm1 =	vgt.s32 v20, $0x3  }
0x6b: {  	vm3 =	vlt.s32 v20, $0x5;
	vm4 =	vlt.u32 v17, $0xFFFFFFFE;
	v17 =	vmov s21  }
0x6c: {  	v23 =	vnsel vm2, $0x4, v20;
	v20 =	vsel vm3, $0x0, v22;
	vm2 =	vmand vm3, vm4  }
0x6d: {  	v17 =	vshll.u32 v17, $0x3;
	v22 =	vsel vm2, $0x1, v1;
	v21 =	vadd.f32 v20, v21  }
0x6e: {  	v22 =	vor.u32 v22, v19;
	v19 =	vadd.f32 v20, v12;
	v20 =	vadd.s32 v2, v17  }
0x6f: {  	v24 =	vcvt.s32.f32 v23;
	vm3 =	vgt.s32 v22, $0x0;
	v23 =	vor.u32 $0x1, v20  }
0x70: {  	v12 =	vimm.s32 $0x0;
	v25 =	vor.u32 $0x2, v20;
	v27 =	vsel vm2, $0x0, v19  }
0x71: {  	s17 =	sadd.s32 $0x8, s17;
	v17 =	vsel vm0, $0x3, v12;
	v26 =	vor.u32 $0x3, v20;
	v19 =	vsel vm3, $0x0, v21  }
0x72: {  	s21 =	sadd.s32 $0xFFFFFFFA, s17;
	vm1 =	vmand vm1, vm3;
	[tilespmem:v28+s12+$0x0] =	vst.idx.msk $0xffff, v19  }
0x73: {  	v19 =	vmov s21;
	v28 =	vsel vm1, $0x3F800000, v24;
	[tilespmem:v31+s12+$0x0] =	vst.idx.msk $0xffff, v27  }
0x74: {  	v19 =	vshrl.u32 v19, $0x3;
	[tilespmem:v29+s12+$0x0] =	vst.idx.msk $0xffff, v28  }
0x75: {  	v19 =	vshll.u32 v19, v17;
	[tilespmem:v34+s12+$0x0] =	vst.idx.msk $0xffff, v24  }
.Ltmp0:
0x76: {  	s21 =	sadd.s32 $0xFFFFFFFC, s17;
	v19 =	vbroadcast v19, $0x0;
	v29 =	vld.idx.msk [tilespmem:v30+s19+$0x0], $0xffff;
	(pc) =	sbr.rel @p0 .LBB2_2-.Ltmp0, $4  }
0x77: {  	v24 =	vmov s21;
	s21 =	sadd.s32 $0xFFFFFFFE, s17  }
0x78: {  	v24 =	vshrl.u32 v24, $0x3;
	v19 =	vadd.s32 v0, v19;
	v30 =	vld.idx.msk [tilespmem:v30+s11+$0x0], $0xffff  }
0x79: {  	v28 =	vmov s21;
	v24 =	vshll.u32 v24, v17  }
0x7a: {  	v24 =	vbroadcast v24, $0x0  }
0x7b: {  	v31 =	vadd.s32 $0xFFFFFFFC, v29  }
0x7c: {  	vm1 =	vlt.s32 v29, $0x5;
	vm2 =	vlt.u32 v31, $0xFFFFFFFE  }
0x7d: {  	vm2 =	vmand vm1, vm2  }
0x7e: {  	v30 =	vsel vm1, $0x0, v30;
	v50 =	vsel vm2, $0x1, v1  }
0x7f: {  	vm1 =	vlt.s32 v29, $0x4;
	v21 =	vadd.f32 v30, v21;
	v22 =	vor.u32 v50, v22  }
0x80: {  	v51 =	vnsel vm1, $0x4, v29;
	v27 =	vadd.f32 v30, v27;
	vm1 =	vgt.s32 v22, $0x0  }
0x81: {  	vm3 =	vgt.s32 v29, $0x3;
	v53 =	vcvt.s32.f32 v51;
	v52 =	vsel vm1, $0x0, v21  }
0x82: {  	v27 =	vsel vm2, $0x0, v27;
	vm1 =	vmand vm3, vm1;
	[tilespmem:v20+s12+$0x0] =	vst.idx.msk $0xffff, v52  }
0x83: {  	v54 =	vsel vm1, $0x3F800000, v53;
	[tilespmem:v23+s12+$0x0] =	vst.idx.msk $0xffff, v27  }
0x84: {  	[tilespmem:v25+s12+$0x0] =	vst.idx.msk $0xffff, v54  }
0x85: {  	[tilespmem:v26+s12+$0x0] =	vst.idx.msk $0xffff, v53  }
0x86: {  	v20 =	vld.idx.msk [tilespmem:v18+s19+$0x0], $0xffff;
	_ =	sdelay $0x2  }
0x87: {  	s18 =	sadd.s32 $0x3, s18;
	v18 =	vld.idx.msk [tilespmem:v18+s11+$0x0], $0xffff  }
0x88: {  	v55 =	vmov s18  }
0x89: {  	v23 =	vshll.u32 v55, $0x3;
	v56 =	vadd.s32 $0xFFFFFFFC, v20  }
0x8a: {  	v23 =	vadd.s32 v2, v23;
	vm1 =	vlt.s32 v20, $0x5;
	vm2 =	vlt.u32 v56, $0xFFFFFFFE  }
0x8b: {  	v57 =	vor.u32 $0x1, v23;
	v58 =	vor.u32 $0x2, v23;
	vm2 =	vmand vm1, vm2  }
0x8c: {  	v59 =	vor.u32 $0x3, v23;
	v18 =	vsel vm1, $0x0, v18;
	v60 =	vsel vm2, $0x1, v1  }
0x8d: {  	vm1 =	vlt.s32 v20, $0x4;
	v21 =	vadd.f32 v18, v21;
	v22 =	vor.u32 v60, v22  }
0x8e: {  	v18 =	vadd.f32 v18, v27;
	v61 =	vnsel vm1, $0x4, v20;
	vm1 =	vgt.s32 v22, $0x0  }
0x8f: {  	vm3 =	vgt.s32 v20, $0x3;
	v62 =	vcvt.s32.f32 v61;
	v63 =	vsel vm1, $0x0, v21  }
0x90: {  	v18 =	vsel vm2, $0x0, v18;
	vm1 =	vmand vm3, vm1;
	[tilespmem:v23+s12+$0x0] =	vst.idx.msk $0xffff, v63  }
0x91: {  	v30 =	vsel vm1, $0x3F800000, v62;
	[tilespmem:v57+s12+$0x0] =	vst.idx.msk $0xffff, v18  }
0x92: {  	[tilespmem:v58+s12+$0x0] =	vst.idx.msk $0xffff, v30  }
0x93: {  	[tilespmem:v59+s12+$0x0] =	vst.idx.msk $0xffff, v62  }
0x94: {  	v20 =	vld.idx.msk [tilespmem:v19+s16+$0x0], $0xffff;
	_ =	sdelay $0x2  }
0x95: {  	v19 =	vld.idx.msk [tilespmem:v19+s11+$0x0], $0xffff  }
0x96: {  	v31 =	vmov s15  }
0x97: {  	v24 =	vadd.s32 v3, v24;
	v23 =	vshll.u32 v31, $0x3;
	v32 =	vadd.s32 $0xFFFFFFFC, v20  }
0x98: {  	v23 =	vadd.s32 v2, v23;
	vm1 =	vlt.s32 v20, $0x5;
	vm2 =	vlt.u32 v32, $0xFFFFFFFE  }
0x99: {  	v33 =	vor.u32 $0x1, v23;
	v34 =	vor.u32 $0x2, v23;
	vm2 =	vmand vm1, vm2  }
0x9a: {  	v35 =	vor.u32 $0x3, v23;
	v19 =	vsel vm1, $0x0, v19;
	v36 =	vsel vm2, $0x1, v1  }
0x9b: {  	vm1 =	vlt.s32 v20, $0x4;
	v21 =	vadd.f32 v19, v21;
	v22 =	vor.u32 v36, v22  }
0x9c: {  	v18 =	vadd.f32 v19, v18;
	v37 =	vnsel vm1, $0x4, v20;
	vm1 =	vgt.s32 v22, $0x0  }
0x9d: {  	vm3 =	vgt.s32 v20, $0x3;
	v38 =	vcvt.s32.f32 v37;
	v19 =	vsel vm1, $0x0, v21  }
0x9e: {  	v18 =	vsel vm2, $0x0, v18;
	vm1 =	vmand vm3, vm1;
	[tilespmem:v23+s12+$0x0] =	vst.idx.msk $0xffff, v19  }
0x9f: {  	v19 =	vsel vm1, $0x3F800000, v38;
	[tilespmem:v33+s12+$0x0] =	vst.idx.msk $0xffff, v18  }
0xa0: {  	[tilespmem:v34+s12+$0x0] =	vst.idx.msk $0xffff, v19  }
0xa1: {  	[tilespmem:v35+s12+$0x0] =	vst.idx.msk $0xffff, v38  }
0xa2: {  	v19 =	vld.idx.msk [tilespmem:v24+s16+$0x0], $0xffff  }
0xa3: {  	v39 =	vshrl.u32 v28, $0x3  }
0xa4: {  	v20 =	vshll.u32 v39, v17  }
0xa5: {  	s29 =	sadd.s32 $0x1, s15;
	v20 =	vbroadcast v20, $0x0;
	v24 =	vld.idx.msk [tilespmem:v24+s11+$0x0], $0xffff  }
0xa6: {  	v40 =	vmov s29  }
0xa7: {  	v20 =	vadd.s32 v4, v20;
	v23 =	vshll.u32 v40, $0x3;
	v41 =	vadd.s32 $0xFFFFFFFC, v19  }
0xa8: {  	v23 =	vadd.s32 v2, v23;
	vm1 =	vlt.s32 v19, $0x5;
	vm2 =	vlt.u32 v41, $0xFFFFFFFE  }
0xa9: {  	v42 =	vor.u32 $0x2, v23;
	v43 =	vor.u32 $0x1, v23;
	vm2 =	vmand vm1, vm2  }
0xaa: {  	v44 =	vor.u32 $0x3, v23;
	v24 =	vsel vm1, $0x0, v24;
	v45 =	vsel vm2, $0x1, v1  }
0xab: {  	vm1 =	vlt.s32 v19, $0x4;
	v21 =	vadd.f32 v24, v21;
	v22 =	vor.u32 v45, v22  }
0xac: {  	v18 =	vadd.f32 v24, v18;
	v46 =	vnsel vm1, $0x4, v19;
	vm1 =	vgt.s32 v22, $0x0  }
0xad: {  	vm3 =	vgt.s32 v19, $0x3;
	v19 =	vcvt.s32.f32 v46;
	v47 =	vsel vm1, $0x0, v21  }
0xae: {  	v18 =	vsel vm2, $0x0, v18;
	vm1 =	vmand vm3, vm1;
	[tilespmem:v23+s12+$0x0] =	vst.idx.msk $0xffff, v47  }
0xaf: {  	v48 =	vsel vm1, $0x3F800000, v19;
	[tilespmem:v43+s12+$0x0] =	vst.idx.msk $0xffff, v18  }
0xb0: {  	[tilespmem:v42+s12+$0x0] =	vst.idx.msk $0xffff, v48  }
0xb1: {  	[tilespmem:v44+s12+$0x0] =	vst.idx.msk $0xffff, v19  }
0xb2: {  	v23 =	vld.idx.msk [tilespmem:v20+s16+$0x0], $0xffff  }
0xb3: {  	v19 =	vmov s17  }
0xb4: {  	s30 =	sadd.s32 $0x2, s15;
	v19 =	vshrl.u32 v19, $0x3  }
0xb5: {  	v49 =	vmov s30;
	v17 =	vshll.u32 v19, v17;
	v19 =	vld.idx.msk [tilespmem:v20+s11+$0x0], $0xffff  }
0xb6: {  	v20 =	vshll.u32 v49, $0x3  }
0xb7: {  	v17 =	vbroadcast v17, $0x0;
	v20 =	vadd.s32 v2, v20;
	v50 =	vadd.s32 $0xFFFFFFFC, v23  }
0xb8: {  	v51 =	vor.u32 $0x1, v20;
	vm1 =	vlt.s32 v23, $0x5;
	vm2 =	vlt.u32 v50, $0xFFFFFFFE  }
0xb9: {  	v52 =	vor.u32 $0x2, v20;
	v53 =	vor.u32 $0x3, v20;
	vm2 =	vmand vm1, vm2  }
0xba: {  	v17 =	vadd.s32 v5, v17;
	v19 =	vsel vm1, $0x0, v19;
	v54 =	vsel vm2, $0x1, v1  }
0xbb: {  	vm1 =	vlt.s32 v23, $0x4;
	v21 =	vadd.f32 v19, v21;
	v22 =	vor.u32 v54, v22  }
0xbc: {  	v18 =	vadd.f32 v19, v18;
	v55 =	vnsel vm1, $0x4, v23;
	vm1 =	vgt.s32 v22, $0x0  }
0xbd: {  	vm3 =	vgt.s32 v23, $0x3;
	v56 =	vcvt.s32.f32 v55;
	v19 =	vsel vm1, $0x0, v21  }
0xbe: {  	v18 =	vsel vm2, $0x0, v18;
	vm1 =	vmand vm3, vm1;
	[tilespmem:v20+s12+$0x0] =	vst.idx.msk $0xffff, v19  }
0xbf: {  	v19 =	vsel vm1, $0x3F800000, v56;
	[tilespmem:v51+s12+$0x0] =	vst.idx.msk $0xffff, v18  }
0xc0: {  	[tilespmem:v52+s12+$0x0] =	vst.idx.msk $0xffff, v19  }
0xc1: {  	[tilespmem:v53+s12+$0x0] =	vst.idx.msk $0xffff, v56  }
0xc2: {  	v19 =	vld.idx.msk [tilespmem:v17+s16+$0x0], $0xffff;
	_ =	sdelay $0x2  }
0xc3: {  	s31 =	sadd.s32 $0x3, s15;
	v17 =	vld.idx.msk [tilespmem:v17+s11+$0x0], $0xffff  }
0xc4: {  	v57 =	vmov s31  }
0xc5: {  	v20 =	vshll.u32 v57, $0x3;
	v58 =	vadd.s32 $0xFFFFFFFC, v19  }
0xc6: {  	v20 =	vadd.s32 v2, v20;
	vm1 =	vlt.s32 v19, $0x5;
	vm2 =	vlt.u32 v58, $0xFFFFFFFE  }
0xc7: {  	v59 =	vor.u32 $0x1, v20;
	v60 =	vor.u32 $0x2, v20;
	vm2 =	vmand vm1, vm2  }
0xc8: {  	v61 =	vor.u32 $0x3, v20;
	v17 =	vsel vm1, $0x0, v17;
	v62 =	vsel vm2, $0x1, v1  }
0xc9: {  	vm1 =	vlt.s32 v19, $0x4;
	v21 =	vadd.f32 v17, v21;
	v22 =	vor.u32 v62, v22  }
0xca: {  	p2 =	por $0x1, $0x1;
	v17 =	vadd.f32 v17, v18;
	v63 =	vnsel vm1, $0x4, v19;
	vm1 =	vgt.s32 v22, $0x0  }
.Ltmp1:
0xcb: {  	vm3 =	vgt.s32 v19, $0x3;
	v18 =	vcvt.s32.f32 v63;
	v19 =	vsel vm1, $0x0, v21;
	(pc) =	sbr.rel @!p2 .LBB2_4-.Ltmp1, $4  }
0xcc: {  	v17 =	vsel vm2, $0x0, v17;
	vm1 =	vmand vm3, vm1;
	[tilespmem:v20+s12+$0x0] =	vst.idx.msk $0xffff, v19  }
0xcd: {  	[tilespmem:v59+s12+$0x0] =	vst.idx.msk $0xffff, v17;
	v17 =	vsel vm1, $0x3F800000, v18  }
0xce: {  	[tilespmem:v60+s12+$0x0] =	vst.idx.msk $0xffff, v17  }
0xcf: {  	p0 =	por $0x0, $0x0;
	p1 =	por $0x0, $0x0;
	s17 =	simm.s32 $0x4;
	v17 =	vadd.s32 v7, v13;
	[tilespmem:v61+s12+$0x0] =	vst.idx.msk $0xffff, v18  }
0xd0: {  	v13 =	vmov s16;
	s14 =	simm.s32 $0x1;
	v22 =	vadd.s32 v8, v14;
	s31 =	simm.s32 $0x8  }
0xd1: {  	s15 =	simm.s32 $0x2;
	v13 =	vshll.u32 v13, $0x3;
	v18 =	vmov s14;
	v14 =	vmov s31  }
0xd2: {  	v24 =	vmov s15;
	v13 =	vadd.s32 v2, v13;
	v18 =	vshll.u32 v18, $0x3  }
0xd3: {  	v14 =	vshrl.u32 v14, $0x3;
	v34 =	vor.u32 $0x4, v13;
	v35 =	vor.u32 $0x5, v13  }
0xd4: {  	p2 =	por $0x1, $0x1;
	v36 =	vor.u32 $0x6, v13;
	v21 =	vor.u32 $0x7, v13;
	v13 =	vadd.s32 v2, v18  }
.Ltmp2:
0xd5: {  	v18 =	vadd.s32 v9, v16;
	v16 =	vshll.u32 v24, $0x3;
	v14 =	vshll.u32 v14, v6;
	(pc) =	sbr.rel @!p2 .LBB2_6-.Ltmp2, $4  }
0xd6: {  	v19 =	vor.u32 $0x4, v13;
	v23 =	vor.u32 $0x5, v13;
	v20 =	vor.u32 $0x6, v13  }
0xd7: {  	v24 =	vor.u32 $0x7, v13;
	v13 =	vadd.s32 v2, v16;
	v14 =	vbroadcast v14, $0x0  }
0xd8: {  	v31 =	vadd.s32 v10, v15;
	v25 =	vor.u32 $0x6, v13;
	v28 =	vor.u32 $0x4, v13  }
0xd9: {  	p0 =	por $0x1, $0x1;
	s15 =	simm.s32 $0x8;
	s14 =	simm.s32 $0xE;
	v29 =	vor.u32 $0x5, v13;
	v26 =	vor.u32 $0x7, v13;
	v13 =	vadd.s32 v7, v14  }
0xda: {  	_ =	sdelay $0x3  }
0xdb: {  	v14 =	vld.idx.msk [tilespmem:v17+s2+$0x0], $0xffff;
	_ =	sdelay $0x2  }
0xdc: {  	v15 =	vld.idx.msk [tilespmem:v17+s11+$0x0], $0xffff;
	_ =	sdelay $0x1  }
0xdd: {  	v16 =	vadd.s32 $0xFFFFFFFC, v14  }
0xde: {  	vm1 =	vlt.s32 v14, $0x5;
	vm2 =	vlt.u32 v16, $0xFFFFFFFE  }
0xdf: {  	vm2 =	vmand vm1, vm2  }
0xe0: {  	v15 =	vsel vm1, $0x0, v15;
	v16 =	vsel vm2, $0x1, v1  }
0xe1: {  	vm1 =	vlt.s32 v14, $0x4;
	v15 =	vadd.f32 v15, v11;
	v16 =	vor.u32 v16, v12  }
0xe2: {  	v17 =	vnsel vm1, $0x4, v14;
	vm1 =	vgt.s32 v16, $0x0  }
0xe3: {  	vm3 =	vgt.s32 v14, $0x3;
	v17 =	vcvt.s32.f32 v17;
	v14 =	vsel vm1, $0x0, v15  }
0xe4: {  	v27 =	vsel vm2, $0x0, v15;
	vm1 =	vmand vm3, vm1;
	[tilespmem:v34+s12+$0x0] =	vst.idx.msk $0xffff, v14  }
0xe5: {  	v14 =	vsel vm1, $0x3F800000, v17;
	[tilespmem:v35+s12+$0x0] =	vst.idx.msk $0xffff, v27  }
0xe6: {  	[tilespmem:v36+s12+$0x0] =	vst.idx.msk $0xffff, v14  }
0xe7: {  	[tilespmem:v21+s12+$0x0] =	vst.idx.msk $0xffff, v17  }
0xe8: {  	v14 =	vld.idx.msk [tilespmem:v22+s2+$0x0], $0xffff;
	_ =	sdelay $0x2  }
0xe9: {  	v17 =	vld.idx.msk [tilespmem:v22+s11+$0x0], $0xffff;
	_ =	sdelay $0x1  }
0xea: {  	v21 =	vadd.s32 $0xFFFFFFFC, v14  }
0xeb: {  	vm1 =	vlt.s32 v14, $0x5;
	vm2 =	vlt.u32 v21, $0xFFFFFFFE  }
0xec: {  	vm2 =	vmand vm1, vm2  }
0xed: {  	v17 =	vsel vm1, $0x0, v17;
	v22 =	vsel vm2, $0x1, v1  }
0xee: {  	vm1 =	vlt.s32 v14, $0x4;
	v32 =	vadd.f32 v17, v15;
	v33 =	vor.u32 v22, v16  }
0xef: {  	v15 =	vnsel vm1, $0x4, v14;
	v16 =	vadd.f32 v17, v27;
	vm1 =	vgt.s32 v33, $0x0  }
0xf0: {  	vm3 =	vgt.s32 v14, $0x3;
	v17 =	vcvt.s32.f32 v15;
	v14 =	vsel vm1, $0x0, v32  }
0xf1: {  	vm1 =	vmand vm3, vm1;
	v27 =	vsel vm2, $0x0, v16;
	[tilespmem:v19+s12+$0x0] =	vst.idx.msk $0xffff, v14  }
0xf2: {  	s16 =	simm.s32 $0xA;
	s29 =	simm.s32 $0x3;
	v59 =	vmov s14;
	v21 =	vmov s17;
	v14 =	vsel vm1, $0x3F800000, v17;
	[tilespmem:v23+s12+$0x0] =	vst.idx.msk $0xffff, v27  }
0xf3: {  	s31 =	simm.s32 $0x10;
	v30 =	vmov s29;
	v15 =	vshll.u32 v21, $0x3;
	v21 =	vmov s16;
	[tilespmem:v20+s12+$0x0] =	vst.idx.msk $0xffff, v14  }
0xf4: {  	s28 =	simm.s32 $0x5;
	s18 =	simm.s32 $0xC;
	v38 =	vmov s31;
	v19 =	vadd.s32 v2, v15;
	v20 =	vshrl.u32 v21, $0x3;
	[tilespmem:v24+s12+$0x0] =	vst.idx.msk $0xffff, v17  }
0xf5: {  	v21 =	vmov s18;
	v17 =	vshll.u32 v20, v6;
	v20 =	vmov s28;
	v34 =	vld.idx.msk [tilespmem:v18+s2+$0x0], $0xffff  }
0xf6: {  	v22 =	vshrl.u32 v21, $0x3;
	v17 =	vbroadcast v17, $0x0;
	v20 =	vshll.u32 v20, $0x3  }
0xf7: {  	v15 =	vor.u32 $0x4, v19;
	v24 =	vadd.s32 v2, v20;
	v20 =	vshll.u32 v22, v6  }
0xf8: {  	v16 =	vor.u32 $0x5, v19;
	v35 =	vld.idx.msk [tilespmem:v18+s11+$0x0], $0xffff;
	v22 =	vadd.s32 v8, v17;
	v17 =	vbroadcast v20, $0x0  }
0xf9: {  	v14 =	vor.u32 $0x6, v19;
	v21 =	vor.u32 $0x7, v19;
	v19 =	vor.u32 $0x4, v24  }
0xfa: {  	v18 =	vadd.s32 v9, v17;
	v17 =	vshll.u32 v30, $0x3;
	v30 =	vadd.s32 $0xFFFFFFFC, v34  }
0xfb: {  	v23 =	vor.u32 $0x5, v24;
	vm1 =	vlt.s32 v34, $0x5;
	vm2 =	vlt.u32 v30, $0xFFFFFFFE  }
0xfc: {  	v20 =	vor.u32 $0x6, v24;
	vm3 =	vgt.s32 v34, $0x3;
	vm2 =	vmand vm1, vm2  }
0xfd: {  	v30 =	vadd.s32 v2, v17;
	v35 =	vsel vm1, $0x0, v35;
	v37 =	vsel vm2, $0x1, v1  }
0xfe: {  	vm1 =	vlt.s32 v34, $0x4;
	v32 =	vadd.f32 v35, v32;
	v33 =	vor.u32 v37, v33  }
0xff: {  	s30 =	simm.s32 $0x6;
	v27 =	vadd.f32 v35, v27;
	v60 =	vnsel vm1, $0x4, v34;
	vm1 =	vgt.s32 v33, $0x0  }
0x100: {  	v17 =	vmov s30;
	v61 =	vcvt.s32.f32 v60;
	v62 =	vsel vm1, $0x0, v32  }
0x101: {  	p2 =	por $0x1, $0x1;
	v37 =	vsel vm2, $0x0, v27;
	v27 =	vshrl.u32 v59, $0x3;
	vm1 =	vmand vm3, vm1;
	[tilespmem:v28+s12+$0x0] =	vst.idx.msk $0xffff, v62  }
.Ltmp3:
0x102: {  	v27 =	vshll.u32 v27, v6;
	v28 =	vshrl.u32 v38, $0x3;
	[tilespmem:v29+s12+$0x0] =	vst.idx.msk $0xffff, v37;
	v29 =	vsel vm1, $0x3F800000, v61;
	(pc) =	sbr.rel @!p2 .LBB2_8-.Ltmp3, $4  }
0x103: {  	v17 =	vshll.u32 v17, $0x3;
	v27 =	vbroadcast v27, $0x0;
	v28 =	vshll.u32 v28, v6;
	[tilespmem:v25+s12+$0x0] =	vst.idx.msk $0xffff, v29  }
0x104: {  	v24 =	vor.u32 $0x7, v24;
	v17 =	vadd.s32 v2, v17;
	v63 =	vbroadcast v28, $0x0;
	[tilespmem:v26+s12+$0x0] =	vst.idx.msk $0xffff, v61  }
0x105: {  	v27 =	vadd.s32 v10, v27;
	v25 =	vor.u32 $0x6, v17;
	v28 =	vor.u32 $0x4, v17;
	v38 =	vld.idx.msk [tilespmem:v31+s2+$0x0], $0xffff  }
0x106: {  	s14 =	simm.s32 $0x16;
	p1 =	por $0x1, $0x1;
	s16 =	simm.s32 $0xC;
	v29 =	vor.u32 $0x5, v17;
	v26 =	vor.u32 $0x7, v17;
	v17 =	vadd.s32 v7, v63;
	v39 =	vld.idx.msk [tilespmem:v31+s11+$0x0], $0xffff  }
.LBB2_9:
0x107: {  	p2 =	slt.u32 s16, $0xC4;
	s18 =	smov.u32 s16;
	s16 =	sadd.s32 $0x4, s16  }
0x108: {  	_ =	sdelay $0x1  }
0x109: {  	v31 =	vor.u32 $0x6, v30;
	v34 =	vor.u32 $0x7, v30  }
0x10a: {  	v36 =	vor.u32 $0x5, v30;
	vm1 =	vlt.s32 v38, $0x4;
	v35 =	vadd.s32 $0xFFFFFFFC, v38  }
0x10b: {  	vm2 =	vlt.s32 v38, $0x5;
	v40 =	vnsel vm1, $0x4, v38;
	vm1 =	vlt.u32 v35, $0xFFFFFFFE  }
0x10c: {  	v30 =	vor.u32 $0x4, v30;
	v35 =	vsel vm2, $0x0, v39;
	vm1 =	vmand vm2, vm1  }
0x10d: {  	v39 =	vmov s15;
	v32 =	vadd.f32 v35, v32;
	v41 =	vsel vm1, $0x1, v1  }
0x10e: {  	v39 =	vshll.u32 v39, $0x3;
	v35 =	vadd.f32 v35, v37;
	v33 =	vor.u32 v41, v33  }
0x10f: {  	s19 =	sadd.s32 $0xFFFFFFFC, s14;
	vm3 =	vgt.s32 v38, $0x3;
	v37 =	vcvt.s32.f32 v40;
	vm2 =	vgt.s32 v33, $0x0  }
0x110: {  	v38 =	vadd.s32 v2, v39;
	v39 =	vsel vm2, $0x0, v32;
	vm2 =	vmand vm3, vm2  }
0x111: {  	v40 =	vor.u32 $0x4, v38;
	v41 =	vmov s19;
	v35 =	vsel vm1, $0x0, v35;
	[tilespmem:v30+s12+$0x0] =	vst.idx.msk $0xffff, v39  }
0x112: {  	v30 =	vor.u32 $0x5, v38;
	v39 =	vor.u32 $0x6, v38;
	[tilespmem:v36+s12+$0x0] =	vst.idx.msk $0xffff, v35;
	v36 =	vsel vm2, $0x3F800000, v37  }
0x113: {  	v41 =	vshrl.u32 v41, $0x3;
	[tilespmem:v31+s12+$0x0] =	vst.idx.msk $0xffff, v36  }
0x114: {  	v31 =	vor.u32 $0x7, v38;
	v36 =	vshll.u32 v41, v6;
	[tilespmem:v34+s12+$0x0] =	vst.idx.msk $0xffff, v37  }
0x115: {  	v34 =	vbroadcast v36, $0x0;
	v36 =	vld.idx.msk [tilespmem:v13+s2+$0x0], $0xffff;
	_ =	sdelay $0x1  }
0x116: {  	v34 =	vadd.s32 v8, v34;
	v37 =	vld.idx.msk [tilespmem:v13+s11+$0x0], $0xffff;
	v13 =	vmov v17;
	_ =	sdelay $0x3  }
0x117: {  	vm1 =	vlt.s32 v36, $0x4;
	v17 =	vadd.s32 $0xFFFFFFFC, v36  }
0x118: {  	vm2 =	vlt.s32 v36, $0x5;
	v38 =	vnsel vm1, $0x4, v36;
	vm1 =	vlt.u32 v17, $0xFFFFFFFE  }
0x119: {  	v17 =	vsel vm2, $0x0, v37;
	vm1 =	vmand vm2, vm1;
	v37 =	vcvt.s32.f32 v38  }
0x11a: {  	v38 =	vsel vm1, $0x1, v1;
	v32 =	vadd.f32 v17, v32;
	v17 =	vadd.f32 v17, v35  }
0x11b: {  	v33 =	vor.u32 v38, v33  }
0x11c: {  	vm3 =	vgt.s32 v36, $0x3;
	vm2 =	vgt.s32 v33, $0x0  }
0x11d: {  	v35 =	vsel vm2, $0x0, v32;
	vm2 =	vmand vm3, vm2  }
0x11e: {  	s19 =	sadd.s32 $0x1, s15;
	v17 =	vsel vm1, $0x0, v17;
	[tilespmem:v15+s12+$0x0] =	vst.idx.msk $0xffff, v35;
	v35 =	vsel vm2, $0x3F800000, v37;
	v15 =	vmov v40  }
0x11f: {  	v36 =	vmov s19;
	[tilespmem:v16+s12+$0x0] =	vst.idx.msk $0xffff, v17;
	v16 =	vmov v30  }
0x120: {  	v30 =	vshll.u32 v36, $0x3;
	[tilespmem:v14+s12+$0x0] =	vst.idx.msk $0xffff, v35;
	v14 =	vmov v39  }
0x121: {  	s19 =	sadd.s32 $0xFFFFFFFE, s14;
	[tilespmem:v21+s12+$0x0] =	vst.idx.msk $0xffff, v37;
	v21 =	vmov v31  }
0x122: {  	v31 =	vmov s19;
	v35 =	vld.idx.msk [tilespmem:v22+s2+$0x0], $0xffff  }
0x123: {  	v30 =	vadd.s32 v2, v30;
	v31 =	vshrl.u32 v31, $0x3  }
0x124: {  	v36 =	vor.u32 $0x4, v30;
	s19 =	sadd.s32 $0x3, s17;
	s17 =	smov.u32 s15;
	s15 =	smov.u32 s18;
	v31 =	vshll.u32 v31, v6  }
0x125: {  	v37 =	vor.u32 $0x5, v30;
	v31 =	vbroadcast v31, $0x0;
	v38 =	vld.idx.msk [tilespmem:v22+s11+$0x0], $0xffff;
	v22 =	vmov v34  }
0x126: {  	v39 =	vmov s19;
	v34 =	vor.u32 $0x6, v30  }
0x127: {  	v39 =	vshll.u32 v39, $0x3;
	v31 =	vadd.s32 v9, v31  }
0x128: {  	v40 =	vor.u32 $0x7, v30;
	vm1 =	vlt.s32 v35, $0x4;
	v30 =	vadd.s32 $0xFFFFFFFC, v35  }
0x129: {  	vm2 =	vlt.s32 v35, $0x5;
	vm3 =	vlt.u32 v30, $0xFFFFFFFE;
	v30 =	vadd.s32 v2, v39  }
0x12a: {  	v39 =	vnsel vm1, $0x4, v35;
	vm1 =	vmand vm2, vm3  }
0x12b: {  	v38 =	vsel vm2, $0x0, v38;
	v41 =	vsel vm1, $0x1, v1  }
0x12c: {  	v33 =	vor.u32 v41, v33;
	v32 =	vadd.f32 v38, v32  }
0x12d: {  	vm3 =	vgt.s32 v35, $0x3;
	v17 =	vadd.f32 v38, v17;
	vm2 =	vgt.s32 v33, $0x0  }
0x12e: {  	v38 =	vcvt.s32.f32 v39;
	v35 =	vsel vm2, $0x0, v32;
	vm2 =	vmand vm3, vm2  }
0x12f: {  	v17 =	vsel vm1, $0x0, v17;
	[tilespmem:v19+s12+$0x0] =	vst.idx.msk $0xffff, v35;
	v19 =	vmov v36  }
0x130: {  	v35 =	vsel vm2, $0x3F800000, v38;
	[tilespmem:v23+s12+$0x0] =	vst.idx.msk $0xffff, v17;
	v23 =	vmov v37  }
0x131: {  	[tilespmem:v20+s12+$0x0] =	vst.idx.msk $0xffff, v35;
	v20 =	vmov v34  }
0x132: {  	[tilespmem:v24+s12+$0x0] =	vst.idx.msk $0xffff, v38;
	v24 =	vmov v40  }
0x133: {  	v34 =	vld.idx.msk [tilespmem:v18+s2+$0x0], $0xffff  }
0x134: {  	s18 =	sadd.s32 $0x2, s17  }
0x135: {  	v35 =	vmov s18;
	v36 =	vld.idx.msk [tilespmem:v18+s11+$0x0], $0xffff;
	v18 =	vmov v31  }
0x136: {  	v31 =	vshll.u32 v35, $0x3;
	v35 =	vmov s14;
	_ =	sdelay $0x1  }
0x137: {  	v31 =	vadd.s32 v2, v31;
	v35 =	vshrl.u32 v35, $0x3  }
0x138: {  	v38 =	vor.u32 $0x6, v31;
	vm1 =	vlt.s32 v34, $0x5;
	v37 =	vadd.s32 $0xFFFFFFFC, v34  }
0x139: {  	v39 =	vor.u32 $0x4, v31;
	vm3 =	vgt.s32 v34, $0x3;
	vm2 =	vlt.u32 v37, $0xFFFFFFFE  }
0x13a: {  	v40 =	vor.u32 $0x5, v31;
	v36 =	vsel vm1, $0x0, v36;
	vm1 =	vmand vm1, vm2  }
0x13b: {  	v31 =	vor.u32 $0x7, v31;
	v35 =	vshll.u32 v35, v6;
	v17 =	vadd.f32 v36, v17  }
0x13c: {  	s14 =	sadd.s32 $0x8, s14;
	vm2 =	vlt.s32 v34, $0x4;
	v37 =	vsel vm1, $0x1, v1;
	v32 =	vadd.f32 v36, v32  }
0x13d: {  	s18 =	sadd.s32 $0xFFFFFFFA, s14;
	v35 =	vbroadcast v35, $0x0;
	v34 =	vnsel vm2, $0x4, v34;
	v33 =	vor.u32 v37, v33  }
0x13e: {  	v36 =	vmov s18;
	v34 =	vcvt.s32.f32 v34;
	vm2 =	vgt.s32 v33, $0x0  }
0x13f: {  	v35 =	vadd.s32 v10, v35;
	v36 =	vshrl.u32 v36, $0x3;
	v41 =	vsel vm2, $0x0, v32  }
0x140: {  	v36 =	vshll.u32 v36, v6;
	v37 =	vsel vm1, $0x0, v17;
	vm1 =	vmand vm3, vm2;
	[tilespmem:v28+s12+$0x0] =	vst.idx.msk $0xffff, v41;
	v28 =	vmovc v39  }
.Ltmp4:
0x141: {  	v17 =	vbroadcast v36, $0x0;
	v36 =	vsel vm1, $0x3F800000, v34;
	[tilespmem:v29+s12+$0x0] =	vst.idx.msk $0xffff, v37;
	v29 =	vmov v40;
	(pc) =	sbr.rel @p2 .LBB2_9-.Ltmp4, $4  }
0x142: {  	[tilespmem:v25+s12+$0x0] =	vst.idx.msk $0xffff, v36;
	v25 =	vmov v38  }
0x143: {  	v17 =	vadd.s32 v7, v17;
	[tilespmem:v26+s12+$0x0] =	vst.idx.msk $0xffff, v34;
	v26 =	vmov v31  }
0x144: {  	v38 =	vld.idx.msk [tilespmem:v27+s2+$0x0], $0xffff  }
0x145: {  	v39 =	vld.idx.msk [tilespmem:v27+s11+$0x0], $0xffff;
	v27 =	vmov v35  }
0x146: {  	v40 =	vmovc v13;
	v34 =	vmovc v15;
	v35 =	vmov v16;
	v36 =	vmov v14;
	s16 =	smov.u32 s17;
	v31 =	vmov v27  }
.LBB2_11:
0x147: {  	_ =	sdelay $0x1  }
0x148: {  	v13 =	vadd.s32 @p1 $0xFFFFFFFC, v38  }
0x149: {  	v14 =	vor.u32 @p1 $0x6, v30;
	vm1 =	vlt.s32 @p1 v38, $0x5;
	vm2 =	vlt.u32 @p1 v13, $0xFFFFFFFE  }
0x14a: {  	v15 =	vor.u32 @p1 $0x4, v30;
	v16 =	vor.u32 @p1 $0x5, v30;
	vm2 =	vmand @p1 vm1, vm2  }
0x14b: {  	v13 =	vor.u32 @p1 $0x7, v30;
	v27 =	vsel @p1 vm1, $0x0, v39;
	v30 =	vsel @p1 vm2, $0x1, v1  }
0x14c: {  	vm1 =	vlt.s32 @p1 v38, $0x4;
	v32 =	vadd.f32 @p1 v27, v32;
	v30 =	vor.u32 @p1 v30, v33  }
0x14d: {  	v27 =	vadd.f32 @p1 v27, v37;
	v33 =	vnsel @p1 vm1, $0x4, v38;
	vm1 =	vgt.s32 @p1 v30, $0x0  }
0x14e: {  	vm3 =	vgt.s32 @p1 v38, $0x3;
	v33 =	vcvt.s32.f32 @p1 v33;
	v37 =	vsel @p1 vm1, $0x0, v32  }
0x14f: {  	v27 =	vsel @p1 vm2, $0x0, v27;
	vm1 =	vmand @p1 vm3, vm1;
	[tilespmem:v15+s12+$0x0] =	vst.idx.msk @p1 $0xffff, v37  }
0x150: {  	v15 =	vsel @p1 vm1, $0x3F800000, v33;
	[tilespmem:v16+s12+$0x0] =	vst.idx.msk @p1 $0xffff, v27  }
0x151: {  	[tilespmem:v14+s12+$0x0] =	vst.idx.msk @p1 $0xffff, v15  }
0x152: {  	[tilespmem:v13+s12+$0x0] =	vst.idx.msk @p1 $0xffff, v33  }
0x153: {  	v13 =	vld.idx.msk @p0 [tilespmem:v40+s2+$0x0], $0xffff;
	_ =	sdelay $0x1  }
0x154: {  	v14 =	vld.idx.msk @p0 [tilespmem:v40+s11+$0x0], $0xffff;
	_ =	sdelay $0x2  }
0x155: {  	v15 =	vadd.s32 @p0 $0xFFFFFFFC, v13  }
0x156: {  	vm1 =	vlt.s32 @p0 v13, $0x5;
	vm2 =	vlt.u32 @p0 v15, $0xFFFFFFFE  }
0x157: {  	v30 =	vpsel p1, v30, v12;
	v14 =	vsel @p0 vm1, $0x0, v14;
	vm1 =	vmand @p0 vm1, vm2  }
0x158: {  	v16 =	vpsel p1, v32, v11;
	v27 =	vpsel p1, v27, v11;
	v15 =	vsel @p0 vm1, $0x1, v1  }
0x159: {  	vm3 =	vlt.s32 @p0 v13, $0x4;
	v16 =	vadd.f32 @p0 v14, v16;
	v15 =	vor.u32 @p0 v15, v30  }
0x15a: {  	v14 =	vadd.f32 @p0 v14, v27;
	v30 =	vnsel @p0 vm3, $0x4, v13;
	vm2 =	vgt.s32 @p0 v15, $0x0  }
0x15b: {  	vm3 =	vgt.s32 @p0 v13, $0x3;
	v27 =	vcvt.s32.f32 @p0 v30;
	v13 =	vsel @p0 vm2, $0x0, v16  }
0x15c: {  	v14 =	vsel @p0 vm1, $0x0, v14;
	vm2 =	vmand @p0 vm3, vm2;
	[tilespmem:v34+s12+$0x0] =	vst.idx.msk @p0 $0xffff, v13  }
0x15d: {  	v13 =	vsel @p0 vm2, $0x3F800000, v27;
	[tilespmem:v35+s12+$0x0] =	vst.idx.msk @p0 $0xffff, v14  }
0x15e: {  	[tilespmem:v36+s12+$0x0] =	vst.idx.msk @p0 $0xffff, v13  }
0x15f: {  	[tilespmem:v21+s12+$0x0] =	vst.idx.msk @p0 $0xffff, v27  }
0x160: {  	v13 =	vld.idx.msk @p0 [tilespmem:v22+s2+$0x0], $0xffff;
	_ =	sdelay $0x2  }
0x161: {  	v21 =	vld.idx.msk @p0 [tilespmem:v22+s11+$0x0], $0xffff;
	_ =	sdelay $0x1  }
0x162: {  	v22 =	vadd.s32 @p0 $0xFFFFFFFC, v13  }
0x163: {  	vm1 =	vlt.s32 @p0 v13, $0x5;
	vm2 =	vlt.u32 @p0 v22, $0xFFFFFFFE  }
0x164: {  	vm2 =	vmand @p0 vm1, vm2  }
0x165: {  	v21 =	vsel @p0 vm1, $0x0, v21;
	v22 =	vsel @p0 vm2, $0x1, v1  }
0x166: {  	vm1 =	vlt.s32 @p0 v13, $0x4;
	v16 =	vadd.f32 @p0 v21, v16;
	v15 =	vor.u32 @p0 v22, v15  }
0x167: {  	v14 =	vadd.f32 @p0 v21, v14;
	v22 =	vnsel @p0 vm1, $0x4, v13;
	vm1 =	vgt.s32 @p0 v15, $0x0  }
0x168: {  	vm3 =	vgt.s32 @p0 v13, $0x3;
	v21 =	vcvt.s32.f32 @p0 v22;
	v13 =	vsel @p0 vm1, $0x0, v16  }
0x169: {  	v14 =	vsel @p0 vm2, $0x0, v14;
	vm1 =	vmand @p0 vm3, vm1;
	[tilespmem:v19+s12+$0x0] =	vst.idx.msk @p0 $0xffff, v13  }
0x16a: {  	v13 =	vsel @p0 vm1, $0x3F800000, v21;
	[tilespmem:v23+s12+$0x0] =	vst.idx.msk @p0 $0xffff, v14  }
0x16b: {  	[tilespmem:v20+s12+$0x0] =	vst.idx.msk @p0 $0xffff, v13  }
0x16c: {  	[tilespmem:v24+s12+$0x0] =	vst.idx.msk @p0 $0xffff, v21  }
0x16d: {  	v13 =	vld.idx.msk @p0 [tilespmem:v18+s2+$0x0], $0xffff;
	_ =	sdelay $0x2  }
0x16e: {  	v18 =	vld.idx.msk @p0 [tilespmem:v18+s11+$0x0], $0xffff;
	_ =	sdelay $0x1  }
0x16f: {  	v19 =	vadd.s32 @p0 $0xFFFFFFFC, v13  }
0x170: {  	vm1 =	vlt.s32 @p0 v13, $0x5;
	vm2 =	vlt.u32 @p0 v19, $0xFFFFFFFE  }
0x171: {  	vm2 =	vmand @p0 vm1, vm2  }
0x172: {  	v18 =	vsel @p0 vm1, $0x0, v18;
	v19 =	vsel @p0 vm2, $0x1, v1  }
0x173: {  	vm1 =	vlt.s32 @p0 v13, $0x4;
	v16 =	vadd.f32 @p0 v18, v16;
	v15 =	vor.u32 @p0 v19, v15  }
0x174: {  	v14 =	vadd.f32 @p0 v18, v14;
	v18 =	vnsel @p0 vm1, $0x4, v13;
	vm1 =	vgt.s32 @p0 v15, $0x0  }
0x175: {  	vm3 =	vgt.s32 @p0 v13, $0x3;
	v13 =	vcvt.s32.f32 @p0 v18;
	v18 =	vsel @p0 vm1, $0x0, v16  }
0x176: {  	v14 =	vsel @p0 vm2, $0x0, v14;
	vm1 =	vmand @p0 vm3, vm1;
	[tilespmem:v28+s12+$0x0] =	vst.idx.msk @p0 $0xffff, v18  }
0x177: {  	v18 =	vsel @p0 vm1, $0x3F800000, v13;
	[tilespmem:v29+s12+$0x0] =	vst.idx.msk @p0 $0xffff, v14  }
0x178: {  	[tilespmem:v25+s12+$0x0] =	vst.idx.msk @p0 $0xffff, v18  }
0x179: {  	[tilespmem:v26+s12+$0x0] =	vst.idx.msk @p0 $0xffff, v13  }
0x17a: {  	v13 =	vld.idx.msk @p0 [tilespmem:v31+s2+$0x0], $0xffff  }
0x17b: {  	s16 =	sadd.s32 @p0 $0x3, s16  }
0x17c: {  	v19 =	vmov @p0 s16  }
0x17d: {  	v19 =	vshll.u32 @p0 v19, $0x3;
	v18 =	vld.idx.msk @p0 [tilespmem:v31+s11+$0x0], $0xffff  }
0x17e: {  	v15 =	vpsel p0, v15, v0;
	v19 =	vadd.s32 @p0 v2, v19  }
0x17f: {  	v16 =	vpsel p0, v16, v0;
	v19 =	vpsel p0, v19, v0;
	v13 =	vpsel p0, v13, v0  }
0x180: {  	v14 =	vpsel p0, v14, v0;
	v21 =	vor.u32 @p0 $0x6, v19;
	v20 =	vadd.s32 @p0 $0xFFFFFFFC, v13  }
0x181: {  	v22 =	vor.u32 @p0 $0x4, v19;
	vm1 =	vlt.s32 @p0 v13, $0x5;
	vm2 =	vlt.u32 @p0 v20, $0xFFFFFFFE  }
0x182: {  	v18 =	vpsel p0, v18, v0;
	v20 =	vor.u32 @p0 $0x7, v19;
	vm2 =	vmand @p0 vm1, vm2  }
0x183: {  	v19 =	vor.u32 @p0 $0x5, v19;
	v18 =	vsel @p0 vm1, $0x0, v18;
	v23 =	vsel @p0 vm2, $0x1, v1  }
0x184: {  	vm1 =	vlt.s32 @p0 v13, $0x4;
	v16 =	vadd.f32 @p0 v18, v16;
	v15 =	vor.u32 @p0 v23, v15  }
0x185: {  	v14 =	vadd.f32 @p0 v18, v14;
	v23 =	vnsel @p0 vm1, $0x4, v13;
	vm1 =	vgt.s32 @p0 v15, $0x0  }
0x186: {  	vm3 =	vgt.s32 @p0 v13, $0x3;
	v13 =	vcvt.s32.f32 @p0 v23;
	v18 =	vsel @p0 vm1, $0x0, v16  }
0x187: {  	v14 =	vsel @p0 vm2, $0x0, v14;
	vm1 =	vmand @p0 vm3, vm1;
	[tilespmem:v22+s12+$0x0] =	vst.idx.msk @p0 $0xffff, v18  }
0x188: {  	v18 =	vsel @p0 vm1, $0x3F800000, v13;
	[tilespmem:v19+s12+$0x0] =	vst.idx.msk @p0 $0xffff, v14  }
0x189: {  	[tilespmem:v21+s12+$0x0] =	vst.idx.msk @p0 $0xffff, v18  }
0x18a: {  	[tilespmem:v20+s12+$0x0] =	vst.idx.msk @p0 $0xffff, v13  }
0x18b: {  	v13 =	vld.idx.msk [tilespmem:v17+s2+$0x0], $0xffff  }
0x18c: {  	s28 =	sadd.s32 $0xFFFFFFFC, s14  }
0x18d: {  	v12 =	vpsel p0, v15, v12;
	v19 =	vmov s28;
	v18 =	vmov s15;
	v17 =	vld.idx.msk [tilespmem:v17+s11+$0x0], $0xffff  }
0x18e: {  	v16 =	vpsel p0, v16, v11;
	v19 =	vshrl.u32 v19, $0x3;
	v18 =	vshll.u32 v18, $0x3  }
0x18f: {  	v11 =	vpsel p0, v14, v11;
	v19 =	vshll.u32 v19, v6;
	v18 =	vadd.s32 v2, v18  }
0x190: {  	v19 =	vbroadcast v19, $0x0;
	v20 =	vor.u32 $0x4, v18;
	v23 =	vadd.s32 $0xFFFFFFFC, v13  }
0x191: {  	v21 =	vor.u32 $0x5, v18;
	vm1 =	vlt.s32 v13, $0x5;
	vm2 =	vlt.u32 v23, $0xFFFFFFFE  }
0x192: {  	v22 =	vor.u32 $0x6, v18;
	v17 =	vsel vm1, $0x0, v17;
	vm1 =	vmand vm1, vm2  }
0x193: {  	v18 =	vor.u32 $0x7, v18;
	v19 =	vadd.s32 v8, v19;
	v23 =	vsel vm1, $0x1, v1  }
0x194: {  	vm3 =	vlt.s32 v13, $0x4;
	v15 =	vadd.f32 v17, v16;
	v12 =	vor.u32 v23, v12  }
0x195: {  	v14 =	vnsel vm3, $0x4, v13;
	v11 =	vadd.f32 v17, v11;
	vm2 =	vgt.s32 v12, $0x0  }
0x196: {  	vm3 =	vgt.s32 v13, $0x3;
	v14 =	vcvt.s32.f32 v14;
	v13 =	vsel vm2, $0x0, v15  }
0x197: {  	v11 =	vsel vm1, $0x0, v11;
	vm2 =	vmand vm3, vm2;
	[tilespmem:v20+s12+$0x0] =	vst.idx.msk $0xffff, v13  }
0x198: {  	v13 =	vsel vm2, $0x3F800000, v14;
	[tilespmem:v21+s12+$0x0] =	vst.idx.msk $0xffff, v11  }
0x199: {  	[tilespmem:v22+s12+$0x0] =	vst.idx.msk $0xffff, v13  }
0x19a: {  	s17 =	sadd.s32 $0xFFFFFFFE, s14;
	[tilespmem:v18+s12+$0x0] =	vst.idx.msk $0xffff, v14  }
0x19b: {  	v16 =	vmov s17;
	v13 =	vld.idx.msk [tilespmem:v19+s2+$0x0], $0xffff  }
0x19c: {  	v16 =	vshrl.u32 v16, $0x3  }
0x19d: {  	s29 =	sadd.s32 $0x1, s15;
	v16 =	vshll.u32 v16, v6  }
0x19e: {  	v16 =	vbroadcast v16, $0x0;
	v14 =	vmov s29;
	v17 =	vld.idx.msk [tilespmem:v19+s11+$0x0], $0xffff  }
0x19f: {  	v14 =	vshll.u32 v14, $0x3  }
0x1a0: {  	v16 =	vadd.s32 v9, v16;
	v14 =	vadd.s32 v2, v14;
	v19 =	vadd.s32 $0xFFFFFFFC, v13  }
0x1a1: {  	v18 =	vor.u32 $0x4, v14;
	vm1 =	vlt.s32 v13, $0x5;
	vm2 =	vlt.u32 v19, $0xFFFFFFFE  }
0x1a2: {  	v20 =	vor.u32 $0x5, v14;
	v19 =	vor.u32 $0x6, v14;
	vm2 =	vmand vm1, vm2  }
0x1a3: {  	v14 =	vor.u32 $0x7, v14;
	v17 =	vsel vm1, $0x0, v17;
	v21 =	vsel vm2, $0x1, v1  }
0x1a4: {  	vm1 =	vlt.s32 v13, $0x4;
	v15 =	vadd.f32 v17, v15;
	v12 =	vor.u32 v21, v12  }
0x1a5: {  	v11 =	vadd.f32 v17, v11;
	v21 =	vnsel vm1, $0x4, v13;
	vm1 =	vgt.s32 v12, $0x0  }
0x1a6: {  	vm3 =	vgt.s32 v13, $0x3;
	v17 =	vcvt.s32.f32 v21;
	v13 =	vsel vm1, $0x0, v15  }
0x1a7: {  	v11 =	vsel vm2, $0x0, v11;
	vm1 =	vmand vm3, vm1;
	[tilespmem:v18+s12+$0x0] =	vst.idx.msk $0xffff, v13  }
0x1a8: {  	v13 =	vsel vm1, $0x3F800000, v17;
	[tilespmem:v20+s12+$0x0] =	vst.idx.msk $0xffff, v11  }
0x1a9: {  	[tilespmem:v19+s12+$0x0] =	vst.idx.msk $0xffff, v13  }
0x1aa: {  	[tilespmem:v14+s12+$0x0] =	vst.idx.msk $0xffff, v17  }
0x1ab: {  	v13 =	vld.idx.msk [tilespmem:v16+s2+$0x0], $0xffff  }
0x1ac: {  	s30 =	sadd.s32 $0x2, s15  }
0x1ad: {  	v14 =	vmov s30;
	v17 =	vmov s14  }
0x1ae: {  	v14 =	vshll.u32 v14, $0x3;
	v16 =	vld.idx.msk [tilespmem:v16+s11+$0x0], $0xffff;
	v17 =	vshrl.u32 v17, $0x3  }
0x1af: {  	v14 =	vadd.s32 v2, v14;
	v17 =	vshll.u32 v17, v6  }
0x1b0: {  	v18 =	vor.u32 $0x6, v14;
	v17 =	vbroadcast v17, $0x0;
	v20 =	vadd.s32 $0xFFFFFFFC, v13  }
0x1b1: {  	v19 =	vor.u32 $0x4, v14;
	vm1 =	vlt.s32 v13, $0x5;
	vm2 =	vlt.u32 v20, $0xFFFFFFFE  }
0x1b2: {  	v17 =	vadd.s32 v10, v17;
	v20 =	vor.u32 $0x5, v14;
	vm2 =	vmand vm1, vm2  }
0x1b3: {  	v14 =	vor.u32 $0x7, v14;
	v16 =	vsel vm1, $0x0, v16;
	v21 =	vsel vm2, $0x1, v1  }
0x1b4: {  	vm1 =	vlt.s32 v13, $0x4;
	v15 =	vadd.f32 v16, v15;
	v12 =	vor.u32 v21, v12  }
0x1b5: {  	v11 =	vadd.f32 v16, v11;
	v16 =	vnsel vm1, $0x4, v13;
	vm1 =	vgt.s32 v12, $0x0  }
0x1b6: {  	vm3 =	vgt.s32 v13, $0x3;
	v13 =	vcvt.s32.f32 v16;
	v16 =	vsel vm1, $0x0, v15  }
0x1b7: {  	v11 =	vsel vm2, $0x0, v11;
	vm1 =	vmand vm3, vm1;
	[tilespmem:v19+s12+$0x0] =	vst.idx.msk $0xffff, v16  }
0x1b8: {  	v16 =	vsel vm1, $0x3F800000, v13;
	[tilespmem:v20+s12+$0x0] =	vst.idx.msk $0xffff, v11  }
0x1b9: {  	[tilespmem:v18+s12+$0x0] =	vst.idx.msk $0xffff, v16  }
0x1ba: {  	[tilespmem:v14+s12+$0x0] =	vst.idx.msk $0xffff, v13  }
0x1bb: {  	v13 =	vld.idx.msk [tilespmem:v17+s2+$0x0], $0xffff;
	_ =	sdelay $0x1  }
0x1bc: {  	s31 =	sadd.s32 $0x3, s15  }
0x1bd: {  	v14 =	vmov s31;
	v16 =	vld.idx.msk [tilespmem:v17+s11+$0x0], $0xffff  }
0x1be: {  	v14 =	vshll.u32 v14, $0x3  }
0x1bf: {  	v14 =	vadd.s32 v2, v14;
	v17 =	vadd.s32 $0xFFFFFFFC, v13  }
0x1c0: {  	v18 =	vor.u32 $0x6, v14;
	vm1 =	vlt.s32 v13, $0x5;
	vm2 =	vlt.u32 v17, $0xFFFFFFFE  }
0x1c1: {  	v19 =	vor.u32 $0x4, v14;
	v17 =	vor.u32 $0x7, v14;
	vm2 =	vmand vm1, vm2  }
0x1c2: {  	v14 =	vor.u32 $0x5, v14;
	v16 =	vsel vm1, $0x0, v16;
	v20 =	vsel vm2, $0x1, v1  }
0x1c3: {  	vm1 =	vlt.s32 v13, $0x4;
	v15 =	vadd.f32 v16, v15;
	v12 =	vor.u32 v20, v12  }
0x1c4: {  	v11 =	vadd.f32 v16, v11;
	v20 =	vnsel vm1, $0x4, v13;
	vm1 =	vgt.s32 v12, $0x0  }
0x1c5: {  	vm3 =	vgt.s32 v13, $0x3;
	v12 =	vcvt.s32.f32 v20;
	v13 =	vsel vm1, $0x0, v15  }
0x1c6: {  	v11 =	vsel vm2, $0x0, v11;
	vm1 =	vmand vm3, vm1;
	[tilespmem:v19+s12+$0x0] =	vst.idx.msk $0xffff, v13  }
0x1c7: {  	[tilespmem:v14+s12+$0x0] =	vst.idx.msk $0xffff, v11;
	v11 =	vsel vm1, $0x3F800000, v12  }
0x1c8: {  	[tilespmem:v18+s12+$0x0] =	vst.idx.msk $0xffff, v11  }
0x1c9: {  	s17 =	simm.s32 $0x0;
	[tilespmem:v17+s12+$0x0] =	vst.idx.msk $0xffff, v12  }
0x1ca: {  	[hbm4b:s5+s17] =	stream.linear.scatter [tilespmem:s12], [sflag:$0x1], $0x6400, $0x38;
	[tilespmem:$0x9600] =	vst v63  }
0x1cb: {  	s15 =	simm.s32 $0x0;
	_ =	swait.ge [sflag:s10], $0x6400  }
0x1cc: {  	v11 =	vimm.s32 $0x0;
	v12 =	vmov s15;
	[sflag:s10] =	ssyncset.done $0x0  }
0x1cd: {  	v26 =	vsel vm0, $0x3, v11;
	v21 =	vshrl.u32 v12, $0x3;
	[sflag:s10] =	ssyncadd.s32 $0xFFFF9C00  }
0x1ce: {  	v12 =	vshll.u32 v21, v26;
	[tilespmem:s17], [sflag:$0x1] =	stream.linear.gather [hbm4b:s6+s17], $0x1900, $0x38;
	[tilespmem:$0x9600] =	vst v63  }
0x1cf: {  	v12 =	vbroadcast v12, $0x0;
	_ =	swait.ge [sflag:s10], $0x1900  }
0x1d0: {  	[sflag:s10] =	ssyncset.done $0x0  }
0x1d1: {  	v12 =	vadd.s32 v0, v12;
	[sflag:s10] =	ssyncadd.s32 $0xFFFFE700  }
0x1d2: {  	[tilespmem:s11], [sflag:$0x1] =	stream.linear.gather [hbm4b:s7+s17], $0x1900, $0x38;
	[tilespmem:$0x9600] =	vst v63  }
0x1d3: {  	_ =	swait.ge [sflag:s10], $0x1900  }
0x1d4: {  	[sflag:s10] =	ssyncset.done $0x0  }
0x1d5: {  	[sflag:s10] =	ssyncadd.s32 $0xFFFFE700  }
0x1d6: {  	v13 =	vld.idx.msk [tilespmem:v12+s17+$0x0], $0xffff;
	_ =	sdelay $0x1  }
0x1d7: {  	v15 =	vmov s17  }
0x1d8: {  	s16 =	simm.s32 $0x2;
	v15 =	vshll.u32 v15, $0x3;
	v12 =	vld.idx.msk [tilespmem:v12+s11+$0x0], $0xffff  }
0x1d9: {  	v16 =	vimm.f32 $0.0e+00;
	v14 =	vmov s16;
	v20 =	vadd.s32 v2, v15  }
0x1da: {  	v15 =	vor.u32 $0x1, v20;
	v17 =	vshrl.u32 v14, $0x3;
	v18 =	vadd.s32 $0xFFFFFFFC, v13  }
0x1db: {  	v14 =	vshll.u32 v17, v26;
	vm1 =	vlt.s32 v13, $0x5;
	vm2 =	vlt.u32 v18, $0xFFFFFFFE  }
0x1dc: {  	v22 =	vor.u32 $0x3, v20;
	v14 =	vbroadcast v14, $0x0;
	vm2 =	vmand vm1, vm2  }
0x1dd: {  	v18 =	vor.u32 $0x2, v20;
	v12 =	vsel vm1, $0x0, v12;
	v19 =	vsel vm2, $0x1, v1  }
0x1de: {  	vm1 =	vlt.s32 v13, $0x4;
	v23 =	vadd.f32 v12, v16;
	v24 =	vor.u32 v19, v11  }
0x1df: {  	v12 =	vadd.s32 v3, v14;
	v14 =	vnsel vm1, $0x4, v13;
	vm1 =	vgt.s32 v24, $0x0  }
0x1e0: {  	vm3 =	vgt.s32 v13, $0x3;
	v25 =	vcvt.s32.f32 v14;
	v13 =	vsel vm1, $0x0, v23  }
0x1e1: {  	v27 =	vsel vm2, $0x0, v23;
	vm1 =	vmand vm3, vm1;
	[tilespmem:v20+s12+$0x0] =	vst.idx.msk $0xffff, v13  }
0x1e2: {  	s23 =	simm.s32 $0xE;
	v13 =	vsel vm1, $0x3F800000, v25;
	[tilespmem:v15+s12+$0x0] =	vst.idx.msk $0xffff, v27  }
0x1e3: {  	s19 =	simm.s32 $0x4;
	s21 =	simm.s32 $0xC;
	s25 =	simm.s32 $0x8;
	v53 =	vmov s23;
	[tilespmem:v18+s12+$0x0] =	vst.idx.msk $0xffff, v13  }
0x1e4: {  	s18 =	simm.s32 $0x6;
	v54 =	vmov s25;
	v28 =	vmov s21;
	s28 =	simm.s32 $0x14;
	v14 =	vmov s19;
	[tilespmem:v22+s12+$0x0] =	vst.idx.msk $0xffff, v25  }
0x1e5: {  	v48 =	vmov s28;
	s15 =	simm.s32 $0x16;
	v19 =	vshrl.u32 v14, $0x3;
	v15 =	vmov s18;
	v22 =	vld.idx.msk [tilespmem:v12+s17+$0x0], $0xffff  }
0x1e6: {  	s20 =	simm.s32 $0x1;
	v60 =	vmov s15;
	s18 =	simm.s32 $0x12;
	v14 =	vshrl.u32 v15, $0x3;
	v13 =	vshll.u32 v19, v26  }
0x1e7: {  	v18 =	vmov s20;
	v59 =	vmov s18;
	v15 =	vshll.u32 v14, v26  }
0x1e8: {  	s22 =	simm.s32 $0x2;
	v13 =	vbroadcast v13, $0x0;
	v25 =	vbroadcast v15, $0x0;
	v15 =	vshll.u32 v18, $0x3;
	v31 =	vld.idx.msk [tilespmem:v12+s11+$0x0], $0xffff  }
0x1e9: {  	v12 =	vshrl.u32 v28, $0x3;
	v18 =	vadd.s32 v2, v15;
	v15 =	vmov s22  }
0x1ea: {  	v52 =	vadd.s32 v4, v13;
	v58 =	vshll.u32 v12, v26;
	v13 =	vadd.s32 $0xFFFFFFFC, v22  }
0x1eb: {  	v29 =	vor.u32 $0x3, v18;
	vm1 =	vlt.s32 v22, $0x5;
	vm2 =	vlt.u32 v13, $0xFFFFFFFE  }
0x1ec: {  	v30 =	vor.u32 $0x1, v18;
	v15 =	vshll.u32 v15, $0x3;
	vm2 =	vmand vm1, vm2  }
0x1ed: {  	v51 =	vor.u32 $0x2, v18;
	v31 =	vsel vm1, $0x0, v31;
	v55 =	vsel vm2, $0x1, v1  }
0x1ee: {  	vm1 =	vlt.s32 v22, $0x4;
	v56 =	vadd.f32 v31, v23;
	v57 =	vor.u32 v55, v24  }
0x1ef: {  	v23 =	vnsel vm1, $0x4, v22;
	v24 =	vadd.f32 v31, v27;
	vm1 =	vgt.s32 v57, $0x0  }
0x1f0: {  	vm3 =	vgt.s32 v22, $0x3;
	v27 =	vcvt.s32.f32 v23;
	v22 =	vsel vm1, $0x0, v56  }
0x1f1: {  	s24 =	simm.s32 $0xA;
	v49 =	vadd.s32 v5, v25;
	v31 =	vsel vm2, $0x0, v24;
	vm1 =	vmand vm3, vm1;
	[tilespmem:v18+s12+$0x0] =	vst.idx.msk $0xffff, v22  }
0x1f2: {  	v13 =	vmov s24;
	v23 =	vshrl.u32 v54, $0x3;
	v24 =	vsel vm1, $0x3F800000, v27;
	[tilespmem:v30+s12+$0x0] =	vst.idx.msk $0xffff, v31  }
0x1f3: {  	v15 =	vadd.s32 v2, v15;
	v22 =	vshrl.u32 v13, $0x3;
	v18 =	vshll.u32 v23, v26;
	[tilespmem:v51+s12+$0x0] =	vst.idx.msk $0xffff, v24  }
0x1f4: {  	v28 =	vor.u32 $0x1, v15;
	v30 =	vshll.u32 v22, v26;
	v18 =	vbroadcast v18, $0x0;
	[tilespmem:v29+s12+$0x0] =	vst.idx.msk $0xffff, v27  }
0x1f5: {  	s16 =	simm.s32 $0x4;
	v42 =	vor.u32 $0x3, v15;
	v13 =	vshrl.u32 v53, $0x3;
	v30 =	vbroadcast v30, $0x0;
	v41 =	vld.idx.msk [tilespmem:v52+s17+$0x0], $0xffff  }
0x1f6: {  	v24 =	vshll.u32 v13, v26;
	v38 =	vadd.s32 v0, v18;
	v18 =	vmov s16  }
0x1f7: {  	s26 =	simm.s32 $0x3;
	v43 =	vor.u32 $0x2, v15;
	v27 =	vbroadcast v24, $0x0;
	v18 =	vshll.u32 v18, $0x3  }
0x1f8: {  	s29 =	simm.s32 $0x5;
	v29 =	vmov s26;
	v33 =	vld.idx.msk [tilespmem:v52+s11+$0x0], $0xffff;
	v36 =	vadd.s32 v3, v30;
	v24 =	vadd.s32 v2, v18  }
0x1f9: {  	v18 =	vshll.u32 v29, $0x3;
	v29 =	vmov s29;
	v34 =	vor.u32 $0x1, v24  }
0x1fa: {  	v32 =	vor.u32 $0x2, v24;
	v44 =	vadd.s32 v2, v18;
	v30 =	vadd.s32 $0xFFFFFFFC, v41  }
0x1fb: {  	v35 =	vor.u32 $0x3, v24;
	vm1 =	vlt.s32 v41, $0x5;
	vm2 =	vlt.u32 v30, $0xFFFFFFFE  }
0x1fc: {  	v29 =	vshll.u32 v29, $0x3;
	v45 =	vor.u32 $0x1, v44;
	vm2 =	vmand vm1, vm2  }
0x1fd: {  	v46 =	vor.u32 $0x2, v44;
	v25 =	vsel vm1, $0x0, v33;
	v30 =	vsel vm2, $0x1, v1  }
0x1fe: {  	vm1 =	vlt.s32 v41, $0x4;
	v52 =	vadd.f32 v25, v56;
	v53 =	vor.u32 v30, v57  }
0x1ff: {  	v25 =	vadd.f32 v25, v31;
	v30 =	vnsel vm1, $0x4, v41;
	vm1 =	vgt.s32 v53, $0x0  }
0x200: {  	vm3 =	vgt.s32 v41, $0x3;
	v31 =	vcvt.s32.f32 v30;
	v30 =	vsel vm1, $0x0, v52  }
0x201: {  	v54 =	vsel vm2, $0x0, v25;
	v25 =	vbroadcast v58, $0x0;
	vm1 =	vmand vm3, vm1;
	[tilespmem:v15+s12+$0x0] =	vst.idx.msk $0xffff, v30  }
0x202: {  	s31 =	simm.s32 $0x10;
	v47 =	vor.u32 $0x3, v44;
	v29 =	vadd.s32 v2, v29;
	[tilespmem:v28+s12+$0x0] =	vst.idx.msk $0xffff, v54;
	v28 =	vsel vm1, $0x3F800000, v31  }
0x203: {  	s30 =	simm.s32 $0x6;
	v37 =	vor.u32 $0x3, v29;
	v40 =	vadd.s32 v4, v25;
	v25 =	vmov s31;
	[tilespmem:v43+s12+$0x0] =	vst.idx.msk $0xffff, v28  }
0x204: {  	v39 =	vor.u32 $0x2, v29;
	v30 =	vmov s30;
	v25 =	vshrl.u32 v25, $0x3;
	[tilespmem:v42+s12+$0x0] =	vst.idx.msk $0xffff, v31  }
0x205: {  	v41 =	vor.u32 $0x1, v29;
	v30 =	vshll.u32 v30, $0x3;
	v62 =	vshll.u32 v25, v26;
	v55 =	vld.idx.msk [tilespmem:v49+s17+$0x0], $0xffff  }
0x206: {  	v28 =	vshrl.u32 v48, $0x3;
	v30 =	vadd.s32 v2, v30;
	v43 =	vshrl.u32 v60, $0x3  }
0x207: {  	v51 =	vbroadcast v62, $0x0;
	v33 =	vor.u32 $0x1, v30;
	v42 =	vshrl.u32 v59, $0x3;
	v61 =	vld.idx.msk [tilespmem:v49+s11+$0x0], $0xffff  }
0x208: {  	v31 =	vor.u32 $0x3, v30;
	v43 =	vshll.u32 v43, v26;
	v50 =	vshll.u32 v42, v26  }
0x209: {  	v42 =	vshll.u32 v28, v26;
	v28 =	vbroadcast v43, $0x0;
	v43 =	vor.u32 $0x2, v30  }
0x20a: {  	v49 =	vbroadcast v50, $0x0;
	vm1 =	vlt.s32 v55, $0x4;
	v63 =	vadd.s32 $0xFFFFFFFC, v55  }
0x20b: {  	s21 =	simm.s32 $0x1E;
	s14 =	simm.s32 $0x8;
	vm2 =	vlt.s32 v55, $0x5;
	v56 =	vnsel vm1, $0x4, v55;
	vm1 =	vlt.u32 v63, $0xFFFFFFFE  }
0x20c: {  	s19 =	simm.s32 $0x4;
	s20 =	simm.s32 $0xC;
	s18 =	simm.s32 $0x8;
	v48 =	vmovc v24;
	v50 =	vadd.s32 v0, v51;
	v57 =	vsel vm2, $0x0, v61;
	vm1 =	vmand vm2, vm1  }
.LBB2_12:
0x20d: {  	s22 =	sadd.s32 $0xFFFFFFFE, s21  }
0x20e: {  	p0 =	slt.u32 s20, $0xC4;
	v58 =	vsel vm1, $0x1, v1;
	s23 =	smov.u32 s20;
	s20 =	sadd.s32 $0x4, s20  }
0x20f: {  	v52 =	vadd.f32 v57, v52;
	v51 =	vmov s22;
	v53 =	vor.u32 v58, v53  }
0x210: {  	v54 =	vadd.f32 v57, v54;
	vm3 =	vgt.s32 v55, $0x3;
	vm2 =	vgt.s32 v53, $0x0  }
0x211: {  	v56 =	vcvt.s32.f32 v56;
	v55 =	vsel vm2, $0x0, v52;
	vm2 =	vmand vm3, vm2  }
0x212: {  	v54 =	vsel vm1, $0x0, v54;
	[tilespmem:v44+s12+$0x0] =	vst.idx.msk $0xffff, v55  }
0x213: {  	v44 =	vsel vm2, $0x3F800000, v56;
	[tilespmem:v45+s12+$0x0] =	vst.idx.msk $0xffff, v54  }
0x214: {  	[tilespmem:v46+s12+$0x0] =	vst.idx.msk $0xffff, v44  }
0x215: {  	v44 =	vmov s18;
	[tilespmem:v47+s12+$0x0] =	vst.idx.msk $0xffff, v56  }
0x216: {  	v44 =	vshll.u32 v44, $0x3;
	v55 =	vld.idx.msk [tilespmem:v38+s17+$0x0], $0xffff  }
0x217: {  	v56 =	vadd.s32 v2, v44  }
0x218: {  	v57 =	vor.u32 $0x1, v56;
	v46 =	vld.idx.msk [tilespmem:v38+s11+$0x0], $0xffff;
	v38 =	vmov v50  }
0x219: {  	s22 =	sadd.s32 $0x3, s19;
	s19 =	smov.u32 s18;
	s18 =	smov.u32 s23  }
0x21a: {  	v44 =	vmov s22;
	v50 =	vor.u32 $0x2, v56  }
0x21b: {  	v58 =	vor.u32 $0x3, v56;
	v44 =	vshll.u32 v44, $0x3  }
0x21c: {  	v44 =	vadd.s32 v2, v44;
	vm1 =	vlt.s32 v55, $0x4;
	v45 =	vadd.s32 $0xFFFFFFFC, v55  }
0x21d: {  	vm2 =	vlt.s32 v55, $0x5;
	vm3 =	vlt.u32 v45, $0xFFFFFFFE;
	v45 =	vor.u32 $0x1, v44  }
0x21e: {  	v49 =	vadd.s32 v3, v49;
	v47 =	vsel vm2, $0x0, v46;
	vm2 =	vmand vm2, vm3  }
0x21f: {  	v46 =	vor.u32 $0x2, v44;
	v59 =	vsel vm2, $0x1, v1;
	v54 =	vadd.f32 v47, v54  }
0x220: {  	v52 =	vadd.f32 v47, v52;
	v47 =	vor.u32 $0x3, v44;
	v53 =	vor.u32 v59, v53  }
0x221: {  	vm3 =	vgt.s32 v55, $0x3;
	v59 =	vnsel vm1, $0x4, v55;
	vm1 =	vgt.s32 v53, $0x0  }
0x222: {  	v54 =	vsel vm2, $0x0, v54;
	v59 =	vcvt.s32.f32 v59;
	v55 =	vsel vm1, $0x0, v52  }
0x223: {  	vm1 =	vmand vm3, vm1;
	[tilespmem:v48+s12+$0x0] =	vst.idx.msk $0xffff, v55;
	v48 =	vmov v56  }
0x224: {  	v55 =	vsel vm1, $0x3F800000, v59;
	[tilespmem:v34+s12+$0x0] =	vst.idx.msk $0xffff, v54;
	v34 =	vmov v57  }
0x225: {  	[tilespmem:v32+s12+$0x0] =	vst.idx.msk $0xffff, v55;
	v32 =	vmov v50  }
0x226: {  	[tilespmem:v35+s12+$0x0] =	vst.idx.msk $0xffff, v59;
	v35 =	vmov v58  }
0x227: {  	v50 =	vld.idx.msk [tilespmem:v36+s17+$0x0], $0xffff  }
0x228: {  	s22 =	sadd.s32 $0x1, s19  }
0x229: {  	v55 =	vmov s22;
	v56 =	vld.idx.msk [tilespmem:v36+s11+$0x0], $0xffff;
	v36 =	vmov v49  }
0x22a: {  	v49 =	vshll.u32 v55, $0x3  }
0x22b: {  	v49 =	vadd.s32 v2, v49  }
0x22c: {  	v55 =	vor.u32 $0x3, v49  }
0x22d: {  	v57 =	vor.u32 $0x1, v49;
	vm1 =	vlt.s32 v50, $0x4;
	v58 =	vadd.s32 $0xFFFFFFFC, v50  }
0x22e: {  	v59 =	vor.u32 $0x2, v49;
	vm2 =	vlt.s32 v50, $0x5;
	vm3 =	vlt.u32 v58, $0xFFFFFFFE  }
0x22f: {  	v58 =	vnsel vm1, $0x4, v50;
	v56 =	vsel vm2, $0x0, v56;
	vm1 =	vmand vm2, vm3  }
0x230: {  	v42 =	vbroadcast v42, $0x0;
	v60 =	vsel vm1, $0x1, v1;
	v52 =	vadd.f32 v56, v52  }
0x231: {  	vm2 =	vgt.s32 v50, $0x3;
	v54 =	vadd.f32 v56, v54;
	v53 =	vor.u32 v60, v53  }
0x232: {  	v42 =	vadd.s32 v4, v42;
	v50 =	vcvt.s32.f32 v58;
	vm3 =	vgt.s32 v53, $0x0  }
0x233: {  	v54 =	vsel vm1, $0x0, v54;
	v56 =	vsel vm3, $0x0, v52;
	vm1 =	vmand vm2, vm3  }
0x234: {  	[tilespmem:v29+s12+$0x0] =	vst.idx.msk $0xffff, v56;
	v29 =	vmov v49  }
0x235: {  	v49 =	vsel vm1, $0x3F800000, v50;
	[tilespmem:v41+s12+$0x0] =	vst.idx.msk $0xffff, v54;
	v41 =	vmov v57  }
0x236: {  	[tilespmem:v39+s12+$0x0] =	vst.idx.msk $0xffff, v49;
	v39 =	vmov v59  }
0x237: {  	[tilespmem:v37+s12+$0x0] =	vst.idx.msk $0xffff, v50;
	v37 =	vmov v55  }
0x238: {  	v49 =	vld.idx.msk [tilespmem:v40+s17+$0x0], $0xffff;
	_ =	sdelay $0x1  }
0x239: {  	v50 =	vld.idx.msk [tilespmem:v40+s11+$0x0], $0xffff;
	v40 =	vmov v42;
	_ =	sdelay $0x2  }
0x23a: {  	v56 =	vadd.s32 v5, v27;
	v27 =	vmov v28  }
0x23b: {  	s22 =	sadd.s32 $0x2, s19;
	vm1 =	vlt.s32 v49, $0x4;
	v28 =	vadd.s32 $0xFFFFFFFC, v49;
	vm2 =	vgt.s32 v49, $0x3  }
0x23c: {  	vm3 =	vlt.s32 v49, $0x5;
	v42 =	vnsel vm1, $0x4, v49;
	vm1 =	vlt.u32 v28, $0xFFFFFFFE  }
0x23d: {  	v28 =	vmov s22;
	v49 =	vsel vm3, $0x0, v50;
	vm1 =	vmand vm3, vm1  }
0x23e: {  	v28 =	vshll.u32 v28, $0x3;
	v50 =	vsel vm1, $0x1, v1;
	v52 =	vadd.f32 v49, v52  }
0x23f: {  	v51 =	vshrl.u32 v51, $0x3;
	v49 =	vadd.f32 v49, v54;
	v53 =	vor.u32 v50, v53  }
0x240: {  	v28 =	vadd.s32 v2, v28;
	v50 =	vcvt.s32.f32 v42;
	vm3 =	vgt.s32 v53, $0x0  }
0x241: {  	v42 =	vor.u32 $0x1, v28;
	v55 =	vor.u32 $0x3, v28;
	v57 =	vsel vm3, $0x0, v52  }
0x242: {  	s22 =	sadd.s32 $0xFFFFFFFC, s21;
	v54 =	vsel vm1, $0x0, v49;
	vm1 =	vmand vm2, vm3;
	[tilespmem:v30+s12+$0x0] =	vst.idx.msk $0xffff, v57;
	v30 =	vmov v28  }
0x243: {  	v49 =	vmov s21;
	v28 =	vmov s22;
	v57 =	vsel vm1, $0x3F800000, v50;
	[tilespmem:v33+s12+$0x0] =	vst.idx.msk $0xffff, v54;
	v33 =	vmovc v42  }
0x244: {  	v58 =	vshrl.u32 v49, $0x3;
	v28 =	vshrl.u32 v28, $0x3;
	[tilespmem:v43+s12+$0x0] =	vst.idx.msk $0xffff, v57  }
0x245: {  	s22 =	sadd.s32 $0xFFFFFFFA, s21;
	v42 =	vshll.u32 v51, v26;
	v28 =	vshll.u32 v28, v26;
	[tilespmem:v31+s12+$0x0] =	vst.idx.msk $0xffff, v50;
	v31 =	vmov v55  }
0x246: {  	v43 =	vmov s22;
	v49 =	vbroadcast v28, $0x0;
	v28 =	vshll.u32 v58, v26;
	v55 =	vld.idx.msk [tilespmem:v56+s17+$0x0], $0xffff  }
0x247: {  	v43 =	vshrl.u32 v43, $0x3;
	v28 =	vbroadcast v28, $0x0;
	v51 =	vld.idx.msk [tilespmem:v56+s11+$0x0], $0xffff  }
0x248: {  	v43 =	vshll.u32 v43, v26  }
0x249: {  	v43 =	vbroadcast v43, $0x0  }
.Ltmp5:
0x24a: {  	(pc) =	sbr.rel @p0 .LBB2_12-.Ltmp5, $4  }
0x24b: {  	v50 =	vadd.s32 v0, v43  }
0x24c: {  	vm1 =	vlt.s32 v55, $0x4;
	v43 =	vadd.s32 $0xFFFFFFFC, v55  }
0x24d: {  	vm2 =	vlt.s32 v55, $0x5;
	v56 =	vnsel vm1, $0x4, v55;
	vm1 =	vlt.u32 v43, $0xFFFFFFFE  }
0x24e: {  	s21 =	sadd.s32 $0x8, s21;
	v43 =	vor.u32 $0x2, v30;
	v57 =	vsel vm2, $0x0, v51;
	vm1 =	vmand vm2, vm1  }
0x24f: {  	v26 =	vsel vm1, $0x1, v1  }
0x250: {  	v51 =	vadd.f32 v57, v52;
	v26 =	vor.u32 v26, v53  }
0x251: {  	v60 =	vadd.f32 v57, v54;
	vm2 =	vgt.s32 v26, $0x0  }
0x252: {  	vm3 =	vgt.s32 v55, $0x3;
	v62 =	vcvt.s32.f32 v56;
	v61 =	vsel vm2, $0x0, v51  }
0x253: {  	v52 =	vsel vm1, $0x0, v60;
	vm2 =	vmand vm3, vm2;
	[tilespmem:v44+s12+$0x0] =	vst.idx.msk $0xffff, v61  }
0x254: {  	v63 =	vsel vm2, $0x3F800000, v62;
	[tilespmem:v45+s12+$0x0] =	vst.idx.msk $0xffff, v52  }
0x255: {  	[tilespmem:v46+s12+$0x0] =	vst.idx.msk $0xffff, v63  }
0x256: {  	[tilespmem:v47+s12+$0x0] =	vst.idx.msk $0xffff, v62  }
0x257: {  	v44 =	vld.idx.msk [tilespmem:v38+s17+$0x0], $0xffff;
	_ =	sdelay $0x2  }
0x258: {  	v53 =	vld.idx.msk [tilespmem:v38+s11+$0x0], $0xffff;
	_ =	sdelay $0x1  }
0x259: {  	v54 =	vadd.s32 $0xFFFFFFFC, v44  }
0x25a: {  	vm1 =	vlt.s32 v44, $0x5;
	vm2 =	vlt.u32 v54, $0xFFFFFFFE  }
0x25b: {  	vm2 =	vmand vm1, vm2  }
0x25c: {  	v38 =	vsel vm1, $0x0, v53;
	v55 =	vsel vm2, $0x1, v1  }
0x25d: {  	vm1 =	vlt.s32 v44, $0x4;
	v56 =	vadd.f32 v38, v51;
	v26 =	vor.u32 v55, v26  }
0x25e: {  	v38 =	vadd.f32 v38, v52;
	v57 =	vnsel vm1, $0x4, v44;
	vm1 =	vgt.s32 v26, $0x0  }
0x25f: {  	vm3 =	vgt.s32 v44, $0x3;
	v46 =	vcvt.s32.f32 v57;
	v58 =	vsel vm1, $0x0, v56  }
0x260: {  	v38 =	vsel vm2, $0x0, v38;
	vm1 =	vmand vm3, vm1;
	[tilespmem:v48+s12+$0x0] =	vst.idx.msk $0xffff, v58  }
0x261: {  	v59 =	vsel vm1, $0x3F800000, v46;
	[tilespmem:v34+s12+$0x0] =	vst.idx.msk $0xffff, v38  }
0x262: {  	[tilespmem:v32+s12+$0x0] =	vst.idx.msk $0xffff, v59  }
0x263: {  	[tilespmem:v35+s12+$0x0] =	vst.idx.msk $0xffff, v46  }
0x264: {  	v32 =	vld.idx.msk [tilespmem:v36+s17+$0x0], $0xffff;
	_ =	sdelay $0x2  }
0x265: {  	v34 =	vld.idx.msk [tilespmem:v36+s11+$0x0], $0xffff;
	_ =	sdelay $0x1  }
0x266: {  	v60 =	vadd.s32 $0xFFFFFFFC, v32  }
0x267: {  	vm1 =	vlt.s32 v32, $0x5;
	vm2 =	vlt.u32 v60, $0xFFFFFFFE  }
0x268: {  	vm2 =	vmand vm1, vm2  }
0x269: {  	v34 =	vsel vm1, $0x0, v34;
	v61 =	vsel vm2, $0x1, v1  }
0x26a: {  	vm1 =	vlt.s32 v32, $0x4;
	v62 =	vadd.f32 v34, v56;
	v26 =	vor.u32 v61, v26  }
0x26b: {  	v34 =	vadd.f32 v34, v38;
	v63 =	vnsel vm1, $0x4, v32;
	vm1 =	vgt.s32 v26, $0x0  }
0x26c: {  	vm3 =	vgt.s32 v32, $0x3;
	v38 =	vcvt.s32.f32 v63;
	v44 =	vsel vm1, $0x0, v62  }
0x26d: {  	v34 =	vsel vm2, $0x0, v34;
	vm1 =	vmand vm3, vm1;
	[tilespmem:v29+s12+$0x0] =	vst.idx.msk $0xffff, v44  }
0x26e: {  	v29 =	vsel vm1, $0x3F800000, v38;
	[tilespmem:v41+s12+$0x0] =	vst.idx.msk $0xffff, v34  }
0x26f: {  	[tilespmem:v39+s12+$0x0] =	vst.idx.msk $0xffff, v29  }
0x270: {  	[tilespmem:v37+s12+$0x0] =	vst.idx.msk $0xffff, v38  }
0x271: {  	v29 =	vld.idx.msk [tilespmem:v40+s17+$0x0], $0xffff;
	_ =	sdelay $0x2  }
0x272: {  	v32 =	vld.idx.msk [tilespmem:v40+s11+$0x0], $0xffff;
	_ =	sdelay $0x1  }
0x273: {  	v45 =	vadd.s32 $0xFFFFFFFC, v29  }
0x274: {  	vm1 =	vlt.s32 v29, $0x5;
	vm2 =	vlt.u32 v45, $0xFFFFFFFE  }
0x275: {  	vm2 =	vmand vm1, vm2  }
0x276: {  	v27 =	vadd.s32 v5, v27;
	v32 =	vsel vm1, $0x0, v32;
	v46 =	vsel vm2, $0x1, v1  }
0x277: {  	vm1 =	vlt.s32 v29, $0x4;
	v36 =	vadd.f32 v32, v62;
	v26 =	vor.u32 v46, v26  }
0x278: {  	v32 =	vadd.f32 v32, v34;
	v47 =	vnsel vm1, $0x4, v29;
	vm1 =	vgt.s32 v26, $0x0  }
0x279: {  	vm3 =	vgt.s32 v29, $0x3;
	v29 =	vcvt.s32.f32 v47;
	v48 =	vsel vm1, $0x0, v36  }
0x27a: {  	v32 =	vsel vm2, $0x0, v32;
	vm1 =	vmand vm3, vm1;
	[tilespmem:v30+s12+$0x0] =	vst.idx.msk $0xffff, v48  }
0x27b: {  	v30 =	vsel vm1, $0x3F800000, v29;
	[tilespmem:v33+s12+$0x0] =	vst.idx.msk $0xffff, v32  }
0x27c: {  	[tilespmem:v43+s12+$0x0] =	vst.idx.msk $0xffff, v30  }
0x27d: {  	[tilespmem:v31+s12+$0x0] =	vst.idx.msk $0xffff, v29  }
0x27e: {  	v29 =	vld.idx.msk [tilespmem:v27+s17+$0x0], $0xffff;
	_ =	sdelay $0x2  }
0x27f: {  	s19 =	sadd.s32 $0x3, s19;
	v27 =	vld.idx.msk [tilespmem:v27+s11+$0x0], $0xffff  }
0x280: {  	v30 =	vmov s19  }
0x281: {  	v30 =	vshll.u32 v30, $0x3;
	v31 =	vadd.s32 $0xFFFFFFFC, v29  }
0x282: {  	v30 =	vadd.s32 v2, v30;
	vm1 =	vlt.s32 v29, $0x5;
	vm2 =	vlt.u32 v31, $0xFFFFFFFE  }
0x283: {  	v51 =	vor.u32 $0x2, v30;
	v52 =	vor.u32 $0x3, v30;
	vm2 =	vmand vm1, vm2  }
0x284: {  	v31 =	vor.u32 $0x1, v30;
	v27 =	vsel vm1, $0x0, v27;
	v53 =	vsel vm2, $0x1, v1  }
0x285: {  	vm1 =	vlt.s32 v29, $0x4;
	v54 =	vadd.f32 v27, v36;
	v26 =	vor.u32 v53, v26  }
0x286: {  	v27 =	vadd.f32 v27, v32;
	v55 =	vnsel vm1, $0x4, v29;
	vm1 =	vgt.s32 v26, $0x0  }
0x287: {  	vm3 =	vgt.s32 v29, $0x3;
	v56 =	vcvt.s32.f32 v55;
	v29 =	vsel vm1, $0x0, v54  }
0x288: {  	v27 =	vsel vm2, $0x0, v27;
	vm1 =	vmand vm3, vm1;
	[tilespmem:v30+s12+$0x0] =	vst.idx.msk $0xffff, v29  }
0x289: {  	v29 =	vsel vm1, $0x3F800000, v56;
	[tilespmem:v31+s12+$0x0] =	vst.idx.msk $0xffff, v27  }
0x28a: {  	[tilespmem:v51+s12+$0x0] =	vst.idx.msk $0xffff, v29  }
0x28b: {  	[tilespmem:v52+s12+$0x0] =	vst.idx.msk $0xffff, v56  }
0x28c: {  	v29 =	vld.idx.msk [tilespmem:v50+s17+$0x0], $0xffff;
	_ =	sdelay $0x2  }
0x28d: {  	v31 =	vld.idx.msk [tilespmem:v50+s11+$0x0], $0xffff  }
0x28e: {  	v30 =	vmov s18  }
0x28f: {  	v61 =	vadd.s32 v3, v49;
	v30 =	vshll.u32 v30, $0x3;
	v57 =	vadd.s32 $0xFFFFFFFC, v29  }
0x290: {  	v30 =	vadd.s32 v2, v30;
	vm1 =	vlt.s32 v29, $0x5;
	vm2 =	vlt.u32 v57, $0xFFFFFFFE  }
0x291: {  	v58 =	vor.u32 $0x1, v30;
	v59 =	vor.u32 $0x2, v30;
	vm2 =	vmand vm1, vm2  }
0x292: {  	v60 =	vor.u32 $0x3, v30;
	v31 =	vsel vm1, $0x0, v31;
	v62 =	vsel vm2, $0x1, v1  }
0x293: {  	vm1 =	vlt.s32 v29, $0x4;
	v35 =	vadd.f32 v31, v54;
	v26 =	vor.u32 v62, v26  }
0x294: {  	v27 =	vadd.f32 v31, v27;
	v31 =	vnsel vm1, $0x4, v29;
	vm1 =	vgt.s32 v26, $0x0  }
0x295: {  	vm3 =	vgt.s32 v29, $0x3;
	v31 =	vcvt.s32.f32 v31;
	v29 =	vsel vm1, $0x0, v35  }
0x296: {  	v27 =	vsel vm2, $0x0, v27;
	vm1 =	vmand vm3, vm1;
	[tilespmem:v30+s12+$0x0] =	vst.idx.msk $0xffff, v29  }
0x297: {  	v29 =	vsel vm1, $0x3F800000, v31;
	[tilespmem:v58+s12+$0x0] =	vst.idx.msk $0xffff, v27  }
0x298: {  	[tilespmem:v59+s12+$0x0] =	vst.idx.msk $0xffff, v29  }
0x299: {  	[tilespmem:v60+s12+$0x0] =	vst.idx.msk $0xffff, v31  }
0x29a: {  	v29 =	vld.idx.msk [tilespmem:v61+s17+$0x0], $0xffff;
	_ =	sdelay $0x2  }
0x29b: {  	s25 =	sadd.s32 $0x1, s18;
	v41 =	vbroadcast v42, $0x0;
	v31 =	vld.idx.msk [tilespmem:v61+s11+$0x0], $0xffff  }
0x29c: {  	v30 =	vmov s25  }
0x29d: {  	v34 =	vadd.s32 v4, v41;
	v30 =	vshll.u32 v30, $0x3;
	v40 =	vadd.s32 $0xFFFFFFFC, v29  }
0x29e: {  	v30 =	vadd.s32 v2, v30;
	vm1 =	vlt.s32 v29, $0x5;
	vm2 =	vlt.u32 v40, $0xFFFFFFFE  }
0x29f: {  	v63 =	vor.u32 $0x3, v30;
	v42 =	vor.u32 $0x1, v30;
	vm2 =	vmand vm1, vm2  }
0x2a0: {  	v43 =	vor.u32 $0x2, v30;
	v31 =	vsel vm1, $0x0, v31;
	v44 =	vsel vm2, $0x1, v1  }
0x2a1: {  	vm1 =	vlt.s32 v29, $0x4;
	v35 =	vadd.f32 v31, v35;
	v26 =	vor.u32 v44, v26  }
0x2a2: {  	v27 =	vadd.f32 v31, v27;
	v45 =	vnsel vm1, $0x4, v29;
	vm1 =	vgt.s32 v26, $0x0  }
0x2a3: {  	vm3 =	vgt.s32 v29, $0x3;
	v29 =	vcvt.s32.f32 v45;
	v31 =	vsel vm1, $0x0, v35  }
0x2a4: {  	v27 =	vsel vm2, $0x0, v27;
	vm1 =	vmand vm3, vm1;
	[tilespmem:v30+s12+$0x0] =	vst.idx.msk $0xffff, v31  }
0x2a5: {  	v30 =	vsel vm1, $0x3F800000, v29;
	[tilespmem:v42+s12+$0x0] =	vst.idx.msk $0xffff, v27  }
0x2a6: {  	[tilespmem:v43+s12+$0x0] =	vst.idx.msk $0xffff, v30  }
0x2a7: {  	[tilespmem:v63+s12+$0x0] =	vst.idx.msk $0xffff, v29  }
0x2a8: {  	v29 =	vld.idx.msk [tilespmem:v34+s17+$0x0], $0xffff;
	_ =	sdelay $0x2  }
0x2a9: {  	s26 =	sadd.s32 $0x2, s18;
	v31 =	vld.idx.msk [tilespmem:v34+s11+$0x0], $0xffff  }
0x2aa: {  	v30 =	vmov s26  }
0x2ab: {  	v28 =	vadd.s32 v5, v28;
	v30 =	vshll.u32 v30, $0x3;
	v46 =	vadd.s32 $0xFFFFFFFC, v29  }
0x2ac: {  	v30 =	vadd.s32 v2, v30;
	vm1 =	vlt.s32 v29, $0x5;
	vm2 =	vlt.u32 v46, $0xFFFFFFFE  }
0x2ad: {  	v47 =	vor.u32 $0x1, v30;
	v48 =	vor.u32 $0x3, v30;
	vm2 =	vmand vm1, vm2  }
0x2ae: {  	v49 =	vor.u32 $0x2, v30;
	v31 =	vsel vm1, $0x0, v31;
	v50 =	vsel vm2, $0x1, v1  }
0x2af: {  	vm1 =	vlt.s32 v29, $0x4;
	v35 =	vadd.f32 v31, v35;
	v26 =	vor.u32 v50, v26  }
0x2b0: {  	v27 =	vadd.f32 v31, v27;
	v51 =	vnsel vm1, $0x4, v29;
	vm1 =	vgt.s32 v26, $0x0  }
0x2b1: {  	vm3 =	vgt.s32 v29, $0x3;
	v29 =	vcvt.s32.f32 v51;
	v31 =	vsel vm1, $0x0, v35  }
0x2b2: {  	v27 =	vsel vm2, $0x0, v27;
	vm1 =	vmand vm3, vm1;
	[tilespmem:v30+s12+$0x0] =	vst.idx.msk $0xffff, v31  }
0x2b3: {  	v30 =	vsel vm1, $0x3F800000, v29;
	[tilespmem:v47+s12+$0x0] =	vst.idx.msk $0xffff, v27  }
0x2b4: {  	[tilespmem:v49+s12+$0x0] =	vst.idx.msk $0xffff, v30  }
0x2b5: {  	[tilespmem:v48+s12+$0x0] =	vst.idx.msk $0xffff, v29  }
0x2b6: {  	v29 =	vld.idx.msk [tilespmem:v28+s17+$0x0], $0xffff;
	_ =	sdelay $0x1  }
0x2b7: {  	v21 =	vshll.u32 v21, v6  }
0x2b8: {  	s28 =	sadd.s32 $0x3, s18;
	v21 =	vbroadcast v21, $0x0;
	v28 =	vld.idx.msk [tilespmem:v28+s11+$0x0], $0xffff  }
0x2b9: {  	v30 =	vmov s28  }
0x2ba: {  	v21 =	vadd.s32 v7, v21;
	v30 =	vshll.u32 v30, $0x3;
	v53 =	vadd.s32 $0xFFFFFFFC, v29  }
0x2bb: {  	vm1 =	vlt.s32 v29, $0x4;
	vm2 =	vlt.s32 v29, $0x5;
	vm3 =	vlt.u32 v53, $0xFFFFFFFE  }
0x2bc: {  	v30 =	vadd.s32 v2, v30;
	v55 =	vnsel vm1, $0x4, v29;
	vm1 =	vmand vm2, vm3  }
0x2bd: {  	v31 =	vor.u32 $0x1, v30;
	v28 =	vsel vm2, $0x0, v28;
	v56 =	vsel vm1, $0x1, v1  }
0x2be: {  	v52 =	vor.u32 $0x2, v30;
	v35 =	vadd.f32 v28, v35;
	v26 =	vor.u32 v56, v26  }
0x2bf: {  	v54 =	vor.u32 $0x3, v30;
	vm2 =	vgt.s32 v26, $0x0;
	v26 =	vadd.f32 v28, v27  }
0x2c0: {  	vm3 =	vgt.s32 v29, $0x3;
	v28 =	vcvt.s32.f32 v55;
	v27 =	vsel vm2, $0x0, v35  }
0x2c1: {  	vm2 =	vmand vm3, vm2;
	v26 =	vsel vm1, $0x0, v26;
	[tilespmem:v30+s12+$0x0] =	vst.idx.msk $0xffff, v27  }
0x2c2: {  	[tilespmem:v31+s12+$0x0] =	vst.idx.msk $0xffff, v26;
	v26 =	vsel vm2, $0x3F800000, v28  }
0x2c3: {  	[tilespmem:v52+s12+$0x0] =	vst.idx.msk $0xffff, v26  }
0x2c4: {  	[tilespmem:v54+s12+$0x0] =	vst.idx.msk $0xffff, v28  }
0x2c5: {  	v26 =	vld.idx.msk [tilespmem:v21+s2+$0x0], $0xffff;
	_ =	sdelay $0x2  }
0x2c6: {  	v17 =	vshll.u32 v17, v6;
	v21 =	vld.idx.msk [tilespmem:v21+s11+$0x0], $0xffff  }
0x2c7: {  	v17 =	vbroadcast v17, $0x0  }
0x2c8: {  	v29 =	vadd.s32 $0xFFFFFFFC, v26  }
0x2c9: {  	v17 =	vadd.s32 v8, v17;
	vm1 =	vlt.s32 v26, $0x5;
	vm2 =	vlt.u32 v29, $0xFFFFFFFE  }
0x2ca: {  	v27 =	vor.u32 $0x4, v20;
	v30 =	vor.u32 $0x6, v20;
	vm2 =	vmand vm1, vm2  }
0x2cb: {  	v28 =	vor.u32 $0x5, v20;
	v21 =	vsel vm1, $0x0, v21;
	v29 =	vsel vm2, $0x1, v1  }
0x2cc: {  	vm1 =	vlt.s32 v26, $0x4;
	v16 =	vadd.f32 v21, v16;
	v11 =	vor.u32 v29, v11  }
0x2cd: {  	v20 =	vor.u32 $0x7, v20;
	v21 =	vnsel vm1, $0x4, v26;
	vm1 =	vgt.s32 v11, $0x0  }
0x2ce: {  	vm3 =	vgt.s32 v26, $0x3;
	v21 =	vcvt.s32.f32 v21;
	v26 =	vsel vm1, $0x0, v16  }
0x2cf: {  	v29 =	vsel vm2, $0x0, v16;
	vm1 =	vmand vm3, vm1;
	[tilespmem:v27+s12+$0x0] =	vst.idx.msk $0xffff, v26  }
0x2d0: {  	v26 =	vsel vm1, $0x3F800000, v21;
	[tilespmem:v28+s12+$0x0] =	vst.idx.msk $0xffff, v29  }
0x2d1: {  	[tilespmem:v30+s12+$0x0] =	vst.idx.msk $0xffff, v26  }
0x2d2: {  	[tilespmem:v20+s12+$0x0] =	vst.idx.msk $0xffff, v21  }
0x2d3: {  	v20 =	vld.idx.msk [tilespmem:v17+s2+$0x0], $0xffff;
	_ =	sdelay $0x1  }
0x2d4: {  	s29 =	simm.s32 $0x1;
	v19 =	vshll.u32 v19, v6  }
0x2d5: {  	v19 =	vbroadcast v19, $0x0;
	v21 =	vmov s29;
	v17 =	vld.idx.msk [tilespmem:v17+s11+$0x0], $0xffff  }
0x2d6: {  	v21 =	vshll.u32 v21, $0x3  }
0x2d7: {  	v30 =	vadd.s32 v9, v19;
	v21 =	vadd.s32 v2, v21;
	v27 =	vadd.s32 $0xFFFFFFFC, v20  }
0x2d8: {  	v26 =	vor.u32 $0x4, v21;
	vm1 =	vlt.s32 v20, $0x5;
	vm2 =	vlt.u32 v27, $0xFFFFFFFE  }
0x2d9: {  	v28 =	vor.u32 $0x5, v21;
	v19 =	vor.u32 $0x7, v21;
	vm2 =	vmand vm1, vm2  }
0x2da: {  	v27 =	vor.u32 $0x6, v21;
	v17 =	vsel vm1, $0x0, v17;
	v21 =	vsel vm2, $0x1, v1  }
0x2db: {  	vm1 =	vlt.s32 v20, $0x4;
	v16 =	vadd.f32 v17, v16;
	v21 =	vor.u32 v21, v11  }
0x2dc: {  	v17 =	vadd.f32 v17, v29;
	v11 =	vnsel vm1, $0x4, v20;
	vm1 =	vgt.s32 v21, $0x0  }
0x2dd: {  	vm3 =	vgt.s32 v20, $0x3;
	v11 =	vcvt.s32.f32 v11;
	v20 =	vsel vm1, $0x0, v16  }
0x2de: {  	v31 =	vsel vm2, $0x0, v17;
	vm1 =	vmand vm3, vm1;
	[tilespmem:v26+s12+$0x0] =	vst.idx.msk $0xffff, v20  }
0x2df: {  	v12 =	vshll.u32 v12, v6;
	v17 =	vsel vm1, $0x3F800000, v11;
	[tilespmem:v28+s12+$0x0] =	vst.idx.msk $0xffff, v31  }
0x2e0: {  	v14 =	vshll.u32 v14, v6;
	v25 =	vshll.u32 v25, v6;
	v12 =	vbroadcast v12, $0x0;
	[tilespmem:v27+s12+$0x0] =	vst.idx.msk $0xffff, v17  }
0x2e1: {  	v14 =	vbroadcast v14, $0x0;
	v25 =	vbroadcast v25, $0x0;
	[tilespmem:v19+s12+$0x0] =	vst.idx.msk $0xffff, v11  }
0x2e2: {  	s30 =	simm.s32 $0x5;
	v13 =	vshll.u32 v13, v6;
	v12 =	vadd.s32 v9, v12;
	v26 =	vld.idx.msk [tilespmem:v30+s2+$0x0], $0xffff  }
0x2e3: {  	v25 =	vadd.s32 v7, v25;
	v59 =	vadd.s32 v10, v14;
	v14 =	vmov s30  }
0x2e4: {  	v57 =	vor.u32 $0x5, v15;
	v58 =	vor.u32 $0x7, v15;
	v14 =	vshll.u32 v14, $0x3  }
0x2e5: {  	v60 =	vadd.s32 v2, v14;
	v63 =	vbroadcast v13, $0x0;
	v20 =	vshll.u32 v23, v6;
	v29 =	vld.idx.msk [tilespmem:v30+s11+$0x0], $0xffff  }
0x2e6: {  	v23 =	vor.u32 $0x6, v15;
	v28 =	vor.u32 $0x4, v15;
	v15 =	vor.u32 $0x5, v60  }
0x2e7: {  	v17 =	vbroadcast v20, $0x0;
	v20 =	vor.u32 $0x6, v24;
	v14 =	vadd.s32 $0xFFFFFFFC, v26  }
0x2e8: {  	v11 =	vshll.u32 v22, v6;
	vm1 =	vlt.s32 v26, $0x5;
	vm2 =	vlt.u32 v14, $0xFFFFFFFE  }
0x2e9: {  	v19 =	vor.u32 $0x5, v24;
	v27 =	vadd.s32 v7, v17;
	vm2 =	vmand vm1, vm2  }
0x2ea: {  	v17 =	vor.u32 $0x4, v24;
	v61 =	vsel vm1, $0x0, v29;
	v30 =	vsel vm2, $0x1, v1  }
0x2eb: {  	vm1 =	vlt.s32 v26, $0x4;
	v29 =	vadd.f32 v61, v16;
	v30 =	vor.u32 v30, v21  }
0x2ec: {  	v16 =	vadd.f32 v61, v31;
	v21 =	vnsel vm1, $0x4, v26;
	vm1 =	vgt.s32 v30, $0x0  }
0x2ed: {  	vm3 =	vgt.s32 v26, $0x3;
	v21 =	vcvt.s32.f32 v21;
	v62 =	vsel vm1, $0x0, v29  }
0x2ee: {  	s31 =	simm.s32 $0x6;
	v11 =	vbroadcast v11, $0x0;
	v31 =	vsel vm2, $0x0, v16;
	vm1 =	vmand vm3, vm1;
	[tilespmem:v28+s12+$0x0] =	vst.idx.msk $0xffff, v62  }
0x2ef: {  	v16 =	vmov s31;
	v28 =	vadd.s32 v2, v18;
	v18 =	vsel vm1, $0x3F800000, v21;
	[tilespmem:v57+s12+$0x0] =	vst.idx.msk $0xffff, v31  }
0x2f0: {  	v24 =	vor.u32 $0x7, v24;
	v22 =	vadd.s32 v8, v11;
	v16 =	vshll.u32 v16, $0x3;
	[tilespmem:v23+s12+$0x0] =	vst.idx.msk $0xffff, v18  }
0x2f1: {  	v11 =	vor.u32 $0x4, v60;
	v14 =	vor.u32 $0x6, v60;
	v16 =	vadd.s32 v2, v16;
	[tilespmem:v58+s12+$0x0] =	vst.idx.msk $0xffff, v21  }
0x2f2: {  	v26 =	vor.u32 $0x7, v60;
	v13 =	vor.u32 $0x6, v16;
	v18 =	vor.u32 $0x4, v16;
	v32 =	vld.idx.msk [tilespmem:v59+s2+$0x0], $0xffff  }
0x2f3: {  	s17 =	simm.s32 $0xC;
	v23 =	vor.u32 $0x5, v16;
	v21 =	vor.u32 $0x7, v16;
	v16 =	vadd.s32 v10, v63;
	v33 =	vld.idx.msk [tilespmem:v59+s11+$0x0], $0xffff  }
.LBB2_14:
0x2f4: {  	p0 =	slt.u32 s17, $0xC4;
	s18 =	smov.u32 s17;
	s17 =	sadd.s32 $0x4, s17  }
0x2f5: {  	_ =	sdelay $0x1  }
0x2f6: {  	v34 =	vor.u32 $0x6, v28;
	v35 =	vor.u32 $0x7, v28  }
0x2f7: {  	v37 =	vor.u32 $0x5, v28;
	vm1 =	vlt.s32 v32, $0x4;
	v36 =	vadd.s32 $0xFFFFFFFC, v32  }
0x2f8: {  	vm2 =	vlt.s32 v32, $0x5;
	v38 =	vnsel vm1, $0x4, v32;
	vm1 =	vlt.u32 v36, $0xFFFFFFFE  }
0x2f9: {  	v28 =	vor.u32 $0x4, v28;
	v33 =	vsel vm2, $0x0, v33;
	vm1 =	vmand vm2, vm1  }
0x2fa: {  	v36 =	vmov s14;
	v29 =	vadd.f32 v33, v29;
	v39 =	vsel vm1, $0x1, v1  }
0x2fb: {  	v36 =	vshll.u32 v36, $0x3;
	v31 =	vadd.f32 v33, v31;
	v30 =	vor.u32 v39, v30  }
0x2fc: {  	s19 =	sadd.s32 $0xFFFFFFFC, s15;
	vm3 =	vgt.s32 v32, $0x3;
	v32 =	vcvt.s32.f32 v38;
	vm2 =	vgt.s32 v30, $0x0  }
0x2fd: {  	v33 =	vadd.s32 v2, v36;
	v36 =	vsel vm2, $0x0, v29;
	vm2 =	vmand vm3, vm2  }
0x2fe: {  	v38 =	vor.u32 $0x4, v33;
	v39 =	vmov s19;
	v31 =	vsel vm1, $0x0, v31;
	[tilespmem:v28+s12+$0x0] =	vst.idx.msk $0xffff, v36  }
0x2ff: {  	v28 =	vor.u32 $0x5, v33;
	v36 =	vor.u32 $0x6, v33;
	[tilespmem:v37+s12+$0x0] =	vst.idx.msk $0xffff, v31;
	v37 =	vsel vm2, $0x3F800000, v32  }
0x300: {  	v39 =	vshrl.u32 v39, $0x3;
	[tilespmem:v34+s12+$0x0] =	vst.idx.msk $0xffff, v37  }
0x301: {  	v33 =	vor.u32 $0x7, v33;
	v34 =	vshll.u32 v39, v6;
	[tilespmem:v35+s12+$0x0] =	vst.idx.msk $0xffff, v32  }
0x302: {  	v32 =	vbroadcast v34, $0x0;
	v34 =	vld.idx.msk [tilespmem:v27+s2+$0x0], $0xffff;
	_ =	sdelay $0x1  }
0x303: {  	v32 =	vadd.s32 v8, v32;
	v35 =	vld.idx.msk [tilespmem:v27+s11+$0x0], $0xffff;
	v27 =	vmov v25;
	_ =	sdelay $0x3  }
0x304: {  	vm1 =	vlt.s32 v34, $0x4;
	v25 =	vadd.s32 $0xFFFFFFFC, v34  }
0x305: {  	vm2 =	vlt.s32 v34, $0x5;
	v37 =	vnsel vm1, $0x4, v34;
	vm1 =	vlt.u32 v25, $0xFFFFFFFE  }
0x306: {  	v25 =	vsel vm2, $0x0, v35;
	vm1 =	vmand vm2, vm1;
	v35 =	vcvt.s32.f32 v37  }
0x307: {  	v37 =	vsel vm1, $0x1, v1;
	v29 =	vadd.f32 v25, v29;
	v25 =	vadd.f32 v25, v31  }
0x308: {  	v30 =	vor.u32 v37, v30  }
0x309: {  	vm3 =	vgt.s32 v34, $0x3;
	vm2 =	vgt.s32 v30, $0x0  }
0x30a: {  	v31 =	vsel vm2, $0x0, v29;
	vm2 =	vmand vm3, vm2  }
0x30b: {  	s19 =	sadd.s32 $0x1, s14;
	v25 =	vsel vm1, $0x0, v25;
	[tilespmem:v17+s12+$0x0] =	vst.idx.msk $0xffff, v31;
	v31 =	vsel vm2, $0x3F800000, v35;
	v17 =	vmov v38  }
0x30c: {  	v34 =	vmov s19;
	[tilespmem:v19+s12+$0x0] =	vst.idx.msk $0xffff, v25;
	v19 =	vmov v28  }
0x30d: {  	v28 =	vshll.u32 v34, $0x3;
	[tilespmem:v20+s12+$0x0] =	vst.idx.msk $0xffff, v31;
	v20 =	vmov v36  }
0x30e: {  	s19 =	sadd.s32 $0xFFFFFFFE, s15;
	[tilespmem:v24+s12+$0x0] =	vst.idx.msk $0xffff, v35;
	v24 =	vmov v33  }
0x30f: {  	v31 =	vmov s19;
	v33 =	vld.idx.msk [tilespmem:v22+s2+$0x0], $0xffff  }
0x310: {  	v28 =	vadd.s32 v2, v28;
	v31 =	vshrl.u32 v31, $0x3  }
0x311: {  	s19 =	sadd.s32 $0x3, s16;
	s16 =	smov.u32 s14;
	s14 =	smov.u32 s18;
	v34 =	vor.u32 $0x4, v28;
	v31 =	vshll.u32 v31, v6  }
0x312: {  	v35 =	vor.u32 $0x5, v28;
	v31 =	vbroadcast v31, $0x0;
	v36 =	vld.idx.msk [tilespmem:v22+s11+$0x0], $0xffff;
	v22 =	vmov v32  }
0x313: {  	v37 =	vmov s19;
	v32 =	vor.u32 $0x6, v28  }
0x314: {  	v37 =	vshll.u32 v37, $0x3;
	v31 =	vadd.s32 v9, v31  }
0x315: {  	v38 =	vor.u32 $0x7, v28;
	vm1 =	vlt.s32 v33, $0x4;
	v28 =	vadd.s32 $0xFFFFFFFC, v33  }
0x316: {  	vm2 =	vlt.s32 v33, $0x5;
	vm3 =	vlt.u32 v28, $0xFFFFFFFE;
	v28 =	vadd.s32 v2, v37  }
0x317: {  	v37 =	vnsel vm1, $0x4, v33;
	vm1 =	vmand vm2, vm3  }
0x318: {  	v36 =	vsel vm2, $0x0, v36;
	v39 =	vsel vm1, $0x1, v1  }
0x319: {  	v30 =	vor.u32 v39, v30;
	v29 =	vadd.f32 v36, v29  }
0x31a: {  	vm3 =	vgt.s32 v33, $0x3;
	v25 =	vadd.f32 v36, v25;
	vm2 =	vgt.s32 v30, $0x0  }
0x31b: {  	v36 =	vcvt.s32.f32 v37;
	v33 =	vsel vm2, $0x0, v29;
	vm2 =	vmand vm3, vm2  }
0x31c: {  	v25 =	vsel vm1, $0x0, v25;
	[tilespmem:v11+s12+$0x0] =	vst.idx.msk $0xffff, v33;
	v11 =	vmov v34  }
0x31d: {  	v33 =	vsel vm2, $0x3F800000, v36;
	[tilespmem:v15+s12+$0x0] =	vst.idx.msk $0xffff, v25;
	v15 =	vmov v35  }
0x31e: {  	[tilespmem:v14+s12+$0x0] =	vst.idx.msk $0xffff, v33;
	v14 =	vmov v32  }
0x31f: {  	[tilespmem:v26+s12+$0x0] =	vst.idx.msk $0xffff, v36;
	v26 =	vmov v38  }
0x320: {  	v32 =	vld.idx.msk [tilespmem:v12+s2+$0x0], $0xffff  }
0x321: {  	s18 =	sadd.s32 $0x2, s16  }
0x322: {  	v33 =	vmov s18;
	v34 =	vld.idx.msk [tilespmem:v12+s11+$0x0], $0xffff;
	v12 =	vmov v31  }
0x323: {  	v31 =	vshll.u32 v33, $0x3;
	v33 =	vmov s15;
	_ =	sdelay $0x1  }
0x324: {  	v31 =	vadd.s32 v2, v31;
	v33 =	vshrl.u32 v33, $0x3  }
0x325: {  	v35 =	vor.u32 $0x6, v31;
	vm1 =	vlt.s32 v32, $0x5;
	v36 =	vadd.s32 $0xFFFFFFFC, v32  }
0x326: {  	v37 =	vor.u32 $0x4, v31;
	vm3 =	vgt.s32 v32, $0x3;
	vm2 =	vlt.u32 v36, $0xFFFFFFFE  }
0x327: {  	v36 =	vor.u32 $0x5, v31;
	v34 =	vsel vm1, $0x0, v34;
	vm1 =	vmand vm1, vm2  }
0x328: {  	v38 =	vor.u32 $0x7, v31;
	v31 =	vshll.u32 v33, v6;
	v25 =	vadd.f32 v34, v25  }
0x329: {  	s15 =	sadd.s32 $0x8, s15;
	vm2 =	vlt.s32 v32, $0x4;
	v33 =	vsel vm1, $0x1, v1;
	v29 =	vadd.f32 v34, v29  }
0x32a: {  	s18 =	sadd.s32 $0xFFFFFFFA, s15;
	v31 =	vbroadcast v31, $0x0;
	v32 =	vnsel vm2, $0x4, v32;
	v30 =	vor.u32 v33, v30  }
0x32b: {  	v33 =	vmov s18;
	v32 =	vcvt.s32.f32 v32;
	vm2 =	vgt.s32 v30, $0x0  }
0x32c: {  	v34 =	vadd.s32 v10, v31;
	v33 =	vshrl.u32 v33, $0x3;
	v39 =	vsel vm2, $0x0, v29  }
0x32d: {  	v31 =	vsel vm1, $0x0, v25;
	v33 =	vshll.u32 v33, v6;
	vm1 =	vmand vm3, vm2;
	[tilespmem:v18+s12+$0x0] =	vst.idx.msk $0xffff, v39;
	v18 =	vmovc v37  }
.Ltmp6:
0x32e: {  	v25 =	vbroadcast v33, $0x0;
	v33 =	vsel vm1, $0x3F800000, v32;
	[tilespmem:v23+s12+$0x0] =	vst.idx.msk $0xffff, v31;
	v23 =	vmov v36;
	(pc) =	sbr.rel @p0 .LBB2_14-.Ltmp6, $4  }
0x32f: {  	[tilespmem:v13+s12+$0x0] =	vst.idx.msk $0xffff, v33;
	v13 =	vmov v35  }
0x330: {  	v25 =	vadd.s32 v7, v25;
	[tilespmem:v21+s12+$0x0] =	vst.idx.msk $0xffff, v32;
	v21 =	vmov v38  }
0x331: {  	v32 =	vld.idx.msk [tilespmem:v16+s2+$0x0], $0xffff  }
0x332: {  	v33 =	vld.idx.msk [tilespmem:v16+s11+$0x0], $0xffff;
	v16 =	vmov v34  }
0x333: {  	_ =	sdelay $0x2  }
0x334: {  	v34 =	vadd.s32 $0xFFFFFFFC, v32  }
0x335: {  	v35 =	vor.u32 $0x6, v28;
	vm1 =	vlt.s32 v32, $0x5;
	vm2 =	vlt.u32 v34, $0xFFFFFFFE  }
0x336: {  	v59 =	vor.u32 $0x7, v28;
	v36 =	vor.u32 $0x4, v28;
	vm2 =	vmand vm1, vm2  }
0x337: {  	v60 =	vor.u32 $0x5, v28;
	v33 =	vsel vm1, $0x0, v33;
	v37 =	vsel vm2, $0x1, v1  }
0x338: {  	vm1 =	vlt.s32 v32, $0x4;
	v29 =	vadd.f32 v33, v29;
	v30 =	vor.u32 v37, v30  }
0x339: {  	v31 =	vadd.f32 v33, v31;
	v61 =	vnsel vm1, $0x4, v32;
	vm1 =	vgt.s32 v30, $0x0  }
0x33a: {  	vm3 =	vgt.s32 v32, $0x3;
	v62 =	vcvt.s32.f32 v61;
	v63 =	vsel vm1, $0x0, v29  }
0x33b: {  	v31 =	vsel vm2, $0x0, v31;
	vm1 =	vmand vm3, vm1;
	[tilespmem:v36+s12+$0x0] =	vst.idx.msk $0xffff, v63  }
0x33c: {  	v37 =	vsel vm1, $0x3F800000, v62;
	[tilespmem:v60+s12+$0x0] =	vst.idx.msk $0xffff, v31  }
0x33d: {  	[tilespmem:v35+s12+$0x0] =	vst.idx.msk $0xffff, v37  }
0x33e: {  	[tilespmem:v59+s12+$0x0] =	vst.idx.msk $0xffff, v62  }
0x33f: {  	v28 =	vld.idx.msk [tilespmem:v27+s2+$0x0], $0xffff;
	_ =	sdelay $0x2  }
0x340: {  	v38 =	vld.idx.msk [tilespmem:v27+s11+$0x0], $0xffff;
	_ =	sdelay $0x1  }
0x341: {  	v39 =	vadd.s32 $0xFFFFFFFC, v28  }
0x342: {  	vm1 =	vlt.s32 v28, $0x5;
	vm2 =	vlt.u32 v39, $0xFFFFFFFE  }
0x343: {  	vm2 =	vmand vm1, vm2  }
0x344: {  	v27 =	vsel vm1, $0x0, v38;
	v40 =	vsel vm2, $0x1, v1  }
0x345: {  	vm1 =	vlt.s32 v28, $0x4;
	v29 =	vadd.f32 v27, v29;
	v30 =	vor.u32 v40, v30  }
0x346: {  	v27 =	vadd.f32 v27, v31;
	v41 =	vnsel vm1, $0x4, v28;
	vm1 =	vgt.s32 v30, $0x0  }
0x347: {  	vm3 =	vgt.s32 v28, $0x3;
	v42 =	vcvt.s32.f32 v41;
	v43 =	vsel vm1, $0x0, v29  }
0x348: {  	v27 =	vsel vm2, $0x0, v27;
	vm1 =	vmand vm3, vm1;
	[tilespmem:v17+s12+$0x0] =	vst.idx.msk $0xffff, v43  }
0x349: {  	v44 =	vsel vm1, $0x3F800000, v42;
	[tilespmem:v19+s12+$0x0] =	vst.idx.msk $0xffff, v27  }
0x34a: {  	[tilespmem:v20+s12+$0x0] =	vst.idx.msk $0xffff, v44  }
0x34b: {  	[tilespmem:v24+s12+$0x0] =	vst.idx.msk $0xffff, v42  }
0x34c: {  	v17 =	vld.idx.msk [tilespmem:v22+s2+$0x0], $0xffff;
	_ =	sdelay $0x2  }
0x34d: {  	v19 =	vld.idx.msk [tilespmem:v22+s11+$0x0], $0xffff;
	_ =	sdelay $0x1  }
0x34e: {  	v45 =	vadd.s32 $0xFFFFFFFC, v17  }
0x34f: {  	vm1 =	vlt.s32 v17, $0x5;
	vm2 =	vlt.u32 v45, $0xFFFFFFFE  }
0x350: {  	vm2 =	vmand vm1, vm2  }
0x351: {  	v19 =	vsel vm1, $0x0, v19;
	v46 =	vsel vm2, $0x1, v1  }
0x352: {  	vm1 =	vlt.s32 v17, $0x4;
	v47 =	vadd.f32 v19, v29;
	v20 =	vor.u32 v46, v30  }
0x353: {  	v19 =	vadd.f32 v19, v27;
	v48 =	vnsel vm1, $0x4, v17;
	vm1 =	vgt.s32 v20, $0x0  }
0x354: {  	vm3 =	vgt.s32 v17, $0x3;
	v24 =	vcvt.s32.f32 v48;
	v49 =	vsel vm1, $0x0, v47  }
0x355: {  	v19 =	vsel vm2, $0x0, v19;
	vm1 =	vmand vm3, vm1;
	[tilespmem:v11+s12+$0x0] =	vst.idx.msk $0xffff, v49  }
0x356: {  	v11 =	vsel vm1, $0x3F800000, v24;
	[tilespmem:v15+s12+$0x0] =	vst.idx.msk $0xffff, v19  }
0x357: {  	[tilespmem:v14+s12+$0x0] =	vst.idx.msk $0xffff, v11  }
0x358: {  	[tilespmem:v26+s12+$0x0] =	vst.idx.msk $0xffff, v24  }
0x359: {  	v11 =	vld.idx.msk [tilespmem:v12+s2+$0x0], $0xffff;
	_ =	sdelay $0x2  }
0x35a: {  	v50 =	vld.idx.msk [tilespmem:v12+s11+$0x0], $0xffff;
	_ =	sdelay $0x1  }
0x35b: {  	v51 =	vadd.s32 $0xFFFFFFFC, v11  }
0x35c: {  	vm1 =	vlt.s32 v11, $0x5;
	vm2 =	vlt.u32 v51, $0xFFFFFFFE  }
0x35d: {  	vm2 =	vmand vm1, vm2  }
0x35e: {  	v12 =	vsel vm1, $0x0, v50;
	v52 =	vsel vm2, $0x1, v1  }
0x35f: {  	vm1 =	vlt.s32 v11, $0x4;
	v53 =	vadd.f32 v12, v47;
	v14 =	vor.u32 v52, v20  }
0x360: {  	v12 =	vadd.f32 v12, v19;
	v54 =	vnsel vm1, $0x4, v11;
	vm1 =	vgt.s32 v14, $0x0  }
0x361: {  	vm3 =	vgt.s32 v11, $0x3;
	v11 =	vcvt.s32.f32 v54;
	v55 =	vsel vm1, $0x0, v53  }
0x362: {  	v12 =	vsel vm2, $0x0, v12;
	vm1 =	vmand vm3, vm1;
	[tilespmem:v18+s12+$0x0] =	vst.idx.msk $0xffff, v55  }
0x363: {  	v56 =	vsel vm1, $0x3F800000, v11;
	[tilespmem:v23+s12+$0x0] =	vst.idx.msk $0xffff, v12  }
0x364: {  	[tilespmem:v13+s12+$0x0] =	vst.idx.msk $0xffff, v56  }
0x365: {  	[tilespmem:v21+s12+$0x0] =	vst.idx.msk $0xffff, v11  }
0x366: {  	v11 =	vld.idx.msk [tilespmem:v16+s2+$0x0], $0xffff;
	_ =	sdelay $0x1  }
0x367: {  	s16 =	sadd.s32 $0x3, s16  }
0x368: {  	v57 =	vmov s16;
	v58 =	vld.idx.msk [tilespmem:v16+s11+$0x0], $0xffff  }
0x369: {  	v13 =	vshll.u32 v57, $0x3  }
0x36a: {  	v13 =	vadd.s32 v2, v13;
	v59 =	vadd.s32 $0xFFFFFFFC, v11  }
0x36b: {  	v60 =	vor.u32 $0x6, v13;
	vm1 =	vlt.s32 v11, $0x5;
	vm2 =	vlt.u32 v59, $0xFFFFFFFE  }
0x36c: {  	v61 =	vor.u32 $0x7, v13;
	v62 =	vor.u32 $0x4, v13;
	vm2 =	vmand vm1, vm2  }
0x36d: {  	v13 =	vor.u32 $0x5, v13;
	v16 =	vsel vm1, $0x0, v58;
	v63 =	vsel vm2, $0x1, v1  }
0x36e: {  	vm1 =	vlt.s32 v11, $0x4;
	v15 =	vadd.f32 v16, v53;
	v14 =	vor.u32 v63, v14  }
0x36f: {  	v12 =	vadd.f32 v16, v12;
	v24 =	vnsel vm1, $0x4, v11;
	vm1 =	vgt.s32 v14, $0x0  }
0x370: {  	vm3 =	vgt.s32 v11, $0x3;
	v11 =	vcvt.s32.f32 v24;
	v26 =	vsel vm1, $0x0, v15  }
0x371: {  	v12 =	vsel vm2, $0x0, v12;
	vm1 =	vmand vm3, vm1;
	[tilespmem:v62+s12+$0x0] =	vst.idx.msk $0xffff, v26  }
0x372: {  	v27 =	vsel vm1, $0x3F800000, v11;
	[tilespmem:v13+s12+$0x0] =	vst.idx.msk $0xffff, v12  }
0x373: {  	[tilespmem:v60+s12+$0x0] =	vst.idx.msk $0xffff, v27  }
0x374: {  	s28 =	sadd.s32 $0xFFFFFFFC, s15;
	[tilespmem:v61+s12+$0x0] =	vst.idx.msk $0xffff, v11  }
0x375: {  	v29 =	vmov s28;
	v11 =	vld.idx.msk [tilespmem:v25+s2+$0x0], $0xffff  }
0x376: {  	v16 =	vshrl.u32 v29, $0x3  }
0x377: {  	v16 =	vshll.u32 v16, v6  }
0x378: {  	v28 =	vmov s14;
	v16 =	vbroadcast v16, $0x0;
	v17 =	vld.idx.msk [tilespmem:v25+s11+$0x0], $0xffff  }
0x379: {  	v13 =	vshll.u32 v28, $0x3  }
0x37a: {  	v16 =	vadd.s32 v8, v16;
	v13 =	vadd.s32 v2, v13;
	v32 =	vadd.s32 $0xFFFFFFFC, v11  }
0x37b: {  	v30 =	vor.u32 $0x4, v13;
	vm1 =	vlt.s32 v11, $0x5;
	vm2 =	vlt.u32 v32, $0xFFFFFFFE  }
0x37c: {  	v31 =	vor.u32 $0x5, v13;
	v33 =	vor.u32 $0x6, v13;
	vm2 =	vmand vm1, vm2  }
0x37d: {  	v13 =	vor.u32 $0x7, v13;
	v17 =	vsel vm1, $0x0, v17;
	v34 =	vsel vm2, $0x1, v1  }
0x37e: {  	vm1 =	vlt.s32 v11, $0x4;
	v15 =	vadd.f32 v17, v15;
	v14 =	vor.u32 v34, v14  }
0x37f: {  	v12 =	vadd.f32 v17, v12;
	v35 =	vnsel vm1, $0x4, v11;
	vm1 =	vgt.s32 v14, $0x0  }
0x380: {  	vm3 =	vgt.s32 v11, $0x3;
	v36 =	vcvt.s32.f32 v35;
	v11 =	vsel vm1, $0x0, v15  }
0x381: {  	v12 =	vsel vm2, $0x0, v12;
	vm1 =	vmand vm3, vm1;
	[tilespmem:v30+s12+$0x0] =	vst.idx.msk $0xffff, v11  }
0x382: {  	v11 =	vsel vm1, $0x3F800000, v36;
	[tilespmem:v31+s12+$0x0] =	vst.idx.msk $0xffff, v12  }
0x383: {  	[tilespmem:v33+s12+$0x0] =	vst.idx.msk $0xffff, v11  }
0x384: {  	s17 =	sadd.s32 $0xFFFFFFFE, s15;
	[tilespmem:v13+s12+$0x0] =	vst.idx.msk $0xffff, v36  }
0x385: {  	v38 =	vmov s17;
	v11 =	vld.idx.msk [tilespmem:v16+s2+$0x0], $0xffff  }
0x386: {  	v17 =	vshrl.u32 v38, $0x3  }
0x387: {  	s29 =	sadd.s32 $0x1, s14;
	v17 =	vshll.u32 v17, v6  }
0x388: {  	v37 =	vmov s29;
	v17 =	vbroadcast v17, $0x0;
	v16 =	vld.idx.msk [tilespmem:v16+s11+$0x0], $0xffff  }
0x389: {  	v13 =	vshll.u32 v37, $0x3  }
0x38a: {  	v17 =	vadd.s32 v9, v17;
	v13 =	vadd.s32 v2, v13;
	v40 =	vadd.s32 $0xFFFFFFFC, v11  }
0x38b: {  	v39 =	vor.u32 $0x4, v13;
	vm1 =	vlt.s32 v11, $0x5;
	vm2 =	vlt.u32 v40, $0xFFFFFFFE  }
0x38c: {  	v41 =	vor.u32 $0x5, v13;
	v42 =	vor.u32 $0x6, v13;
	vm2 =	vmand vm1, vm2  }
0x38d: {  	v13 =	vor.u32 $0x7, v13;
	v16 =	vsel vm1, $0x0, v16;
	v43 =	vsel vm2, $0x1, v1  }
0x38e: {  	vm1 =	vlt.s32 v11, $0x4;
	v15 =	vadd.f32 v16, v15;
	v14 =	vor.u32 v43, v14  }
0x38f: {  	v12 =	vadd.f32 v16, v12;
	v44 =	vnsel vm1, $0x4, v11;
	vm1 =	vgt.s32 v14, $0x0  }
0x390: {  	vm3 =	vgt.s32 v11, $0x3;
	v45 =	vcvt.s32.f32 v44;
	v11 =	vsel vm1, $0x0, v15  }
0x391: {  	v12 =	vsel vm2, $0x0, v12;
	vm1 =	vmand vm3, vm1;
	[tilespmem:v39+s12+$0x0] =	vst.idx.msk $0xffff, v11  }
0x392: {  	v11 =	vsel vm1, $0x3F800000, v45;
	[tilespmem:v41+s12+$0x0] =	vst.idx.msk $0xffff, v12  }
0x393: {  	[tilespmem:v42+s12+$0x0] =	vst.idx.msk $0xffff, v11  }
0x394: {  	[tilespmem:v13+s12+$0x0] =	vst.idx.msk $0xffff, v45  }
0x395: {  	v47 =	vmov s15;
	v11 =	vld.idx.msk [tilespmem:v17+s2+$0x0], $0xffff  }
0x396: {  	v16 =	vshrl.u32 v47, $0x3  }
0x397: {  	s30 =	sadd.s32 $0x2, s14;
	v16 =	vshll.u32 v16, v6  }
0x398: {  	v46 =	vmov s30;
	v16 =	vbroadcast v16, $0x0;
	v17 =	vld.idx.msk [tilespmem:v17+s11+$0x0], $0xffff  }
0x399: {  	v13 =	vshll.u32 v46, $0x3  }
0x39a: {  	v16 =	vadd.s32 v10, v16;
	v13 =	vadd.s32 v2, v13;
	v50 =	vadd.s32 $0xFFFFFFFC, v11  }
0x39b: {  	v48 =	vor.u32 $0x6, v13;
	vm1 =	vlt.s32 v11, $0x5;
	vm2 =	vlt.u32 v50, $0xFFFFFFFE  }
0x39c: {  	v49 =	vor.u32 $0x4, v13;
	v51 =	vor.u32 $0x5, v13;
	vm2 =	vmand vm1, vm2  }
0x39d: {  	v13 =	vor.u32 $0x7, v13;
	v17 =	vsel vm1, $0x0, v17;
	v52 =	vsel vm2, $0x1, v1  }
0x39e: {  	vm1 =	vlt.s32 v11, $0x4;
	v15 =	vadd.f32 v17, v15;
	v14 =	vor.u32 v52, v14  }
0x39f: {  	v12 =	vadd.f32 v17, v12;
	v53 =	vnsel vm1, $0x4, v11;
	vm1 =	vgt.s32 v14, $0x0  }
0x3a0: {  	vm3 =	vgt.s32 v11, $0x3;
	v11 =	vcvt.s32.f32 v53;
	v54 =	vsel vm1, $0x0, v15  }
0x3a1: {  	v12 =	vsel vm2, $0x0, v12;
	vm1 =	vmand vm3, vm1;
	[tilespmem:v49+s12+$0x0] =	vst.idx.msk $0xffff, v54  }
0x3a2: {  	v55 =	vsel vm1, $0x3F800000, v11;
	[tilespmem:v51+s12+$0x0] =	vst.idx.msk $0xffff, v12  }
0x3a3: {  	[tilespmem:v48+s12+$0x0] =	vst.idx.msk $0xffff, v55  }
0x3a4: {  	[tilespmem:v13+s12+$0x0] =	vst.idx.msk $0xffff, v11  }
0x3a5: {  	v11 =	vld.idx.msk [tilespmem:v16+s2+$0x0], $0xffff;
	_ =	sdelay $0x1  }
0x3a6: {  	s31 =	sadd.s32 $0x3, s14  }
0x3a7: {  	v56 =	vmov s31;
	v16 =	vld.idx.msk [tilespmem:v16+s11+$0x0], $0xffff  }
0x3a8: {  	v13 =	vshll.u32 v56, $0x3  }
0x3a9: {  	v13 =	vadd.s32 v2, v13;
	v57 =	vadd.s32 $0xFFFFFFFC, v11  }
0x3aa: {  	v58 =	vor.u32 $0x6, v13;
	vm1 =	vlt.s32 v11, $0x5;
	vm2 =	vlt.u32 v57, $0xFFFFFFFE  }
0x3ab: {  	v59 =	vor.u32 $0x7, v13;
	v60 =	vor.u32 $0x4, v13;
	vm2 =	vmand vm1, vm2  }
0x3ac: {  	v13 =	vor.u32 $0x5, v13;
	v16 =	vsel vm1, $0x0, v16;
	v61 =	vsel vm2, $0x1, v1  }
0x3ad: {  	vm1 =	vlt.s32 v11, $0x4;
	v15 =	vadd.f32 v16, v15;
	v14 =	vor.u32 v61, v14  }
0x3ae: {  	v12 =	vadd.f32 v16, v12;
	v62 =	vnsel vm1, $0x4, v11;
	vm1 =	vgt.s32 v14, $0x0  }
0x3af: {  	vm3 =	vgt.s32 v11, $0x3;
	v11 =	vcvt.s32.f32 v62;
	v14 =	vsel vm1, $0x0, v15  }
0x3b0: {  	v12 =	vsel vm2, $0x0, v12;
	vm1 =	vmand vm3, vm1;
	[tilespmem:v60+s12+$0x0] =	vst.idx.msk $0xffff, v14  }
0x3b1: {  	v63 =	vsel vm1, $0x3F800000, v11;
	[tilespmem:v13+s12+$0x0] =	vst.idx.msk $0xffff, v12  }
0x3b2: {  	s13 =	sadd.s32 $0x1, s13;
	[tilespmem:v58+s12+$0x0] =	vst.idx.msk $0xffff, v63  }
0x3b3: {  	p0 =	sne.s32 s13, s9;
	[tilespmem:v59+s12+$0x0] =	vst.idx.msk $0xffff, v11  }
0x3b4: {  	[hbm4b:s8+s2] =	stream.linear.scatter [tilespmem:s12], [sflag:$0x1], $0x6400, $0x38;
	[tilespmem:$0x9600] =	vst v63  }
.Ltmp7:
0x3b5: {  	_ = 	snop;
	(pc) =	sbr.rel @p0 .LBB2_1-.Ltmp7, $4  }
.Ltmp8:
0x3b6: {  	_ = 	snop;
	(pc) =	sbr.rel @!p0 .LBB2_16-.Ltmp8, $4  }
0x3b7: {  	_ =	swait.ge [sflag:s10], $0x6400  }
0x3b8: {  	[sflag:s10] =	ssyncset.done $0x0  }
0x3b9: {  	[sflag:s10] =	ssyncadd.s32 $0xFFFF9C00  }
0x3ba: {  	_ = 	snop  }
.LBB2_4:
.Ltmp9:
0x3bb: {  	(pc) =	sbr.rel .LBB2_11-.Ltmp9, $2  }
0x3bc: {  	_ =	sdelay $0x2  }
0x3bd: {  	s15 =	simm.s32 $0x0  }
.LBB2_6:
.Ltmp10:
0x3be: {  	(pc) =	sbr.rel .LBB2_11-.Ltmp10, $2  }
0x3bf: {  	_ =	sdelay $0x2  }
0x3c0: {  	v40 =	vmov v17;
	s15 =	simm.s32 $0x4;
	v17 =	vmov v13  }
.LBB2_8:
.Ltmp11:
0x3c1: {  	(pc) =	sbr.rel .LBB2_11-.Ltmp11, $2  }
0x3c2: {  	_ =	sdelay $0x2  }
0x3c3: {  	v40 =	vmovc v13;
	v34 =	vmovc v15;
	v35 =	vmov v16;
	v36 =	vmov v14;
	s16 =	simm.s32 $0x4;
	v31 =	vmov v27  }
.LBB2_16:
0x3c4: {  	_ =	sfence.sel $0x180000  }
0x3c5: {  	[bflag:$0x0] =	sbarrier.arrive $0xFFFF  }
0x3c6: {  	p0 =	sne.s32 s1, $0x0;
	_ =	strace $0x90000047  }
0x3c7: {  	s0 =	sadd.s32 @!p0 $0x100000, s0;
	[bflag:$0x2] =	sbarrier.arrive $0xFFFF  }
0x3c8: {  	[sflag:s0] =	ssyncadd.tile.s32 @!p0 $0x1;
	_ =	shalt  }
.Lfunc_end2:
_tile_overlayer_lowered:
.L_overlay_start_2:
0x3c9: {  	(tag) =	ssettag $0x2  }
0x3ca: {  	s0 =	rddreg [dreg:$0x0];
	s2 =	stileid.u32  }
0x3cb: {  	s1 =	rddreg [dreg:$0x1];
	p0 =	sne.s32 s2, $0x0  }
0x3cc: {  	s3 =	rddreg [dreg:$0x2];
	[bflag:$0x3] =	sbarrier.arrive $0xFFFF;
	s2 =	simm.s32 @!p0 $0x1C01  }
0x3cd: {  	[timem:s3], [sflag:s2] =	dma.local @!p0 [hbm:s0], s1  }
0x3ce: {  	s0 =	simm.s32 @!p0 $0x1  }
0x3cf: {  	_ =	swait.ge @!p0 [sflag:s0], s1  }
0x3d0: {  	s1 =	ssub.s32 @!p0 $0x0, s1;
	[sflag:s0] =	ssyncset.done @!p0 $0x0  }
0x3d1: {  	[sflag:s0] =	ssyncadd.s32 @!p0 s1  }
0x3d2: {  	[bflag:$0x3] =	sbarrier.arrive $0xFFFF  }
0x3d3: {  	_ =	shalt  }

</sc_bundles>
